<compile_context>
chip_gen: v7x
topology: tpu7x:2x2x1
jax: 0.10.2.dev20260603
libtpu: 0.0.44.dev20260713+nightly
codegen_flags: <defaults>
</compile_context>

<pallas_src>
import functools

import jax
import jax.numpy as jnp
from jax import lax
from jax.experimental import pallas as pl
from jax.experimental.pallas import tpu as pltpu
from jax.experimental.pallas import tpu_sc as plsc

N = 10000
D = 128
E = 320000
NC = 2
NS = 16
NW = NC * NS
C = 128
CH = 80
EPAD = NW * CH * C
NPAD = 10240
RPT = NPAD // NS
DEGW = 16

_mesh = plsc.VectorSubcoreMesh(core_axis_name="c", subcore_axis_name="s")


def _sc_agg_body(with_deg, *refs):
    if with_deg:
        (x_hbm, pk_hbm, agg_out, deg_out,
         pk_v, src_v, dst_v, rows_v, zrow_v, agg_s, gs0, ss0) = refs
    else:
        (x_hbm, pk_hbm, agg_out,
         pk_v, src_v, dst_v, rows_v, zrow_v, agg_s, gs0, ss0) = refs
        deg_out = None

    cid = lax.axis_index("c")
    sid = lax.axis_index("s")
    wid = sid * NC + cid
    ZW = 4

    zf = jnp.zeros((16,), jnp.float32)
    for r in range(8):
        for g in range(D // 16):
            zrow_v[r, pl.ds(g * 16, 16)] = zf

    def zero_body(k, _):
        @pl.when(k >= ZW)
        def _():
            pltpu.make_async_copy(zrow_v, agg_s.at[pl.ds(0, 8)], ss0).wait()

        pltpu.async_copy(zrow_v, agg_s.at[pl.ds(sid * RPT + k * 8, 8)], ss0)
        return 0

    def zero_drain(k, _):
        pltpu.make_async_copy(zrow_v, agg_s.at[pl.ds(0, 8)], ss0).wait()
        return 0

    def zero_all():
        lax.fori_loop(0, RPT // 8, zero_body, 0)
        lax.fori_loop(0, ZW, zero_drain, 0)

    def dump(out_ref):
        base = sid * RPT
        pltpu.sync_copy(agg_s.at[pl.ds(base, RPT)],
                        out_ref.at[cid, pl.ds(base, RPT)])

    def unpack(j, slot):
        for g in range(C // 16):
            v = pk_v[j, pl.ds(g * 16, 16)]
            src_v[slot, pl.ds(g * 16, 16)] = v & 0x3FFF
            dst_v[slot, pl.ds(g * 16, 16)] = lax.shift_right_logical(v, 14)

    lax.fori_loop(0, RPT // 8, zero_body, 0)

    pltpu.sync_copy(pk_hbm.at[wid], pk_v)
    lax.fori_loop(0, ZW, zero_drain, 0)

    if with_deg:
        of = jnp.ones((16,), jnp.float32)

        def ones_fill(r, _):
            for g in range(D // 16):
                rows_v[0, r, pl.ds(g * 16, 16)] = of
            return 0

        lax.fori_loop(0, C, ones_fill, 0)
        plsc.subcore_barrier()

        def deg_body(j, _):
            p = lax.rem(j, 2)
            unpack(j, p)

            @pl.when(j >= 1)
            def _():
                pltpu.make_async_copy(rows_v.at[0], agg_s.at[dst_v.at[0]],
                                      ss0).wait()

            pltpu.async_copy(rows_v.at[0], agg_s.at[dst_v.at[p]], ss0,
                             add=True)
            return 0

        lax.fori_loop(0, CH, deg_body, 0)
        pltpu.make_async_copy(rows_v.at[0], agg_s.at[dst_v.at[0]],
                              ss0).wait()
        plsc.subcore_barrier()
        dump(deg_out)
        plsc.subcore_barrier()
        zero_all()

    plsc.subcore_barrier()

    unpack(0, 0)
    pltpu.async_copy(x_hbm.at[src_v.at[0]], rows_v.at[0], gs0)

    def edge_body(j, _):
        p = lax.rem(j, 2)
        pltpu.make_async_copy(x_hbm.at[src_v.at[p]], rows_v.at[p],
                              gs0).wait()

        @pl.when(j >= 1)
        def _():
            pltpu.make_async_copy(rows_v.at[0], agg_s.at[dst_v.at[0]],
                                  ss0).wait()

        @pl.when(j < CH - 1)
        def _():
            unpack(j + 1, 1 - p)
            pltpu.async_copy(x_hbm.at[src_v.at[1 - p]], rows_v.at[1 - p],
                             gs0)

        pltpu.async_copy(rows_v.at[p], agg_s.at[dst_v.at[p]], ss0, add=True)
        return 0

    lax.fori_loop(0, CH, edge_body, 0)
    pltpu.make_async_copy(rows_v.at[0], agg_s.at[dst_v.at[0]], ss0).wait()
    plsc.subcore_barrier()

    dump(agg_out)


def _make_sc_agg(with_deg):
    if with_deg:
        out_type = (jax.ShapeDtypeStruct((NC, NPAD, D), jnp.float32),
                    jax.ShapeDtypeStruct((NC, NPAD, D), jnp.float32))
    else:
        out_type = jax.ShapeDtypeStruct((NC, NPAD, D), jnp.float32)
    return pl.kernel(
        functools.partial(_sc_agg_body, with_deg),
        out_type=out_type,
        mesh=_mesh,
        scratch_types=[
            pltpu.VMEM((CH, C), jnp.int32),
            pltpu.VMEM((2, C), jnp.int32),
            pltpu.VMEM((2, C), jnp.int32),
            pltpu.VMEM((2, C, D), jnp.float32),
            pltpu.VMEM((8, D), jnp.float32),
            pltpu.VMEM_SHARED((NPAD, D), jnp.float32),
            pltpu.SemaphoreType.DMA,
            pltpu.SemaphoreType.DMA,
        ],
    )


_sc_agg_deg = _make_sc_agg(True)
_sc_agg = _make_sc_agg(False)


_BR = 1024


def _tc_body(relu, x_ref, p_ref, d_ref, ws_ref, wn_ref, b_ref, o_ref):
    agg = p_ref[0] + p_ref[1]
    deg = d_ref[0, :, 0:1] + d_ref[1, :, 0:1]
    hn = agg / jnp.maximum(deg, 1.0)
    acc = jnp.dot(x_ref[...], ws_ref[...], preferred_element_type=jnp.float32)
    acc = acc + jnp.dot(hn, wn_ref[...], preferred_element_type=jnp.float32)
    acc = acc + b_ref[...]
    if relu:
        acc = jnp.maximum(acc, 0.0)
    o_ref[...] = acc


def _tc_layer(x, aggp, degp, w_self, w_neigh, b, relu):
    fn = pl.pallas_call(
        functools.partial(_tc_body, relu),
        grid=(NPAD // _BR,),
        in_specs=[
            pl.BlockSpec((_BR, D), lambda i: (i, 0)),
            pl.BlockSpec((NC, _BR, D), lambda i: (0, i, 0)),
            pl.BlockSpec((NC, _BR, DEGW), lambda i: (0, i, 0)),
            pl.BlockSpec((D, D), lambda i: (0, 0)),
            pl.BlockSpec((D, D), lambda i: (0, 0)),
            pl.BlockSpec((1, D), lambda i: (0, 0)),
        ],
        out_specs=pl.BlockSpec((_BR, D), lambda i: (i, 0)),
        out_shape=jax.ShapeDtypeStruct((NPAD, D), jnp.float32),
    )
    return fn(x, aggp, degp, w_self, w_neigh, b.reshape(1, D))


def kernel(in_feat, W_self1, W_neigh1, b1, W_self2, W_neigh2, b2, edge_index):
    src = edge_index[0].astype(jnp.int32)
    dst = edge_index[1].astype(jnp.int32)
    pad = EPAD - E
    pad_iota = jnp.arange(pad, dtype=jnp.int32)
    src_r = jnp.concatenate([src, pad_iota % N]).reshape(NW, CH, C)
    dst_r = jnp.concatenate([dst, N + pad_iota % (NPAD - N)]).reshape(NW, CH, C)
    x_pad = jnp.pad(in_feat, ((0, NPAD - N), (0, 0)))

    pk_r = jnp.bitwise_or(jnp.left_shift(dst_r, 14), src_r)

    aggp1, degp1f = _sc_agg_deg(x_pad, pk_r)
    degp1 = degp1f[:, :, :DEGW]
    h1 = _tc_layer(x_pad, aggp1, degp1, W_self1, W_neigh1, b1, relu=True)
    aggp2 = _sc_agg(h1, pk_r)
    out = _tc_layer(h1, aggp2, degp1, W_self2, W_neigh2, b2, relu=False)
    return out[:N]

# --- scband reference (transcript-rebuilt; emitter-appended) ---
"""Pipeline reference for scband-graph-sage-71236327571567 (READ-ONLY COPY).

The authoritative reference and input builder live on the scoring server;
editing this copy changes nothing except your own understanding.
"""

import jax, jax.numpy as jnp
import numpy as np

N = 10000
E = 320000
D_IN = 128
D_H = 128
D_OUT = 128


def _uniform(key, shape, fan_in):
    s = 1.0 / np.sqrt(fan_in)
    return jax.random.uniform(key, shape, minval=-s, maxval=s, dtype=jnp.float32)


def setup_inputs(seed: int = 0) -> dict:
    key = jax.random.key(seed)
    ks = jax.random.split(key, 9)
    in_feat = jax.random.normal(ks[0], (N, D_IN), dtype=jnp.float32)
    edge_index = jax.random.randint(ks[1], (2, E), 0, N)
    W_self1 = _uniform(ks[2], (D_IN, D_H), D_IN)
    W_neigh1 = _uniform(ks[3], (D_IN, D_H), D_IN)
    b1 = jnp.zeros((D_H,), dtype=jnp.float32)
    W_self2 = _uniform(ks[4], (D_H, D_OUT), D_H)
    W_neigh2 = _uniform(ks[5], (D_H, D_OUT), D_H)
    b2 = jnp.zeros((D_OUT,), dtype=jnp.float32)
    return {
        "in_feat": in_feat,
        "W_self1": W_self1,
        "W_neigh1": W_neigh1,
        "b1": b1,
        "W_self2": W_self2,
        "W_neigh2": W_neigh2,
        "b2": b2,
        "edge_index": edge_index,
    }


def _sage_conv(x, edge_index, W_self, W_neigh, b):
    src = edge_index[0]
    dst = edge_index[1]
    # gather source-node features along each edge (SpC gather)
    msg = jnp.take(x, src, axis=0)
    # mean aggregation over destination nodes (SpC scatter-add / segment_sum)
    agg = jax.ops.segment_sum(msg, dst, num_segments=x.shape[0])
    deg = jax.ops.segment_sum(jnp.ones((edge_index.shape[1],), dtype=x.dtype), dst, num_segments=x.shape[0])
    h_neigh = agg / jnp.clip(deg, 1.0, None)[:, None]
    return x @ W_self + h_neigh @ W_neigh + b


def reference(in_feat, W_self1, W_neigh1, b1, W_self2, W_neigh2, b2, edge_index):
    h = _sage_conv(in_feat, edge_index, W_self1, W_neigh1, b1)
    h = jax.nn.relu(h)
    # dropout: identity (module evaluated in eval mode / deterministic reference)
    h = _sage_conv(h, edge_index, W_self2, W_neigh2, b2)
    return h

if __name__ == "__main__":
    import jax
    _d = setup_inputs()
    print(jax.jit(kernel)(*tuple(_d.values())))

</pallas_src>

<mosaic_0001>
#map = affine_map<(d0, d1) -> (0, 0)>
#map1 = affine_map<(d0, d1) -> (0, 0, 0)>
module attributes {stable_mosaic.version = 14 : i64} {
  func.func @_sc_agg_body(%arg0: i32, %arg1: i32, %arg2: memref<10240x128xf32, #tpu.memory_space<hbm>>, %arg3: memref<32x80x128xi32, #tpu.memory_space<hbm>>, %arg4: memref<2x10240x128xf32, #tpu.memory_space<hbm>>, %arg5: memref<2x10240x128xf32, #tpu.memory_space<hbm>>, %arg6: memref<80x128xi32, #tpu.memory_space<vmem>>, %arg7: memref<2x128xi32, #tpu.memory_space<vmem>>, %arg8: memref<2x128xi32, #tpu.memory_space<vmem>>, %arg9: memref<2x128x128xf32, #tpu.memory_space<vmem>>, %arg10: memref<8x128xf32, #tpu.memory_space<vmem>>, %arg11: memref<10240x128xf32, #tpu.memory_space<vmem_shared>>, %arg12: memref<!tpu.dma_semaphore, #tpu.memory_space<semaphore_mem>>, %arg13: memref<!tpu.dma_semaphore, #tpu.memory_space<semaphore_mem>>) attributes {dimension_semantics = [#tpu.dimension_semantics<core_parallel>, #tpu.dimension_semantics<subcore_parallel>], iteration_bounds = array<i64: 2, 16>, scalar_prefetch = 0 : i64, scratch_operands = 8 : i64, tpu.core_type = #tpu.core_type<sc_vector_subcore>, window_params = [{transform_indices = #map}, {transform_indices = #map1}, {transform_indices = #map1}, {transform_indices = #map1}]} {
    %mul3A = arith.constant 2 : i32
    %mul3A_0 = arith.muli %arg1, %mul3A : i32
    %add3A = arith.addi %mul3A_0, %arg0 : i32
    %broadcast_in_dim3A = arith.constant 0.000000e+00 : f32
    %broadcast_in_dim3A_1 = vector.broadcast %broadcast_in_dim3A : f32 to vector<16xf32>
    %swap3A = arith.constant 0 : i32
    %swap3A_2 = arith.index_cast %swap3A : i32 to index
    %swap3A_3 = arith.constant 0 : index
    %swap3A_4 = tpu.vector_load %arg10[%swap3A_2, %swap3A_3] {strides = array<i32>} : memref<8x128xf32, #tpu.memory_space<vmem>>, vector<1x16xf32>,
    %swap3A_5 = vector.shape_cast %swap3A_4 : vector<1x16xf32> to vector<16xf32>
    %swap3A_6 = vector.shape_cast %broadcast_in_dim3A_1 : vector<16xf32> to vector<1x16xf32>
    tpu.vector_store %arg10[%swap3A_2, %swap3A_3], %swap3A_6 {strides = array<i32>} : memref<8x128xf32, #tpu.memory_space<vmem>>, vector<1x16xf32>,
    %swap3A_7 = arith.constant 0 : i32
    %swap3A_8 = arith.index_cast %swap3A_7 : i32 to index
    %swap3A_9 = arith.constant 16 : index
    %swap3A_10 = tpu.vector_load %arg10[%swap3A_8, %swap3A_9] {strides = array<i32>} : memref<8x128xf32, #tpu.memory_space<vmem>>, vector<1x16xf32>,
    %swap3A_11 = vector.shape_cast %swap3A_10 : vector<1x16xf32> to vector<16xf32>
    %swap3A_12 = vector.shape_cast %broadcast_in_dim3A_1 : vector<16xf32> to vector<1x16xf32>
    tpu.vector_store %arg10[%swap3A_8, %swap3A_9], %swap3A_12 {strides = array<i32>} : memref<8x128xf32, #tpu.memory_space<vmem>>, vector<1x16xf32>,
    %swap3A_13 = arith.constant 0 : i32
    %swap3A_14 = arith.index_cast %swap3A_13 : i32 to index
    %swap3A_15 = arith.constant 32 : index
    %swap3A_16 = tpu.vector_load %arg10[%swap3A_14, %swap3A_15] {strides = array<i32>} : memref<8x128xf32, #tpu.memory_space<vmem>>, vector<1x16xf32>,
    %swap3A_17 = vector.shape_cast %swap3A_16 : vector<1x16xf32> to vector<16xf32>
    %swap3A_18 = vector.shape_cast %broadcast_in_dim3A_1 : vector<16xf32> to vector<1x16xf32>
    tpu.vector_store %arg10[%swap3A_14, %swap3A_15], %swap3A_18 {strides = array<i32>} : memref<8x128xf32, #tpu.memory_space<vmem>>, vector<1x16xf32>,
    %swap3A_19 = arith.constant 0 : i32
    %swap3A_20 = arith.index_cast %swap3A_19 : i32 to index
    %swap3A_21 = arith.constant 48 : index
    %swap3A_22 = tpu.vector_load %arg10[%swap3A_20, %swap3A_21] {strides = array<i32>} : memref<8x128xf32, #tpu.memory_space<vmem>>, vector<1x16xf32>,
    %swap3A_23 = vector.shape_cast %swap3A_22 : vector<1x16xf32> to vector<16xf32>
    %swap3A_24 = vector.shape_cast %broadcast_in_dim3A_1 : vector<16xf32> to vector<1x16xf32>
    tpu.vector_store %arg10[%swap3A_20, %swap3A_21], %swap3A_24 {strides = array<i32>} : memref<8x128xf32, #tpu.memory_space<vmem>>, vector<1x16xf32>,
    %swap3A_25 = arith.constant 0 : i32
    %swap3A_26 = arith.index_cast %swap3A_25 : i32 to index
    %swap3A_27 = arith.constant 64 : index
    %swap3A_28 = tpu.vector_load %arg10[%swap3A_26, %swap3A_27] {strides = array<i32>} : memref<8x128xf32, #tpu.memory_space<vmem>>, vector<1x16xf32>,
    %swap3A_29 = vector.shape_cast %swap3A_28 : vector<1x16xf32> to vector<16xf32>
    %swap3A_30 = vector.shape_cast %broadcast_in_dim3A_1 : vector<16xf32> to vector<1x16xf32>
    tpu.vector_store %arg10[%swap3A_26, %swap3A_27], %swap3A_30 {strides = array<i32>} : memref<8x128xf32, #tpu.memory_space<vmem>>, vector<1x16xf32>,
    %swap3A_31 = arith.constant 0 : i32
    %swap3A_32 = arith.index_cast %swap3A_31 : i32 to index
    %swap3A_33 = arith.constant 80 : index
    %swap3A_34 = tpu.vector_load %arg10[%swap3A_32, %swap3A_33] {strides = array<i32>} : memref<8x128xf32, #tpu.memory_space<vmem>>, vector<1x16xf32>,
    %swap3A_35 = vector.shape_cast %swap3A_34 : vector<1x16xf32> to vector<16xf32>
    %swap3A_36 = vector.shape_cast %broadcast_in_dim3A_1 : vector<16xf32> to vector<1x16xf32>
    tpu.vector_store %arg10[%swap3A_32, %swap3A_33], %swap3A_36 {strides = array<i32>} : memref<8x128xf32, #tpu.memory_space<vmem>>, vector<1x16xf32>,
    %swap3A_37 = arith.constant 0 : i32
    %swap3A_38 = arith.index_cast %swap3A_37 : i32 to index
    %swap3A_39 = arith.constant 96 : index
    %swap3A_40 = tpu.vector_load %arg10[%swap3A_38, %swap3A_39] {strides = array<i32>} : memref<8x128xf32, #tpu.memory_space<vmem>>, vector<1x16xf32>,
    %swap3A_41 = vector.shape_cast %swap3A_40 : vector<1x16xf32> to vector<16xf32>
    %swap3A_42 = vector.shape_cast %broadcast_in_dim3A_1 : vector<16xf32> to vector<1x16xf32>
    tpu.vector_store %arg10[%swap3A_38, %swap3A_39], %swap3A_42 {strides = array<i32>} : memref<8x128xf32, #tpu.memory_space<vmem>>, vector<1x16xf32>,
    %swap3A_43 = arith.constant 0 : i32
    %swap3A_44 = arith.index_cast %swap3A_43 : i32 to index
    %swap3A_45 = arith.constant 112 : index
    %swap3A_46 = tpu.vector_load %arg10[%swap3A_44, %swap3A_45] {strides = array<i32>} : memref<8x128xf32, #tpu.memory_space<vmem>>, vector<1x16xf32>,
    %swap3A_47 = vector.shape_cast %swap3A_46 : vector<1x16xf32> to vector<16xf32>
    %swap3A_48 = vector.shape_cast %broadcast_in_dim3A_1 : vector<16xf32> to vector<1x16xf32>
    tpu.vector_store %arg10[%swap3A_44, %swap3A_45], %swap3A_48 {strides = array<i32>} : memref<8x128xf32, #tpu.memory_space<vmem>>, vector<1x16xf32>,
    %swap3A_49 = arith.constant 1 : i32
    %swap3A_50 = arith.index_cast %swap3A_49 : i32 to index
    %swap3A_51 = arith.constant 0 : index
    %swap3A_52 = tpu.vector_load %arg10[%swap3A_50, %swap3A_51] {strides = array<i32>} : memref<8x128xf32, #tpu.memory_space<vmem>>, vector<1x16xf32>,
    %swap3A_53 = vector.shape_cast %swap3A_52 : vector<1x16xf32> to vector<16xf32>
    %swap3A_54 = vector.shape_cast %broadcast_in_dim3A_1 : vector<16xf32> to vector<1x16xf32>
    tpu.vector_store %arg10[%swap3A_50, %swap3A_51], %swap3A_54 {strides = array<i32>} : memref<8x128xf32, #tpu.memory_space<vmem>>, vector<1x16xf32>,
    %swap3A_55 = arith.constant 1 : i32
    %swap3A_56 = arith.index_cast %swap3A_55 : i32 to index
    %swap3A_57 = arith.constant 16 : index
    %swap3A_58 = tpu.vector_load %arg10[%swap3A_56, %swap3A_57] {strides = array<i32>} : memref<8x128xf32, #tpu.memory_space<vmem>>, vector<1x16xf32>,
    %swap3A_59 = vector.shape_cast %swap3A_58 : vector<1x16xf32> to vector<16xf32>
    %swap3A_60 = vector.shape_cast %broadcast_in_dim3A_1 : vector<16xf32> to vector<1x16xf32>
    tpu.vector_store %arg10[%swap3A_56, %swap3A_57], %swap3A_60 {strides = array<i32>} : memref<8x128xf32, #tpu.memory_space<vmem>>, vector<1x16xf32>,
    %swap3A_61 = arith.constant 1 : i32
    %swap3A_62 = arith.index_cast %swap3A_61 : i32 to index
    %swap3A_63 = arith.constant 32 : index
    %swap3A_64 = tpu.vector_load %arg10[%swap3A_62, %swap3A_63] {strides = array<i32>} : memref<8x128xf32, #tpu.memory_space<vmem>>, vector<1x16xf32>,
    %swap3A_65 = vector.shape_cast %swap3A_64 : vector<1x16xf32> to vector<16xf32>
    %swap3A_66 = vector.shape_cast %broadcast_in_dim3A_1 : vector<16xf32> to vector<1x16xf32>
    tpu.vector_store %arg10[%swap3A_62, %swap3A_63], %swap3A_66 {strides = array<i32>} : memref<8x128xf32, #tpu.memory_space<vmem>>, vector<1x16xf32>,
    %swap3A_67 = arith.constant 1 : i32
    %swap3A_68 = arith.index_cast %swap3A_67 : i32 to index
    %swap3A_69 = arith.constant 48 : index
    %swap3A_70 = tpu.vector_load %arg10[%swap3A_68, %swap3A_69] {strides = array<i32>} : memref<8x128xf32, #tpu.memory_space<vmem>>, vector<1x16xf32>,
    %swap3A_71 = vector.shape_cast %swap3A_70 : vector<1x16xf32> to vector<16xf32>
    %swap3A_72 = vector.shape_cast %broadcast_in_dim3A_1 : vector<16xf32> to vector<1x16xf32>
    tpu.vector_store %arg10[%swap3A_68, %swap3A_69], %swap3A_72 {strides = array<i32>} : memref<8x128xf32, #tpu.memory_space<vmem>>, vector<1x16xf32>,
    %swap3A_73 = arith.constant 1 : i32
    %swap3A_74 = arith.index_cast %swap3A_73 : i32 to index
    %swap3A_75 = arith.constant 64 : index
    %swap3A_76 = tpu.vector_load %arg10[%swap3A_74, %swap3A_75] {strides = array<i32>} : memref<8x128xf32, #tpu.memory_space<vmem>>, vector<1x16xf32>,
    %swap3A_77 = vector.shape_cast %swap3A_76 : vector<1x16xf32> to vector<16xf32>
    %swap3A_78 = vector.shape_cast %broadcast_in_dim3A_1 : vector<16xf32> to vector<1x16xf32>
    tpu.vector_store %arg10[%swap3A_74, %swap3A_75], %swap3A_78 {strides = array<i32>} : memref<8x128xf32, #tpu.memory_space<vmem>>, vector<1x16xf32>,
    %swap3A_79 = arith.constant 1 : i32
    %swap3A_80 = arith.index_cast %swap3A_79 : i32 to index
    %swap3A_81 = arith.constant 80 : index
    %swap3A_82 = tpu.vector_load %arg10[%swap3A_80, %swap3A_81] {strides = array<i32>} : memref<8x128xf32, #tpu.memory_space<vmem>>, vector<1x16xf32>,
    %swap3A_83 = vector.shape_cast %swap3A_82 : vector<1x16xf32> to vector<16xf32>
    %swap3A_84 = vector.shape_cast %broadcast_in_dim3A_1 : vector<16xf32> to vector<1x16xf32>
    tpu.vector_store %arg10[%swap3A_80, %swap3A_81], %swap3A_84 {strides = array<i32>} : memref<8x128xf32, #tpu.memory_space<vmem>>, vector<1x16xf32>,
    %swap3A_85 = arith.constant 1 : i32
    %swap3A_86 = arith.index_cast %swap3A_85 : i32 to index
    %swap3A_87 = arith.constant 96 : index
    %swap3A_88 = tpu.vector_load %arg10[%swap3A_86, %swap3A_87] {strides = array<i32>} : memref<8x128xf32, #tpu.memory_space<vmem>>, vector<1x16xf32>,
    %swap3A_89 = vector.shape_cast %swap3A_88 : vector<1x16xf32> to vector<16xf32>
    %swap3A_90 = vector.shape_cast %broadcast_in_dim3A_1 : vector<16xf32> to vector<1x16xf32>
    tpu.vector_store %arg10[%swap3A_86, %swap3A_87], %swap3A_90 {strides = array<i32>} : memref<8x128xf32, #tpu.memory_space<vmem>>, vector<1x16xf32>,
    %swap3A_91 = arith.constant 1 : i32
    %swap3A_92 = arith.index_cast %swap3A_91 : i32 to index
    %swap3A_93 = arith.constant 112 : index
    %swap3A_94 = tpu.vector_load %arg10[%swap3A_92, %swap3A_93] {strides = array<i32>} : memref<8x128xf32, #tpu.memory_space<vmem>>, vector<1x16xf32>,
    %swap3A_95 = vector.shape_cast %swap3A_94 : vector<1x16xf32> to vector<16xf32>
    %swap3A_96 = vector.shape_cast %broadcast_in_dim3A_1 : vector<16xf32> to vector<1x16xf32>
    tpu.vector_store %arg10[%swap3A_92, %swap3A_93], %swap3A_96 {strides = array<i32>} : memref<8x128xf32, #tpu.memory_space<vmem>>, vector<1x16xf32>,
    %swap3A_97 = arith.constant 2 : i32
    %swap3A_98 = arith.index_cast %swap3A_97 : i32 to index
    %swap3A_99 = arith.constant 0 : index
    %swap3A_100 = tpu.vector_load %arg10[%swap3A_98, %swap3A_99] {strides = array<i32>} : memref<8x128xf32, #tpu.memory_space<vmem>>, vector<1x16xf32>,
    %swap3A_101 = vector.shape_cast %swap3A_100 : vector<1x16xf32> to vector<16xf32>
    %swap3A_102 = vector.shape_cast %broadcast_in_dim3A_1 : vector<16xf32> to vector<1x16xf32>
    tpu.vector_store %arg10[%swap3A_98, %swap3A_99], %swap3A_102 {strides = array<i32>} : memref<8x128xf32, #tpu.memory_space<vmem>>, vector<1x16xf32>,
    %swap3A_103 = arith.constant 2 : i32
    %swap3A_104 = arith.index_cast %swap3A_103 : i32 to index
    %swap3A_105 = arith.constant 16 : index
    %swap3A_106 = tpu.vector_load %arg10[%swap3A_104, %swap3A_105] {strides = array<i32>} : memref<8x128xf32, #tpu.memory_space<vmem>>, vector<1x16xf32>,
    %swap3A_107 = vector.shape_cast %swap3A_106 : vector<1x16xf32> to vector<16xf32>
    %swap3A_108 = vector.shape_cast %broadcast_in_dim3A_1 : vector<16xf32> to vector<1x16xf32>
    tpu.vector_store %arg10[%swap3A_104, %swap3A_105], %swap3A_108 {strides = array<i32>} : memref<8x128xf32, #tpu.memory_space<vmem>>, vector<1x16xf32>,
    %swap3A_109 = arith.constant 2 : i32
    %swap3A_110 = arith.index_cast %swap3A_109 : i32 to index
    %swap3A_111 = arith.constant 32 : index
    %swap3A_112 = tpu.vector_load %arg10[%swap3A_110, %swap3A_111] {strides = array<i32>} : memref<8x128xf32, #tpu.memory_space<vmem>>, vector<1x16xf32>,
    %swap3A_113 = vector.shape_cast %swap3A_112 : vector<1x16xf32> to vector<16xf32>
    %swap3A_114 = vector.shape_cast %broadcast_in_dim3A_1 : vector<16xf32> to vector<1x16xf32>
    tpu.vector_store %arg10[%swap3A_110, %swap3A_111], %swap3A_114 {strides = array<i32>} : memref<8x128xf32, #tpu.memory_space<vmem>>, vector<1x16xf32>,
    %swap3A_115 = arith.constant 2 : i32
    %swap3A_116 = arith.index_cast %swap3A_115 : i32 to index
    %swap3A_117 = arith.constant 48 : index
    %swap3A_118 = tpu.vector_load %arg10[%swap3A_116, %swap3A_117] {strides = array<i32>} : memref<8x128xf32, #tpu.memory_space<vmem>>, vector<1x16xf32>,
    %swap3A_119 = vector.shape_cast %swap3A_118 : vector<1x16xf32> to vector<16xf32>
    %swap3A_120 = vector.shape_cast %broadcast_in_dim3A_1 : vector<16xf32> to vector<1x16xf32>
    tpu.vector_store %arg10[%swap3A_116, %swap3A_117], %swap3A_120 {strides = array<i32>} : memref<8x128xf32, #tpu.memory_space<vmem>>, vector<1x16xf32>,
    %swap3A_121 = arith.constant 2 : i32
    %swap3A_122 = arith.index_cast %swap3A_121 : i32 to index
    %swap3A_123 = arith.constant 64 : index
    %swap3A_124 = tpu.vector_load %arg10[%swap3A_122, %swap3A_123] {strides = array<i32>} : memref<8x128xf32, #tpu.memory_space<vmem>>, vector<1x16xf32>,
    %swap3A_125 = vector.shape_cast %swap3A_124 : vector<1x16xf32> to vector<16xf32>
    %swap3A_126 = vector.shape_cast %broadcast_in_dim3A_1 : vector<16xf32> to vector<1x16xf32>
    tpu.vector_store %arg10[%swap3A_122, %swap3A_123], %swap3A_126 {strides = array<i32>} : memref<8x128xf32, #tpu.memory_space<vmem>>, vector<1x16xf32>,
    %swap3A_127 = arith.constant 2 : i32
    %swap3A_128 = arith.index_cast %swap3A_127 : i32 to index
    %swap3A_129 = arith.constant 80 : index
    %swap3A_130 = tpu.vector_load %arg10[%swap3A_128, %swap3A_129] {strides = array<i32>} : memref<8x128xf32, #tpu.memory_space<vmem>>, vector<1x16xf32>,
    %swap3A_131 = vector.shape_cast %swap3A_130 : vector<1x16xf32> to vector<16xf32>
    %swap3A_132 = vector.shape_cast %broadcast_in_dim3A_1 : vector<16xf32> to vector<1x16xf32>
    tpu.vector_store %arg10[%swap3A_128, %swap3A_129], %swap3A_132 {strides = array<i32>} : memref<8x128xf32, #tpu.memory_space<vmem>>, vector<1x16xf32>,
    %swap3A_133 = arith.constant 2 : i32
    %swap3A_134 = arith.index_cast %swap3A_133 : i32 to index
    %swap3A_135 = arith.constant 96 : index
    %swap3A_136 = tpu.vector_load %arg10[%swap3A_134, %swap3A_135] {strides = array<i32>} : memref<8x128xf32, #tpu.memory_space<vmem>>, vector<1x16xf32>,
    %swap3A_137 = vector.shape_cast %swap3A_136 : vector<1x16xf32> to vector<16xf32>
    %swap3A_138 = vector.shape_cast %broadcast_in_dim3A_1 : vector<16xf32> to vector<1x16xf32>
    tpu.vector_store %arg10[%swap3A_134, %swap3A_135], %swap3A_138 {strides = array<i32>} : memref<8x128xf32, #tpu.memory_space<vmem>>, vector<1x16xf32>,
    %swap3A_139 = arith.constant 2 : i32
    %swap3A_140 = arith.index_cast %swap3A_139 : i32 to index
    %swap3A_141 = arith.constant 112 : index
    %swap3A_142 = tpu.vector_load %arg10[%swap3A_140, %swap3A_141] {strides = array<i32>} : memref<8x128xf32, #tpu.memory_space<vmem>>, vector<1x16xf32>,
    %swap3A_143 = vector.shape_cast %swap3A_142 : vector<1x16xf32> to vector<16xf32>
    %swap3A_144 = vector.shape_cast %broadcast_in_dim3A_1 : vector<16xf32> to vector<1x16xf32>
    tpu.vector_store %arg10[%swap3A_140, %swap3A_141], %swap3A_144 {strides = array<i32>} : memref<8x128xf32, #tpu.memory_space<vmem>>, vector<1x16xf32>,
    %swap3A_145 = arith.constant 3 : i32
    %swap3A_146 = arith.index_cast %swap3A_145 : i32 to index
    %swap3A_147 = arith.constant 0 : index
    %swap3A_148 = tpu.vector_load %arg10[%swap3A_146, %swap3A_147] {strides = array<i32>} : memref<8x128xf32, #tpu.memory_space<vmem>>, vector<1x16xf32>,
    %swap3A_149 = vector.shape_cast %swap3A_148 : vector<1x16xf32> to vector<16xf32>
    %swap3A_150 = vector.shape_cast %broadcast_in_dim3A_1 : vector<16xf32> to vector<1x16xf32>
    tpu.vector_store %arg10[%swap3A_146, %swap3A_147], %swap3A_150 {strides = array<i32>} : memref<8x128xf32, #tpu.memory_space<vmem>>, vector<1x16xf32>,
    %swap3A_151 = arith.constant 3 : i32
    %swap3A_152 = arith.index_cast %swap3A_151 : i32 to index
    %swap3A_153 = arith.constant 16 : index
    %swap3A_154 = tpu.vector_load %arg10[%swap3A_152, %swap3A_153] {strides = array<i32>} : memref<8x128xf32, #tpu.memory_space<vmem>>, vector<1x16xf32>,
    %swap3A_155 = vector.shape_cast %swap3A_154 : vector<1x16xf32> to vector<16xf32>
    %swap3A_156 = vector.shape_cast %broadcast_in_dim3A_1 : vector<16xf32> to vector<1x16xf32>
    tpu.vector_store %arg10[%swap3A_152, %swap3A_153], %swap3A_156 {strides = array<i32>} : memref<8x128xf32, #tpu.memory_space<vmem>>, vector<1x16xf32>,
    %swap3A_157 = arith.constant 3 : i32
    %swap3A_158 = arith.index_cast %swap3A_157 : i32 to index
    %swap3A_159 = arith.constant 32 : index
    %swap3A_160 = tpu.vector_load %arg10[%swap3A_158, %swap3A_159] {strides = array<i32>} : memref<8x128xf32, #tpu.memory_space<vmem>>, vector<1x16xf32>,
    %swap3A_161 = vector.shape_cast %swap3A_160 : vector<1x16xf32> to vector<16xf32>
    %swap3A_162 = vector.shape_cast %broadcast_in_dim3A_1 : vector<16xf32> to vector<1x16xf32>
    tpu.vector_store %arg10[%swap3A_158, %swap3A_159], %swap3A_162 {strides = array<i32>} : memref<8x128xf32, #tpu.memory_space<vmem>>, vector<1x16xf32>,
    %swap3A_163 = arith.constant 3 : i32
    %swap3A_164 = arith.index_cast %swap3A_163 : i32 to index
    %swap3A_165 = arith.constant 48 : index
    %swap3A_166 = tpu.vector_load %arg10[%swap3A_164, %swap3A_165] {strides = array<i32>} : memref<8x128xf32, #tpu.memory_space<vmem>>, vector<1x16xf32>,
    %swap3A_167 = vector.shape_cast %swap3A_166 : vector<1x16xf32> to vector<16xf32>
    %swap3A_168 = vector.shape_cast %broadcast_in_dim3A_1 : vector<16xf32> to vector<1x16xf32>
    tpu.vector_store %arg10[%swap3A_164, %swap3A_165], %swap3A_168 {strides = array<i32>} : memref<8x128xf32, #tpu.memory_space<vmem>>, vector<1x16xf32>,
    %swap3A_169 = arith.constant 3 : i32
    %swap3A_170 = arith.index_cast %swap3A_169 : i32 to index
    %swap3A_171 = arith.constant 64 : index
    %swap3A_172 = tpu.vector_load %arg10[%swap3A_170, %swap3A_171] {strides = array<i32>} : memref<8x128xf32, #tpu.memory_space<vmem>>, vector<1x16xf32>,
    %swap3A_173 = vector.shape_cast %swap3A_172 : vector<1x16xf32> to vector<16xf32>
    %swap3A_174 = vector.shape_cast %broadcast_in_dim3A_1 : vector<16xf32> to vector<1x16xf32>
    tpu.vector_store %arg10[%swap3A_170, %swap3A_171], %swap3A_174 {strides = array<i32>} : memref<8x128xf32, #tpu.memory_space<vmem>>, vector<1x16xf32>,
    %swap3A_175 = arith.constant 3 : i32
    %swap3A_176 = arith.index_cast %swap3A_175 : i32 to index
    %swap3A_177 = arith.constant 80 : index
    %swap3A_178 = tpu.vector_load %arg10[%swap3A_176, %swap3A_177] {strides = array<i32>} : memref<8x128xf32, #tpu.memory_space<vmem>>, vector<1x16xf32>,
    %swap3A_179 = vector.shape_cast %swap3A_178 : vector<1x16xf32> to vector<16xf32>
    %swap3A_180 = vector.shape_cast %broadcast_in_dim3A_1 : vector<16xf32> to vector<1x16xf32>
    tpu.vector_store %arg10[%swap3A_176, %swap3A_177], %swap3A_180 {strides = array<i32>} : memref<8x128xf32, #tpu.memory_space<vmem>>, vector<1x16xf32>,
    %swap3A_181 = arith.constant 3 : i32
    %swap3A_182 = arith.index_cast %swap3A_181 : i32 to index
    %swap3A_183 = arith.constant 96 : index
    %swap3A_184 = tpu.vector_load %arg10[%swap3A_182, %swap3A_183] {strides = array<i32>} : memref<8x128xf32, #tpu.memory_space<vmem>>, vector<1x16xf32>,
    %swap3A_185 = vector.shape_cast %swap3A_184 : vector<1x16xf32> to vector<16xf32>
    %swap3A_186 = vector.shape_cast %broadcast_in_dim3A_1 : vector<16xf32> to vector<1x16xf32>
    tpu.vector_store %arg10[%swap3A_182, %swap3A_183], %swap3A_186 {strides = array<i32>} : memref<8x128xf32, #tpu.memory_space<vmem>>, vector<1x16xf32>,
    %swap3A_187 = arith.constant 3 : i32
    %swap3A_188 = arith.index_cast %swap3A_187 : i32 to index
    %swap3A_189 = arith.constant 112 : index
    %swap3A_190 = tpu.vector_load %arg10[%swap3A_188, %swap3A_189] {strides = array<i32>} : memref<8x128xf32, #tpu.memory_space<vmem>>, vector<1x16xf32>,
    %swap3A_191 = vector.shape_cast %swap3A_190 : vector<1x16xf32> to vector<16xf32>
    %swap3A_192 = vector.shape_cast %broadcast_in_dim3A_1 : vector<16xf32> to vector<1x16xf32>
    tpu.vector_store %arg10[%swap3A_188, %swap3A_189], %swap3A_192 {strides = array<i32>} : memref<8x128xf32, #tpu.memory_space<vmem>>, vector<1x16xf32>,
    %swap3A_193 = arith.constant 4 : i32
    %swap3A_194 = arith.index_cast %swap3A_193 : i32 to index
    %swap3A_195 = arith.constant 0 : index
    %swap3A_196 = tpu.vector_load %arg10[%swap3A_194, %swap3A_195] {strides = array<i32>} : memref<8x128xf32, #tpu.memory_space<vmem>>, vector<1x16xf32>,
    %swap3A_197 = vector.shape_cast %swap3A_196 : vector<1x16xf32> to vector<16xf32>
    %swap3A_198 = vector.shape_cast %broadcast_in_dim3A_1 : vector<16xf32> to vector<1x16xf32>
    tpu.vector_store %arg10[%swap3A_194, %swap3A_195], %swap3A_198 {strides = array<i32>} : memref<8x128xf32, #tpu.memory_space<vmem>>, vector<1x16xf32>,
    %swap3A_199 = arith.constant 4 : i32
    %swap3A_200 = arith.index_cast %swap3A_199 : i32 to index
    %swap3A_201 = arith.constant 16 : index
    %swap3A_202 = tpu.vector_load %arg10[%swap3A_200, %swap3A_201] {strides = array<i32>} : memref<8x128xf32, #tpu.memory_space<vmem>>, vector<1x16xf32>,
    %swap3A_203 = vector.shape_cast %swap3A_202 : vector<1x16xf32> to vector<16xf32>
    %swap3A_204 = vector.shape_cast %broadcast_in_dim3A_1 : vector<16xf32> to vector<1x16xf32>
    tpu.vector_store %arg10[%swap3A_200, %swap3A_201], %swap3A_204 {strides = array<i32>} : memref<8x128xf32, #tpu.memory_space<vmem>>, vector<1x16xf32>,
    %swap3A_205 = arith.constant 4 : i32
    %swap3A_206 = arith.index_cast %swap3A_205 : i32 to index
    %swap3A_207 = arith.constant 32 : index
    %swap3A_208 = tpu.vector_load %arg10[%swap3A_206, %swap3A_207] {strides = array<i32>} : memref<8x128xf32, #tpu.memory_space<vmem>>, vector<1x16xf32>,
    %swap3A_209 = vector.shape_cast %swap3A_208 : vector<1x16xf32> to vector<16xf32>
    %swap3A_210 = vector.shape_cast %broadcast_in_dim3A_1 : vector<16xf32> to vector<1x16xf32>
    tpu.vector_store %arg10[%swap3A_206, %swap3A_207], %swap3A_210 {strides = array<i32>} : memref<8x128xf32, #tpu.memory_space<vmem>>, vector<1x16xf32>,
    %swap3A_211 = arith.constant 4 : i32
    %swap3A_212 = arith.index_cast %swap3A_211 : i32 to index
    %swap3A_213 = arith.constant 48 : index
    %swap3A_214 = tpu.vector_load %arg10[%swap3A_212, %swap3A_213] {strides = array<i32>} : memref<8x128xf32, #tpu.memory_space<vmem>>, vector<1x16xf32>,
    %swap3A_215 = vector.shape_cast %swap3A_214 : vector<1x16xf32> to vector<16xf32>
    %swap3A_216 = vector.shape_cast %broadcast_in_dim3A_1 : vector<16xf32> to vector<1x16xf32>
    tpu.vector_store %arg10[%swap3A_212, %swap3A_213], %swap3A_216 {strides = array<i32>} : memref<8x128xf32, #tpu.memory_space<vmem>>, vector<1x16xf32>,
    %swap3A_217 = arith.constant 4 : i32
    %swap3A_218 = arith.index_cast %swap3A_217 : i32 to index
    %swap3A_219 = arith.constant 64 : index
    %swap3A_220 = tpu.vector_load %arg10[%swap3A_218, %swap3A_219] {strides = array<i32>} : memref<8x128xf32, #tpu.memory_space<vmem>>, vector<1x16xf32>,
    %swap3A_221 = vector.shape_cast %swap3A_220 : vector<1x16xf32> to vector<16xf32>
    %swap3A_222 = vector.shape_cast %broadcast_in_dim3A_1 : vector<16xf32> to vector<1x16xf32>
    tpu.vector_store %arg10[%swap3A_218, %swap3A_219], %swap3A_222 {strides = array<i32>} : memref<8x128xf32, #tpu.memory_space<vmem>>, vector<1x16xf32>,
    %swap3A_223 = arith.constant 4 : i32
    %swap3A_224 = arith.index_cast %swap3A_223 : i32 to index
    %swap3A_225 = arith.constant 80 : index
    %swap3A_226 = tpu.vector_load %arg10[%swap3A_224, %swap3A_225] {strides = array<i32>} : memref<8x128xf32, #tpu.memory_space<vmem>>, vector<1x16xf32>,
    %swap3A_227 = vector.shape_cast %swap3A_226 : vector<1x16xf32> to vector<16xf32>
    %swap3A_228 = vector.shape_cast %broadcast_in_dim3A_1 : vector<16xf32> to vector<1x16xf32>
    tpu.vector_store %arg10[%swap3A_224, %swap3A_225], %swap3A_228 {strides = array<i32>} : memref<8x128xf32, #tpu.memory_space<vmem>>, vector<1x16xf32>,
    %swap3A_229 = arith.constant 4 : i32
    %swap3A_230 = arith.index_cast %swap3A_229 : i32 to index
    %swap3A_231 = arith.constant 96 : index
    %swap3A_232 = tpu.vector_load %arg10[%swap3A_230, %swap3A_231] {strides = array<i32>} : memref<8x128xf32, #tpu.memory_space<vmem>>, vector<1x16xf32>,
    %swap3A_233 = vector.shape_cast %swap3A_232 : vector<1x16xf32> to vector<16xf32>
    %swap3A_234 = vector.shape_cast %broadcast_in_dim3A_1 : vector<16xf32> to vector<1x16xf32>
    tpu.vector_store %arg10[%swap3A_230, %swap3A_231], %swap3A_234 {strides = array<i32>} : memref<8x128xf32, #tpu.memory_space<vmem>>, vector<1x16xf32>,
    %swap3A_235 = arith.constant 4 : i32
    %swap3A_236 = arith.index_cast %swap3A_235 : i32 to index
    %swap3A_237 = arith.constant 112 : index
    %swap3A_238 = tpu.vector_load %arg10[%swap3A_236, %swap3A_237] {strides = array<i32>} : memref<8x128xf32, #tpu.memory_space<vmem>>, vector<1x16xf32>,
    %swap3A_239 = vector.shape_cast %swap3A_238 : vector<1x16xf32> to vector<16xf32>
    %swap3A_240 = vector.shape_cast %broadcast_in_dim3A_1 : vector<16xf32> to vector<1x16xf32>
    tpu.vector_store %arg10[%swap3A_236, %swap3A_237], %swap3A_240 {strides = array<i32>} : memref<8x128xf32, #tpu.memory_space<vmem>>, vector<1x16xf32>,
    %swap3A_241 = arith.constant 5 : i32
    %swap3A_242 = arith.index_cast %swap3A_241 : i32 to index
    %swap3A_243 = arith.constant 0 : index
    %swap3A_244 = tpu.vector_load %arg10[%swap3A_242, %swap3A_243] {strides = array<i32>} : memref<8x128xf32, #tpu.memory_space<vmem>>, vector<1x16xf32>,
    %swap3A_245 = vector.shape_cast %swap3A_244 : vector<1x16xf32> to vector<16xf32>
    %swap3A_246 = vector.shape_cast %broadcast_in_dim3A_1 : vector<16xf32> to vector<1x16xf32>
    tpu.vector_store %arg10[%swap3A_242, %swap3A_243], %swap3A_246 {strides = array<i32>} : memref<8x128xf32, #tpu.memory_space<vmem>>, vector<1x16xf32>,
    %swap3A_247 = arith.constant 5 : i32
    %swap3A_248 = arith.index_cast %swap3A_247 : i32 to index
    %swap3A_249 = arith.constant 16 : index
    %swap3A_250 = tpu.vector_load %arg10[%swap3A_248, %swap3A_249] {strides = array<i32>} : memref<8x128xf32, #tpu.memory_space<vmem>>, vector<1x16xf32>,
    %swap3A_251 = vector.shape_cast %swap3A_250 : vector<1x16xf32> to vector<16xf32>
    %swap3A_252 = vector.shape_cast %broadcast_in_dim3A_1 : vector<16xf32> to vector<1x16xf32>
    tpu.vector_store %arg10[%swap3A_248, %swap3A_249], %swap3A_252 {strides = array<i32>} : memref<8x128xf32, #tpu.memory_space<vmem>>, vector<1x16xf32>,
    %swap3A_253 = arith.constant 5 : i32
    %swap3A_254 = arith.index_cast %swap3A_253 : i32 to index
    %swap3A_255 = arith.constant 32 : index
    %swap3A_256 = tpu.vector_load %arg10[%swap3A_254, %swap3A_255] {strides = array<i32>} : memref<8x128xf32, #tpu.memory_space<vmem>>, vector<1x16xf32>,
    %swap3A_257 = vector.shape_cast %swap3A_256 : vector<1x16xf32> to vector<16xf32>
    %swap3A_258 = vector.shape_cast %broadcast_in_dim3A_1 : vector<16xf32> to vector<1x16xf32>
    tpu.vector_store %arg10[%swap3A_254, %swap3A_255], %swap3A_258 {strides = array<i32>} : memref<8x128xf32, #tpu.memory_space<vmem>>, vector<1x16xf32>,
    %swap3A_259 = arith.constant 5 : i32
    %swap3A_260 = arith.index_cast %swap3A_259 : i32 to index
    %swap3A_261 = arith.constant 48 : index
    %swap3A_262 = tpu.vector_load %arg10[%swap3A_260, %swap3A_261] {strides = array<i32>} : memref<8x128xf32, #tpu.memory_space<vmem>>, vector<1x16xf32>,
    %swap3A_263 = vector.shape_cast %swap3A_262 : vector<1x16xf32> to vector<16xf32>
    %swap3A_264 = vector.shape_cast %broadcast_in_dim3A_1 : vector<16xf32> to vector<1x16xf32>
    tpu.vector_store %arg10[%swap3A_260, %swap3A_261], %swap3A_264 {strides = array<i32>} : memref<8x128xf32, #tpu.memory_space<vmem>>, vector<1x16xf32>,
    %swap3A_265 = arith.constant 5 : i32
    %swap3A_266 = arith.index_cast %swap3A_265 : i32 to index
    %swap3A_267 = arith.constant 64 : index
    %swap3A_268 = tpu.vector_load %arg10[%swap3A_266, %swap3A_267] {strides = array<i32>} : memref<8x128xf32, #tpu.memory_space<vmem>>, vector<1x16xf32>,
    %swap3A_269 = vector.shape_cast %swap3A_268 : vector<1x16xf32> to vector<16xf32>
    %swap3A_270 = vector.shape_cast %broadcast_in_dim3A_1 : vector<16xf32> to vector<1x16xf32>
    tpu.vector_store %arg10[%swap3A_266, %swap3A_267], %swap3A_270 {strides = array<i32>} : memref<8x128xf32, #tpu.memory_space<vmem>>, vector<1x16xf32>,
    %swap3A_271 = arith.constant 5 : i32
    %swap3A_272 = arith.index_cast %swap3A_271 : i32 to index
    %swap3A_273 = arith.constant 80 : index
    %swap3A_274 = tpu.vector_load %arg10[%swap3A_272, %swap3A_273] {strides = array<i32>} : memref<8x128xf32, #tpu.memory_space<vmem>>, vector<1x16xf32>,
    %swap3A_275 = vector.shape_cast %swap3A_274 : vector<1x16xf32> to vector<16xf32>
    %swap3A_276 = vector.shape_cast %broadcast_in_dim3A_1 : vector<16xf32> to vector<1x16xf32>
    tpu.vector_store %arg10[%swap3A_272, %swap3A_273], %swap3A_276 {strides = array<i32>} : memref<8x128xf32, #tpu.memory_space<vmem>>, vector<1x16xf32>,
    %swap3A_277 = arith.constant 5 : i32
    %swap3A_278 = arith.index_cast %swap3A_277 : i32 to index
    %swap3A_279 = arith.constant 96 : index
    %swap3A_280 = tpu.vector_load %arg10[%swap3A_278, %swap3A_279] {strides = array<i32>} : memref<8x128xf32, #tpu.memory_space<vmem>>, vector<1x16xf32>,
    %swap3A_281 = vector.shape_cast %swap3A_280 : vector<1x16xf32> to vector<16xf32>
    %swap3A_282 = vector.shape_cast %broadcast_in_dim3A_1 : vector<16xf32> to vector<1x16xf32>
    tpu.vector_store %arg10[%swap3A_278, %swap3A_279], %swap3A_282 {strides = array<i32>} : memref<8x128xf32, #tpu.memory_space<vmem>>, vector<1x16xf32>,
    %swap3A_283 = arith.constant 5 : i32
    %swap3A_284 = arith.index_cast %swap3A_283 : i32 to index
    %swap3A_285 = arith.constant 112 : index
    %swap3A_286 = tpu.vector_load %arg10[%swap3A_284, %swap3A_285] {strides = array<i32>} : memref<8x128xf32, #tpu.memory_space<vmem>>, vector<1x16xf32>,
    %swap3A_287 = vector.shape_cast %swap3A_286 : vector<1x16xf32> to vector<16xf32>
    %swap3A_288 = vector.shape_cast %broadcast_in_dim3A_1 : vector<16xf32> to vector<1x16xf32>
    tpu.vector_store %arg10[%swap3A_284, %swap3A_285], %swap3A_288 {strides = array<i32>} : memref<8x128xf32, #tpu.memory_space<vmem>>, vector<1x16xf32>,
    %swap3A_289 = arith.constant 6 : i32
    %swap3A_290 = arith.index_cast %swap3A_289 : i32 to index
    %swap3A_291 = arith.constant 0 : index
    %swap3A_292 = tpu.vector_load %arg10[%swap3A_290, %swap3A_291] {strides = array<i32>} : memref<8x128xf32, #tpu.memory_space<vmem>>, vector<1x16xf32>,
    %swap3A_293 = vector.shape_cast %swap3A_292 : vector<1x16xf32> to vector<16xf32>
    %swap3A_294 = vector.shape_cast %broadcast_in_dim3A_1 : vector<16xf32> to vector<1x16xf32>
    tpu.vector_store %arg10[%swap3A_290, %swap3A_291], %swap3A_294 {strides = array<i32>} : memref<8x128xf32, #tpu.memory_space<vmem>>, vector<1x16xf32>,
    %swap3A_295 = arith.constant 6 : i32
    %swap3A_296 = arith.index_cast %swap3A_295 : i32 to index
    %swap3A_297 = arith.constant 16 : index
    %swap3A_298 = tpu.vector_load %arg10[%swap3A_296, %swap3A_297] {strides = array<i32>} : memref<8x128xf32, #tpu.memory_space<vmem>>, vector<1x16xf32>,
    %swap3A_299 = vector.shape_cast %swap3A_298 : vector<1x16xf32> to vector<16xf32>
    %swap3A_300 = vector.shape_cast %broadcast_in_dim3A_1 : vector<16xf32> to vector<1x16xf32>
    tpu.vector_store %arg10[%swap3A_296, %swap3A_297], %swap3A_300 {strides = array<i32>} : memref<8x128xf32, #tpu.memory_space<vmem>>, vector<1x16xf32>,
    %swap3A_301 = arith.constant 6 : i32
    %swap3A_302 = arith.index_cast %swap3A_301 : i32 to index
    %swap3A_303 = arith.constant 32 : index
    %swap3A_304 = tpu.vector_load %arg10[%swap3A_302, %swap3A_303] {strides = array<i32>} : memref<8x128xf32, #tpu.memory_space<vmem>>, vector<1x16xf32>,
    %swap3A_305 = vector.shape_cast %swap3A_304 : vector<1x16xf32> to vector<16xf32>
    %swap3A_306 = vector.shape_cast %broadcast_in_dim3A_1 : vector<16xf32> to vector<1x16xf32>
    tpu.vector_store %arg10[%swap3A_302, %swap3A_303], %swap3A_306 {strides = array<i32>} : memref<8x128xf32, #tpu.memory_space<vmem>>, vector<1x16xf32>,
    %swap3A_307 = arith.constant 6 : i32
    %swap3A_308 = arith.index_cast %swap3A_307 : i32 to index
    %swap3A_309 = arith.constant 48 : index
    %swap3A_310 = tpu.vector_load %arg10[%swap3A_308, %swap3A_309] {strides = array<i32>} : memref<8x128xf32, #tpu.memory_space<vmem>>, vector<1x16xf32>,
    %swap3A_311 = vector.shape_cast %swap3A_310 : vector<1x16xf32> to vector<16xf32>
    %swap3A_312 = vector.shape_cast %broadcast_in_dim3A_1 : vector<16xf32> to vector<1x16xf32>
    tpu.vector_store %arg10[%swap3A_308, %swap3A_309], %swap3A_312 {strides = array<i32>} : memref<8x128xf32, #tpu.memory_space<vmem>>, vector<1x16xf32>,
    %swap3A_313 = arith.constant 6 : i32
    %swap3A_314 = arith.index_cast %swap3A_313 : i32 to index
    %swap3A_315 = arith.constant 64 : index
    %swap3A_316 = tpu.vector_load %arg10[%swap3A_314, %swap3A_315] {strides = array<i32>} : memref<8x128xf32, #tpu.memory_space<vmem>>, vector<1x16xf32>,
    %swap3A_317 = vector.shape_cast %swap3A_316 : vector<1x16xf32> to vector<16xf32>
    %swap3A_318 = vector.shape_cast %broadcast_in_dim3A_1 : vector<16xf32> to vector<1x16xf32>
    tpu.vector_store %arg10[%swap3A_314, %swap3A_315], %swap3A_318 {strides = array<i32>} : memref<8x128xf32, #tpu.memory_space<vmem>>, vector<1x16xf32>,
    %swap3A_319 = arith.constant 6 : i32
    %swap3A_320 = arith.index_cast %swap3A_319 : i32 to index
    %swap3A_321 = arith.constant 80 : index
    %swap3A_322 = tpu.vector_load %arg10[%swap3A_320, %swap3A_321] {strides = array<i32>} : memref<8x128xf32, #tpu.memory_space<vmem>>, vector<1x16xf32>,
    %swap3A_323 = vector.shape_cast %swap3A_322 : vector<1x16xf32> to vector<16xf32>
    %swap3A_324 = vector.shape_cast %broadcast_in_dim3A_1 : vector<16xf32> to vector<1x16xf32>
    tpu.vector_store %arg10[%swap3A_320, %swap3A_321], %swap3A_324 {strides = array<i32>} : memref<8x128xf32, #tpu.memory_space<vmem>>, vector<1x16xf32>,
    %swap3A_325 = arith.constant 6 : i32
    %swap3A_326 = arith.index_cast %swap3A_325 : i32 to index
    %swap3A_327 = arith.constant 96 : index
    %swap3A_328 = tpu.vector_load %arg10[%swap3A_326, %swap3A_327] {strides = array<i32>} : memref<8x128xf32, #tpu.memory_space<vmem>>, vector<1x16xf32>,
    %swap3A_329 = vector.shape_cast %swap3A_328 : vector<1x16xf32> to vector<16xf32>
    %swap3A_330 = vector.shape_cast %broadcast_in_dim3A_1 : vector<16xf32> to vector<1x16xf32>
    tpu.vector_store %arg10[%swap3A_326, %swap3A_327], %swap3A_330 {strides = array<i32>} : memref<8x128xf32, #tpu.memory_space<vmem>>, vector<1x16xf32>,
    %swap3A_331 = arith.constant 6 : i32
    %swap3A_332 = arith.index_cast %swap3A_331 : i32 to index
    %swap3A_333 = arith.constant 112 : index
    %swap3A_334 = tpu.vector_load %arg10[%swap3A_332, %swap3A_333] {strides = array<i32>} : memref<8x128xf32, #tpu.memory_space<vmem>>, vector<1x16xf32>,
    %swap3A_335 = vector.shape_cast %swap3A_334 : vector<1x16xf32> to vector<16xf32>
    %swap3A_336 = vector.shape_cast %broadcast_in_dim3A_1 : vector<16xf32> to vector<1x16xf32>
    tpu.vector_store %arg10[%swap3A_332, %swap3A_333], %swap3A_336 {strides = array<i32>} : memref<8x128xf32, #tpu.memory_space<vmem>>, vector<1x16xf32>,
    %swap3A_337 = arith.constant 7 : i32
    %swap3A_338 = arith.index_cast %swap3A_337 : i32 to index
    %swap3A_339 = arith.constant 0 : index
    %swap3A_340 = tpu.vector_load %arg10[%swap3A_338, %swap3A_339] {strides = array<i32>} : memref<8x128xf32, #tpu.memory_space<vmem>>, vector<1x16xf32>,
    %swap3A_341 = vector.shape_cast %swap3A_340 : vector<1x16xf32> to vector<16xf32>
    %swap3A_342 = vector.shape_cast %broadcast_in_dim3A_1 : vector<16xf32> to vector<1x16xf32>
    tpu.vector_store %arg10[%swap3A_338, %swap3A_339], %swap3A_342 {strides = array<i32>} : memref<8x128xf32, #tpu.memory_space<vmem>>, vector<1x16xf32>,
    %swap3A_343 = arith.constant 7 : i32
    %swap3A_344 = arith.index_cast %swap3A_343 : i32 to index
    %swap3A_345 = arith.constant 16 : index
    %swap3A_346 = tpu.vector_load %arg10[%swap3A_344, %swap3A_345] {strides = array<i32>} : memref<8x128xf32, #tpu.memory_space<vmem>>, vector<1x16xf32>,
    %swap3A_347 = vector.shape_cast %swap3A_346 : vector<1x16xf32> to vector<16xf32>
    %swap3A_348 = vector.shape_cast %broadcast_in_dim3A_1 : vector<16xf32> to vector<1x16xf32>
    tpu.vector_store %arg10[%swap3A_344, %swap3A_345], %swap3A_348 {strides = array<i32>} : memref<8x128xf32, #tpu.memory_space<vmem>>, vector<1x16xf32>,
    %swap3A_349 = arith.constant 7 : i32
    %swap3A_350 = arith.index_cast %swap3A_349 : i32 to index
    %swap3A_351 = arith.constant 32 : index
    %swap3A_352 = tpu.vector_load %arg10[%swap3A_350, %swap3A_351] {strides = array<i32>} : memref<8x128xf32, #tpu.memory_space<vmem>>, vector<1x16xf32>,
    %swap3A_353 = vector.shape_cast %swap3A_352 : vector<1x16xf32> to vector<16xf32>
    %swap3A_354 = vector.shape_cast %broadcast_in_dim3A_1 : vector<16xf32> to vector<1x16xf32>
    tpu.vector_store %arg10[%swap3A_350, %swap3A_351], %swap3A_354 {strides = array<i32>} : memref<8x128xf32, #tpu.memory_space<vmem>>, vector<1x16xf32>,
    %swap3A_355 = arith.constant 7 : i32
    %swap3A_356 = arith.index_cast %swap3A_355 : i32 to index
    %swap3A_357 = arith.constant 48 : index
    %swap3A_358 = tpu.vector_load %arg10[%swap3A_356, %swap3A_357] {strides = array<i32>} : memref<8x128xf32, #tpu.memory_space<vmem>>, vector<1x16xf32>,
    %swap3A_359 = vector.shape_cast %swap3A_358 : vector<1x16xf32> to vector<16xf32>
    %swap3A_360 = vector.shape_cast %broadcast_in_dim3A_1 : vector<16xf32> to vector<1x16xf32>
    tpu.vector_store %arg10[%swap3A_356, %swap3A_357], %swap3A_360 {strides = array<i32>} : memref<8x128xf32, #tpu.memory_space<vmem>>, vector<1x16xf32>,
    %swap3A_361 = arith.constant 7 : i32
    %swap3A_362 = arith.index_cast %swap3A_361 : i32 to index
    %swap3A_363 = arith.constant 64 : index
    %swap3A_364 = tpu.vector_load %arg10[%swap3A_362, %swap3A_363] {strides = array<i32>} : memref<8x128xf32, #tpu.memory_space<vmem>>, vector<1x16xf32>,
    %swap3A_365 = vector.shape_cast %swap3A_364 : vector<1x16xf32> to vector<16xf32>
    %swap3A_366 = vector.shape_cast %broadcast_in_dim3A_1 : vector<16xf32> to vector<1x16xf32>
    tpu.vector_store %arg10[%swap3A_362, %swap3A_363], %swap3A_366 {strides = array<i32>} : memref<8x128xf32, #tpu.memory_space<vmem>>, vector<1x16xf32>,
    %swap3A_367 = arith.constant 7 : i32
    %swap3A_368 = arith.index_cast %swap3A_367 : i32 to index
    %swap3A_369 = arith.constant 80 : index
    %swap3A_370 = tpu.vector_load %arg10[%swap3A_368, %swap3A_369] {strides = array<i32>} : memref<8x128xf32, #tpu.memory_space<vmem>>, vector<1x16xf32>,
    %swap3A_371 = vector.shape_cast %swap3A_370 : vector<1x16xf32> to vector<16xf32>
    %swap3A_372 = vector.shape_cast %broadcast_in_dim3A_1 : vector<16xf32> to vector<1x16xf32>
    tpu.vector_store %arg10[%swap3A_368, %swap3A_369], %swap3A_372 {strides = array<i32>} : memref<8x128xf32, #tpu.memory_space<vmem>>, vector<1x16xf32>,
    %swap3A_373 = arith.constant 7 : i32
    %swap3A_374 = arith.index_cast %swap3A_373 : i32 to index
    %swap3A_375 = arith.constant 96 : index
    %swap3A_376 = tpu.vector_load %arg10[%swap3A_374, %swap3A_375] {strides = array<i32>} : memref<8x128xf32, #tpu.memory_space<vmem>>, vector<1x16xf32>,
    %swap3A_377 = vector.shape_cast %swap3A_376 : vector<1x16xf32> to vector<16xf32>
    %swap3A_378 = vector.shape_cast %broadcast_in_dim3A_1 : vector<16xf32> to vector<1x16xf32>
    tpu.vector_store %arg10[%swap3A_374, %swap3A_375], %swap3A_378 {strides = array<i32>} : memref<8x128xf32, #tpu.memory_space<vmem>>, vector<1x16xf32>,
    %swap3A_379 = arith.constant 7 : i32
    %swap3A_380 = arith.index_cast %swap3A_379 : i32 to index
    %swap3A_381 = arith.constant 112 : index
    %swap3A_382 = tpu.vector_load %arg10[%swap3A_380, %swap3A_381] {strides = array<i32>} : memref<8x128xf32, #tpu.memory_space<vmem>>, vector<1x16xf32>,
    %swap3A_383 = vector.shape_cast %swap3A_382 : vector<1x16xf32> to vector<16xf32>
    %swap3A_384 = vector.shape_cast %broadcast_in_dim3A_1 : vector<16xf32> to vector<1x16xf32>
    tpu.vector_store %arg10[%swap3A_380, %swap3A_381], %swap3A_384 {strides = array<i32>} : memref<8x128xf32, #tpu.memory_space<vmem>>, vector<1x16xf32>,
    %scan3A = arith.constant 0 : i32
    %scan3A_385 = arith.constant 0 : i32
    %scan3A_386 = arith.constant 80 : i32
    %scan3A_387 = arith.addi %scan3A_385, %scan3A_386 : i32
    %scan3A_388 = arith.constant 1 : i32
    %scan3A_389 = scf.for %scan3A_658 = %scan3A_385 to %scan3A_387 step %scan3A_388 iter_args(%scan3A_659 = %scan3A) -> (i32)  : i32 {
      %ge3A = arith.constant 4 : i32
      %ge3A_660 = arith.cmpi sge, %scan3A_658, %ge3A : i32
      %convert_element_type3A = arith.extui %ge3A_660 : i1 to i32
      %cond3A = arith.constant 0 : i32
      %cond3A_661 = arith.cmpi ne, %convert_element_type3A, %cond3A : i32
      scf.if %cond3A_661 {
        %dma_wait3A_672 = arith.constant 0 : i32
        %dma_wait3A_673 = arith.constant 0 : i32
        %dma_wait3A_674 = tpu.memref_slice %arg11[%dma_wait3A_672, %dma_wait3A_673] : memref<10240x128xf32, #tpu.memory_space<vmem_shared>> -> memref<8x128xf32, #tpu.memory_space<vmem_shared>>
        %dma_wait3A_675 = arith.constant 0 : i32
        %dma_wait3A_676 = arith.constant 0 : i32
        %dma_wait3A_677 = tpu.memref_slice %arg11[%dma_wait3A_675, %dma_wait3A_676] : memref<10240x128xf32, #tpu.memory_space<vmem_shared>> -> memref<8x128xf32, #tpu.memory_space<vmem_shared>>
        tpu.wait_dma2 semaphore(%arg13 : memref<!tpu.dma_semaphore, #tpu.memory_space<semaphore_mem>>) src(%arg10 : memref<8x128xf32, #tpu.memory_space<vmem>>) dst(%dma_wait3A_677 : memref<8x128xf32, #tpu.memory_space<vmem_shared>>)
      } else {
      }
      %mul3A_662 = arith.constant 640 : i32
      %mul3A_663 = arith.muli %arg1, %mul3A_662 : i32
      %mul3A_664 = arith.constant 8 : i32
      %mul3A_665 = arith.muli %scan3A_658, %mul3A_664 : i32
      %add3A_666 = arith.addi %mul3A_663, %mul3A_665 : i32
      %dma_start3A_667 = arith.constant 0 : i32
      %dma_start3A_668 = tpu.memref_slice %arg11[%add3A_666, %dma_start3A_667] : memref<10240x128xf32, #tpu.memory_space<vmem_shared>> -> memref<8x128xf32, #tpu.memory_space<vmem_shared>>
      %dma_start3A_669 = arith.constant 0 : i32
      %dma_start3A_670 = tpu.memref_slice %arg11[%add3A_666, %dma_start3A_669] : memref<10240x128xf32, #tpu.memory_space<vmem_shared>> -> memref<8x128xf32, #tpu.memory_space<vmem_shared>>
      tpu.enqueue_dma source(%arg10 : memref<8x128xf32, #tpu.memory_space<vmem>>) target(%dma_start3A_670 : memref<8x128xf32, #tpu.memory_space<vmem_shared>>) target_semaphore(%arg13 : memref<!tpu.dma_semaphore, #tpu.memory_space<semaphore_mem>>)
      %scan3A_671 = arith.constant 0 : i32
      scf.yield %scan3A_671 : i32
    }
    %scan3A_390 = arith.constant 80 : i32
    "tpu.region"() ({
      %run_scoped3A = tpu.sem_alloc : memref<!tpu.dma_semaphore, #tpu.memory_space<semaphore_mem>>
      %dma_start3A_658 = arith.constant 0 : i32
      %dma_start3A_659 = arith.constant 0 : i32
      %dma_start3A_660 = tpu.memref_slice %arg3[%add3A, %dma_start3A_658, %dma_start3A_659] : memref<32x80x128xi32, #tpu.memory_space<hbm>> -> memref<1x80x128xi32, #tpu.memory_space<hbm>>
      %dma_start3A_661 = tpu.memref_squeeze %dma_start3A_660 : memref<1x80x128xi32, #tpu.memory_space<hbm>> -> memref<80x128xi32, #tpu.memory_space<hbm>>
      %dma_start3A_662 = arith.constant 0 : i32
      %dma_start3A_663 = arith.constant 0 : i32
      %dma_start3A_664 = tpu.memref_slice %arg3[%add3A, %dma_start3A_662, %dma_start3A_663] : memref<32x80x128xi32, #tpu.memory_space<hbm>> -> memref<1x80x128xi32, #tpu.memory_space<hbm>>
      %dma_start3A_665 = tpu.memref_squeeze %dma_start3A_664 : memref<1x80x128xi32, #tpu.memory_space<hbm>> -> memref<80x128xi32, #tpu.memory_space<hbm>>
      tpu.enqueue_dma source(%dma_start3A_665 : memref<80x128xi32, #tpu.memory_space<hbm>>) target(%arg6 : memref<80x128xi32, #tpu.memory_space<vmem>>) target_semaphore(%run_scoped3A : memref<!tpu.dma_semaphore, #tpu.memory_space<semaphore_mem>>)
      %dma_wait3A_666 = arith.constant 0 : i32
      %dma_wait3A_667 = arith.constant 0 : i32
      %dma_wait3A_668 = tpu.memref_slice %arg3[%add3A, %dma_wait3A_666, %dma_wait3A_667] : memref<32x80x128xi32, #tpu.memory_space<hbm>> -> memref<1x80x128xi32, #tpu.memory_space<hbm>>
      %dma_wait3A_669 = tpu.memref_squeeze %dma_wait3A_668 : memref<1x80x128xi32, #tpu.memory_space<hbm>> -> memref<80x128xi32, #tpu.memory_space<hbm>>
      %dma_wait3A_670 = arith.constant 0 : i32
      %dma_wait3A_671 = arith.constant 0 : i32
      %dma_wait3A_672 = tpu.memref_slice %arg3[%add3A, %dma_wait3A_670, %dma_wait3A_671] : memref<32x80x128xi32, #tpu.memory_space<hbm>> -> memref<1x80x128xi32, #tpu.memory_space<hbm>>
      %dma_wait3A_673 = tpu.memref_squeeze %dma_wait3A_672 : memref<1x80x128xi32, #tpu.memory_space<hbm>> -> memref<80x128xi32, #tpu.memory_space<hbm>>
      tpu.wait_dma2 semaphore(%run_scoped3A : memref<!tpu.dma_semaphore, #tpu.memory_space<semaphore_mem>>) src(%dma_wait3A_673 : memref<80x128xi32, #tpu.memory_space<hbm>>) dst(%arg6 : memref<80x128xi32, #tpu.memory_space<vmem>>)
      tpu.yield
    }) : () -> ()
    %scan3A_391 = arith.constant 0 : i32
    %scan3A_392 = arith.constant 0 : i32
    %scan3A_393 = arith.constant 4 : i32
    %scan3A_394 = arith.addi %scan3A_392, %scan3A_393 : i32
    %scan3A_395 = arith.constant 1 : i32
    %scan3A_396 = scf.for %scan3A_658 = %scan3A_392 to %scan3A_394 step %scan3A_395 iter_args(%scan3A_659 = %scan3A_391) -> (i32)  : i32 {
      %dma_wait3A_660 = arith.constant 0 : i32
      %dma_wait3A_661 = arith.constant 0 : i32
      %dma_wait3A_662 = tpu.memref_slice %arg11[%dma_wait3A_660, %dma_wait3A_661] : memref<10240x128xf32, #tpu.memory_space<vmem_shared>> -> memref<8x128xf32, #tpu.memory_space<vmem_shared>>
      %dma_wait3A_663 = arith.constant 0 : i32
      %dma_wait3A_664 = arith.constant 0 : i32
      %dma_wait3A_665 = tpu.memref_slice %arg11[%dma_wait3A_663, %dma_wait3A_664] : memref<10240x128xf32, #tpu.memory_space<vmem_shared>> -> memref<8x128xf32, #tpu.memory_space<vmem_shared>>
      tpu.wait_dma2 semaphore(%arg13 : memref<!tpu.dma_semaphore, #tpu.memory_space<semaphore_mem>>) src(%arg10 : memref<8x128xf32, #tpu.memory_space<vmem>>) dst(%dma_wait3A_665 : memref<8x128xf32, #tpu.memory_space<vmem_shared>>)
      %scan3A_666 = arith.constant 0 : i32
      scf.yield %scan3A_666 : i32
    }
    %scan3A_397 = arith.constant 4 : i32
    %broadcast_in_dim3A_398 = arith.constant 1.000000e+00 : f32
    %broadcast_in_dim3A_399 = vector.broadcast %broadcast_in_dim3A_398 : f32 to vector<16xf32>
    %scan3A_400 = arith.constant 0 : i32
    %scan3A_401 = arith.constant 0 : i32
    %scan3A_402 = arith.constant 128 : i32
    %scan3A_403 = arith.addi %scan3A_401, %scan3A_402 : i32
    %scan3A_404 = arith.constant 1 : i32
    %scan3A_405 = scf.for %scan3A_658 = %scan3A_401 to %scan3A_403 step %scan3A_404 iter_args(%scan3A_659 = %scan3A_400) -> (i32)  : i32 {
      %swap3A_660 = arith.constant 0 : i32
      %swap3A_661 = arith.index_cast %swap3A_660 : i32 to index
      %swap3A_662 = arith.index_cast %scan3A_658 : i32 to index
      %swap3A_663 = arith.constant 0 : index
      %swap3A_664 = tpu.vector_load %arg9[%swap3A_661, %swap3A_662, %swap3A_663] {strides = array<i32>} : memref<2x128x128xf32, #tpu.memory_space<vmem>>, vector<1x1x16xf32>,
      %swap3A_665 = vector.shape_cast %swap3A_664 : vector<1x1x16xf32> to vector<16xf32>
      %swap3A_666 = vector.shape_cast %broadcast_in_dim3A_399 : vector<16xf32> to vector<1x1x16xf32>
      tpu.vector_store %arg9[%swap3A_661, %swap3A_662, %swap3A_663], %swap3A_666 {strides = array<i32>} : memref<2x128x128xf32, #tpu.memory_space<vmem>>, vector<1x1x16xf32>,
      %swap3A_667 = arith.constant 0 : i32
      %swap3A_668 = arith.index_cast %swap3A_667 : i32 to index
      %swap3A_669 = arith.index_cast %scan3A_658 : i32 to index
      %swap3A_670 = arith.constant 16 : index
      %swap3A_671 = tpu.vector_load %arg9[%swap3A_668, %swap3A_669, %swap3A_670] {strides = array<i32>} : memref<2x128x128xf32, #tpu.memory_space<vmem>>, vector<1x1x16xf32>,
      %swap3A_672 = vector.shape_cast %swap3A_671 : vector<1x1x16xf32> to vector<16xf32>
      %swap3A_673 = vector.shape_cast %broadcast_in_dim3A_399 : vector<16xf32> to vector<1x1x16xf32>
      tpu.vector_store %arg9[%swap3A_668, %swap3A_669, %swap3A_670], %swap3A_673 {strides = array<i32>} : memref<2x128x128xf32, #tpu.memory_space<vmem>>, vector<1x1x16xf32>,
      %swap3A_674 = arith.constant 0 : i32
      %swap3A_675 = arith.index_cast %swap3A_674 : i32 to index
      %swap3A_676 = arith.index_cast %scan3A_658 : i32 to index
      %swap3A_677 = arith.constant 32 : index
      %swap3A_678 = tpu.vector_load %arg9[%swap3A_675, %swap3A_676, %swap3A_677] {strides = array<i32>} : memref<2x128x128xf32, #tpu.memory_space<vmem>>, vector<1x1x16xf32>,
      %swap3A_679 = vector.shape_cast %swap3A_678 : vector<1x1x16xf32> to vector<16xf32>
      %swap3A_680 = vector.shape_cast %broadcast_in_dim3A_399 : vector<16xf32> to vector<1x1x16xf32>
      tpu.vector_store %arg9[%swap3A_675, %swap3A_676, %swap3A_677], %swap3A_680 {strides = array<i32>} : memref<2x128x128xf32, #tpu.memory_space<vmem>>, vector<1x1x16xf32>,
      %swap3A_681 = arith.constant 0 : i32
      %swap3A_682 = arith.index_cast %swap3A_681 : i32 to index
      %swap3A_683 = arith.index_cast %scan3A_658 : i32 to index
      %swap3A_684 = arith.constant 48 : index
      %swap3A_685 = tpu.vector_load %arg9[%swap3A_682, %swap3A_683, %swap3A_684] {strides = array<i32>} : memref<2x128x128xf32, #tpu.memory_space<vmem>>, vector<1x1x16xf32>,
      %swap3A_686 = vector.shape_cast %swap3A_685 : vector<1x1x16xf32> to vector<16xf32>
      %swap3A_687 = vector.shape_cast %broadcast_in_dim3A_399 : vector<16xf32> to vector<1x1x16xf32>
      tpu.vector_store %arg9[%swap3A_682, %swap3A_683, %swap3A_684], %swap3A_687 {strides = array<i32>} : memref<2x128x128xf32, #tpu.memory_space<vmem>>, vector<1x1x16xf32>,
      %swap3A_688 = arith.constant 0 : i32
      %swap3A_689 = arith.index_cast %swap3A_688 : i32 to index
      %swap3A_690 = arith.index_cast %scan3A_658 : i32 to index
      %swap3A_691 = arith.constant 64 : index
      %swap3A_692 = tpu.vector_load %arg9[%swap3A_689, %swap3A_690, %swap3A_691] {strides = array<i32>} : memref<2x128x128xf32, #tpu.memory_space<vmem>>, vector<1x1x16xf32>,
      %swap3A_693 = vector.shape_cast %swap3A_692 : vector<1x1x16xf32> to vector<16xf32>
      %swap3A_694 = vector.shape_cast %broadcast_in_dim3A_399 : vector<16xf32> to vector<1x1x16xf32>
      tpu.vector_store %arg9[%swap3A_689, %swap3A_690, %swap3A_691], %swap3A_694 {strides = array<i32>} : memref<2x128x128xf32, #tpu.memory_space<vmem>>, vector<1x1x16xf32>,
      %swap3A_695 = arith.constant 0 : i32
      %swap3A_696 = arith.index_cast %swap3A_695 : i32 to index
      %swap3A_697 = arith.index_cast %scan3A_658 : i32 to index
      %swap3A_698 = arith.constant 80 : index
      %swap3A_699 = tpu.vector_load %arg9[%swap3A_696, %swap3A_697, %swap3A_698] {strides = array<i32>} : memref<2x128x128xf32, #tpu.memory_space<vmem>>, vector<1x1x16xf32>,
      %swap3A_700 = vector.shape_cast %swap3A_699 : vector<1x1x16xf32> to vector<16xf32>
      %swap3A_701 = vector.shape_cast %broadcast_in_dim3A_399 : vector<16xf32> to vector<1x1x16xf32>
      tpu.vector_store %arg9[%swap3A_696, %swap3A_697, %swap3A_698], %swap3A_701 {strides = array<i32>} : memref<2x128x128xf32, #tpu.memory_space<vmem>>, vector<1x1x16xf32>,
      %swap3A_702 = arith.constant 0 : i32
      %swap3A_703 = arith.index_cast %swap3A_702 : i32 to index
      %swap3A_704 = arith.index_cast %scan3A_658 : i32 to index
      %swap3A_705 = arith.constant 96 : index
      %swap3A_706 = tpu.vector_load %arg9[%swap3A_703, %swap3A_704, %swap3A_705] {strides = array<i32>} : memref<2x128x128xf32, #tpu.memory_space<vmem>>, vector<1x1x16xf32>,
      %swap3A_707 = vector.shape_cast %swap3A_706 : vector<1x1x16xf32> to vector<16xf32>
      %swap3A_708 = vector.shape_cast %broadcast_in_dim3A_399 : vector<16xf32> to vector<1x1x16xf32>
      tpu.vector_store %arg9[%swap3A_703, %swap3A_704, %swap3A_705], %swap3A_708 {strides = array<i32>} : memref<2x128x128xf32, #tpu.memory_space<vmem>>, vector<1x1x16xf32>,
      %swap3A_709 = arith.constant 0 : i32
      %swap3A_710 = arith.index_cast %swap3A_709 : i32 to index
      %swap3A_711 = arith.index_cast %scan3A_658 : i32 to index
      %swap3A_712 = arith.constant 112 : index
      %swap3A_713 = tpu.vector_load %arg9[%swap3A_710, %swap3A_711, %swap3A_712] {strides = array<i32>} : memref<2x128x128xf32, #tpu.memory_space<vmem>>, vector<1x1x16xf32>,
      %swap3A_714 = vector.shape_cast %swap3A_713 : vector<1x1x16xf32> to vector<16xf32>
      %swap3A_715 = vector.shape_cast %broadcast_in_dim3A_399 : vector<16xf32> to vector<1x1x16xf32>
      tpu.vector_store %arg9[%swap3A_710, %swap3A_711, %swap3A_712], %swap3A_715 {strides = array<i32>} : memref<2x128x128xf32, #tpu.memory_space<vmem>>, vector<1x1x16xf32>,
      %scan3A_716 = arith.constant 0 : i32
      scf.yield %scan3A_716 : i32
    }
    %scan3A_406 = arith.constant 128 : i32
    %barrier3A = arith.constant 0 : index
    tpu.barrier barrier_id(%barrier3A)
    %scan3A_407 = arith.constant 0 : i32
    %scan3A_408 = arith.constant 0 : i32
    %scan3A_409 = arith.constant 80 : i32
    %scan3A_410 = arith.addi %scan3A_408, %scan3A_409 : i32
    %scan3A_411 = arith.constant 1 : i32
    %scan3A_412 = scf.for %scan3A_658 = %scan3A_408 to %scan3A_410 step %scan3A_411 iter_args(%scan3A_659 = %scan3A_407) -> (i32)  : i32 {
      %rem3A = arith.constant 2 : i32
      %rem3A_660 = arith.remsi %scan3A_658, %rem3A : i32
      %get3A_661 = arith.index_cast %scan3A_658 : i32 to index
      %get3A_662 = arith.constant 0 : index
      %get3A_663 = tpu.vector_load %arg6[%get3A_661, %get3A_662] {strides = array<i32>} : memref<80x128xi32, #tpu.memory_space<vmem>>, vector<1x16xi32>,
      %get3A_664 = vector.shape_cast %get3A_663 : vector<1x16xi32> to vector<16xi32>
      %and3A_665 = arith.constant 16383 : i32
      %and3A_666 = vector.broadcast %and3A_665 : i32 to vector<16xi32>
      %and3A_667 = arith.andi %get3A_664, %and3A_666 : vector<16xi32>
      %swap3A_668 = arith.index_cast %rem3A_660 : i32 to index
      %swap3A_669 = arith.constant 0 : index
      %swap3A_670 = tpu.vector_load %arg7[%swap3A_668, %swap3A_669] {strides = array<i32>} : memref<2x128xi32, #tpu.memory_space<vmem>>, vector<1x16xi32>,
      %swap3A_671 = vector.shape_cast %swap3A_670 : vector<1x16xi32> to vector<16xi32>
      %swap3A_672 = vector.shape_cast %and3A_667 : vector<16xi32> to vector<1x16xi32>
      tpu.vector_store %arg7[%swap3A_668, %swap3A_669], %swap3A_672 {strides = array<i32>} : memref<2x128xi32, #tpu.memory_space<vmem>>, vector<1x16xi32>,
      %shift_right_logical3A_673 = arith.constant 14 : i32
      %shift_right_logical3A_674 = vector.broadcast %shift_right_logical3A_673 : i32 to vector<16xi32>
      %shift_right_logical3A_675 = arith.shrui %get3A_664, %shift_right_logical3A_674 : vector<16xi32>
      %swap3A_676 = arith.index_cast %rem3A_660 : i32 to index
      %swap3A_677 = arith.constant 0 : index
      %swap3A_678 = tpu.vector_load %arg8[%swap3A_676, %swap3A_677] {strides = array<i32>} : memref<2x128xi32, #tpu.memory_space<vmem>>, vector<1x16xi32>,
      %swap3A_679 = vector.shape_cast %swap3A_678 : vector<1x16xi32> to vector<16xi32>
      %swap3A_680 = vector.shape_cast %shift_right_logical3A_675 : vector<16xi32> to vector<1x16xi32>
      tpu.vector_store %arg8[%swap3A_676, %swap3A_677], %swap3A_680 {strides = array<i32>} : memref<2x128xi32, #tpu.memory_space<vmem>>, vector<1x16xi32>,
      %get3A_681 = arith.index_cast %scan3A_658 : i32 to index
      %get3A_682 = arith.constant 16 : index
      %get3A_683 = tpu.vector_load %arg6[%get3A_681, %get3A_682] {strides = array<i32>} : memref<80x128xi32, #tpu.memory_space<vmem>>, vector<1x16xi32>,
      %get3A_684 = vector.shape_cast %get3A_683 : vector<1x16xi32> to vector<16xi32>
      %and3A_685 = arith.constant 16383 : i32
      %and3A_686 = vector.broadcast %and3A_685 : i32 to vector<16xi32>
      %and3A_687 = arith.andi %get3A_684, %and3A_686 : vector<16xi32>
      %swap3A_688 = arith.index_cast %rem3A_660 : i32 to index
      %swap3A_689 = arith.constant 16 : index
      %swap3A_690 = tpu.vector_load %arg7[%swap3A_688, %swap3A_689] {strides = array<i32>} : memref<2x128xi32, #tpu.memory_space<vmem>>, vector<1x16xi32>,
      %swap3A_691 = vector.shape_cast %swap3A_690 : vector<1x16xi32> to vector<16xi32>
      %swap3A_692 = vector.shape_cast %and3A_687 : vector<16xi32> to vector<1x16xi32>
      tpu.vector_store %arg7[%swap3A_688, %swap3A_689], %swap3A_692 {strides = array<i32>} : memref<2x128xi32, #tpu.memory_space<vmem>>, vector<1x16xi32>,
      %shift_right_logical3A_693 = arith.constant 14 : i32
      %shift_right_logical3A_694 = vector.broadcast %shift_right_logical3A_693 : i32 to vector<16xi32>
      %shift_right_logical3A_695 = arith.shrui %get3A_684, %shift_right_logical3A_694 : vector<16xi32>
      %swap3A_696 = arith.index_cast %rem3A_660 : i32 to index
      %swap3A_697 = arith.constant 16 : index
      %swap3A_698 = tpu.vector_load %arg8[%swap3A_696, %swap3A_697] {strides = array<i32>} : memref<2x128xi32, #tpu.memory_space<vmem>>, vector<1x16xi32>,
      %swap3A_699 = vector.shape_cast %swap3A_698 : vector<1x16xi32> to vector<16xi32>
      %swap3A_700 = vector.shape_cast %shift_right_logical3A_695 : vector<16xi32> to vector<1x16xi32>
      tpu.vector_store %arg8[%swap3A_696, %swap3A_697], %swap3A_700 {strides = array<i32>} : memref<2x128xi32, #tpu.memory_space<vmem>>, vector<1x16xi32>,
      %get3A_701 = arith.index_cast %scan3A_658 : i32 to index
      %get3A_702 = arith.constant 32 : index
      %get3A_703 = tpu.vector_load %arg6[%get3A_701, %get3A_702] {strides = array<i32>} : memref<80x128xi32, #tpu.memory_space<vmem>>, vector<1x16xi32>,
      %get3A_704 = vector.shape_cast %get3A_703 : vector<1x16xi32> to vector<16xi32>
      %and3A_705 = arith.constant 16383 : i32
      %and3A_706 = vector.broadcast %and3A_705 : i32 to vector<16xi32>
      %and3A_707 = arith.andi %get3A_704, %and3A_706 : vector<16xi32>
      %swap3A_708 = arith.index_cast %rem3A_660 : i32 to index
      %swap3A_709 = arith.constant 32 : index
      %swap3A_710 = tpu.vector_load %arg7[%swap3A_708, %swap3A_709] {strides = array<i32>} : memref<2x128xi32, #tpu.memory_space<vmem>>, vector<1x16xi32>,
      %swap3A_711 = vector.shape_cast %swap3A_710 : vector<1x16xi32> to vector<16xi32>
      %swap3A_712 = vector.shape_cast %and3A_707 : vector<16xi32> to vector<1x16xi32>
      tpu.vector_store %arg7[%swap3A_708, %swap3A_709], %swap3A_712 {strides = array<i32>} : memref<2x128xi32, #tpu.memory_space<vmem>>, vector<1x16xi32>,
      %shift_right_logical3A_713 = arith.constant 14 : i32
      %shift_right_logical3A_714 = vector.broadcast %shift_right_logical3A_713 : i32 to vector<16xi32>
      %shift_right_logical3A_715 = arith.shrui %get3A_704, %shift_right_logical3A_714 : vector<16xi32>
      %swap3A_716 = arith.index_cast %rem3A_660 : i32 to index
      %swap3A_717 = arith.constant 32 : index
      %swap3A_718 = tpu.vector_load %arg8[%swap3A_716, %swap3A_717] {strides = array<i32>} : memref<2x128xi32, #tpu.memory_space<vmem>>, vector<1x16xi32>,
      %swap3A_719 = vector.shape_cast %swap3A_718 : vector<1x16xi32> to vector<16xi32>
      %swap3A_720 = vector.shape_cast %shift_right_logical3A_715 : vector<16xi32> to vector<1x16xi32>
      tpu.vector_store %arg8[%swap3A_716, %swap3A_717], %swap3A_720 {strides = array<i32>} : memref<2x128xi32, #tpu.memory_space<vmem>>, vector<1x16xi32>,
      %get3A_721 = arith.index_cast %scan3A_658 : i32 to index
      %get3A_722 = arith.constant 48 : index
      %get3A_723 = tpu.vector_load %arg6[%get3A_721, %get3A_722] {strides = array<i32>} : memref<80x128xi32, #tpu.memory_space<vmem>>, vector<1x16xi32>,
      %get3A_724 = vector.shape_cast %get3A_723 : vector<1x16xi32> to vector<16xi32>
      %and3A_725 = arith.constant 16383 : i32
      %and3A_726 = vector.broadcast %and3A_725 : i32 to vector<16xi32>
      %and3A_727 = arith.andi %get3A_724, %and3A_726 : vector<16xi32>
      %swap3A_728 = arith.index_cast %rem3A_660 : i32 to index
      %swap3A_729 = arith.constant 48 : index
      %swap3A_730 = tpu.vector_load %arg7[%swap3A_728, %swap3A_729] {strides = array<i32>} : memref<2x128xi32, #tpu.memory_space<vmem>>, vector<1x16xi32>,
      %swap3A_731 = vector.shape_cast %swap3A_730 : vector<1x16xi32> to vector<16xi32>
      %swap3A_732 = vector.shape_cast %and3A_727 : vector<16xi32> to vector<1x16xi32>
      tpu.vector_store %arg7[%swap3A_728, %swap3A_729], %swap3A_732 {strides = array<i32>} : memref<2x128xi32, #tpu.memory_space<vmem>>, vector<1x16xi32>,
      %shift_right_logical3A_733 = arith.constant 14 : i32
      %shift_right_logical3A_734 = vector.broadcast %shift_right_logical3A_733 : i32 to vector<16xi32>
      %shift_right_logical3A_735 = arith.shrui %get3A_724, %shift_right_logical3A_734 : vector<16xi32>
      %swap3A_736 = arith.index_cast %rem3A_660 : i32 to index
      %swap3A_737 = arith.constant 48 : index
      %swap3A_738 = tpu.vector_load %arg8[%swap3A_736, %swap3A_737] {strides = array<i32>} : memref<2x128xi32, #tpu.memory_space<vmem>>, vector<1x16xi32>,
      %swap3A_739 = vector.shape_cast %swap3A_738 : vector<1x16xi32> to vector<16xi32>
      %swap3A_740 = vector.shape_cast %shift_right_logical3A_735 : vector<16xi32> to vector<1x16xi32>
      tpu.vector_store %arg8[%swap3A_736, %swap3A_737], %swap3A_740 {strides = array<i32>} : memref<2x128xi32, #tpu.memory_space<vmem>>, vector<1x16xi32>,
      %get3A_741 = arith.index_cast %scan3A_658 : i32 to index
      %get3A_742 = arith.constant 64 : index
      %get3A_743 = tpu.vector_load %arg6[%get3A_741, %get3A_742] {strides = array<i32>} : memref<80x128xi32, #tpu.memory_space<vmem>>, vector<1x16xi32>,
      %get3A_744 = vector.shape_cast %get3A_743 : vector<1x16xi32> to vector<16xi32>
      %and3A_745 = arith.constant 16383 : i32
      %and3A_746 = vector.broadcast %and3A_745 : i32 to vector<16xi32>
      %and3A_747 = arith.andi %get3A_744, %and3A_746 : vector<16xi32>
      %swap3A_748 = arith.index_cast %rem3A_660 : i32 to index
      %swap3A_749 = arith.constant 64 : index
      %swap3A_750 = tpu.vector_load %arg7[%swap3A_748, %swap3A_749] {strides = array<i32>} : memref<2x128xi32, #tpu.memory_space<vmem>>, vector<1x16xi32>,
      %swap3A_751 = vector.shape_cast %swap3A_750 : vector<1x16xi32> to vector<16xi32>
      %swap3A_752 = vector.shape_cast %and3A_747 : vector<16xi32> to vector<1x16xi32>
      tpu.vector_store %arg7[%swap3A_748, %swap3A_749], %swap3A_752 {strides = array<i32>} : memref<2x128xi32, #tpu.memory_space<vmem>>, vector<1x16xi32>,
      %shift_right_logical3A_753 = arith.constant 14 : i32
      %shift_right_logical3A_754 = vector.broadcast %shift_right_logical3A_753 : i32 to vector<16xi32>
      %shift_right_logical3A_755 = arith.shrui %get3A_744, %shift_right_logical3A_754 : vector<16xi32>
      %swap3A_756 = arith.index_cast %rem3A_660 : i32 to index
      %swap3A_757 = arith.constant 64 : index
      %swap3A_758 = tpu.vector_load %arg8[%swap3A_756, %swap3A_757] {strides = array<i32>} : memref<2x128xi32, #tpu.memory_space<vmem>>, vector<1x16xi32>,
      %swap3A_759 = vector.shape_cast %swap3A_758 : vector<1x16xi32> to vector<16xi32>
      %swap3A_760 = vector.shape_cast %shift_right_logical3A_755 : vector<16xi32> to vector<1x16xi32>
      tpu.vector_store %arg8[%swap3A_756, %swap3A_757], %swap3A_760 {strides = array<i32>} : memref<2x128xi32, #tpu.memory_space<vmem>>, vector<1x16xi32>,
      %get3A_761 = arith.index_cast %scan3A_658 : i32 to index
      %get3A_762 = arith.constant 80 : index
      %get3A_763 = tpu.vector_load %arg6[%get3A_761, %get3A_762] {strides = array<i32>} : memref<80x128xi32, #tpu.memory_space<vmem>>, vector<1x16xi32>,
      %get3A_764 = vector.shape_cast %get3A_763 : vector<1x16xi32> to vector<16xi32>
      %and3A_765 = arith.constant 16383 : i32
      %and3A_766 = vector.broadcast %and3A_765 : i32 to vector<16xi32>
      %and3A_767 = arith.andi %get3A_764, %and3A_766 : vector<16xi32>
      %swap3A_768 = arith.index_cast %rem3A_660 : i32 to index
      %swap3A_769 = arith.constant 80 : index
      %swap3A_770 = tpu.vector_load %arg7[%swap3A_768, %swap3A_769] {strides = array<i32>} : memref<2x128xi32, #tpu.memory_space<vmem>>, vector<1x16xi32>,
      %swap3A_771 = vector.shape_cast %swap3A_770 : vector<1x16xi32> to vector<16xi32>
      %swap3A_772 = vector.shape_cast %and3A_767 : vector<16xi32> to vector<1x16xi32>
      tpu.vector_store %arg7[%swap3A_768, %swap3A_769], %swap3A_772 {strides = array<i32>} : memref<2x128xi32, #tpu.memory_space<vmem>>, vector<1x16xi32>,
      %shift_right_logical3A_773 = arith.constant 14 : i32
      %shift_right_logical3A_774 = vector.broadcast %shift_right_logical3A_773 : i32 to vector<16xi32>
      %shift_right_logical3A_775 = arith.shrui %get3A_764, %shift_right_logical3A_774 : vector<16xi32>
      %swap3A_776 = arith.index_cast %rem3A_660 : i32 to index
      %swap3A_777 = arith.constant 80 : index
      %swap3A_778 = tpu.vector_load %arg8[%swap3A_776, %swap3A_777] {strides = array<i32>} : memref<2x128xi32, #tpu.memory_space<vmem>>, vector<1x16xi32>,
      %swap3A_779 = vector.shape_cast %swap3A_778 : vector<1x16xi32> to vector<16xi32>
      %swap3A_780 = vector.shape_cast %shift_right_logical3A_775 : vector<16xi32> to vector<1x16xi32>
      tpu.vector_store %arg8[%swap3A_776, %swap3A_777], %swap3A_780 {strides = array<i32>} : memref<2x128xi32, #tpu.memory_space<vmem>>, vector<1x16xi32>,
      %get3A_781 = arith.index_cast %scan3A_658 : i32 to index
      %get3A_782 = arith.constant 96 : index
      %get3A_783 = tpu.vector_load %arg6[%get3A_781, %get3A_782] {strides = array<i32>} : memref<80x128xi32, #tpu.memory_space<vmem>>, vector<1x16xi32>,
      %get3A_784 = vector.shape_cast %get3A_783 : vector<1x16xi32> to vector<16xi32>
      %and3A_785 = arith.constant 16383 : i32
      %and3A_786 = vector.broadcast %and3A_785 : i32 to vector<16xi32>
      %and3A_787 = arith.andi %get3A_784, %and3A_786 : vector<16xi32>
      %swap3A_788 = arith.index_cast %rem3A_660 : i32 to index
      %swap3A_789 = arith.constant 96 : index
      %swap3A_790 = tpu.vector_load %arg7[%swap3A_788, %swap3A_789] {strides = array<i32>} : memref<2x128xi32, #tpu.memory_space<vmem>>, vector<1x16xi32>,
      %swap3A_791 = vector.shape_cast %swap3A_790 : vector<1x16xi32> to vector<16xi32>
      %swap3A_792 = vector.shape_cast %and3A_787 : vector<16xi32> to vector<1x16xi32>
      tpu.vector_store %arg7[%swap3A_788, %swap3A_789], %swap3A_792 {strides = array<i32>} : memref<2x128xi32, #tpu.memory_space<vmem>>, vector<1x16xi32>,
      %shift_right_logical3A_793 = arith.constant 14 : i32
      %shift_right_logical3A_794 = vector.broadcast %shift_right_logical3A_793 : i32 to vector<16xi32>
      %shift_right_logical3A_795 = arith.shrui %get3A_784, %shift_right_logical3A_794 : vector<16xi32>
      %swap3A_796 = arith.index_cast %rem3A_660 : i32 to index
      %swap3A_797 = arith.constant 96 : index
      %swap3A_798 = tpu.vector_load %arg8[%swap3A_796, %swap3A_797] {strides = array<i32>} : memref<2x128xi32, #tpu.memory_space<vmem>>, vector<1x16xi32>,
      %swap3A_799 = vector.shape_cast %swap3A_798 : vector<1x16xi32> to vector<16xi32>
      %swap3A_800 = vector.shape_cast %shift_right_logical3A_795 : vector<16xi32> to vector<1x16xi32>
      tpu.vector_store %arg8[%swap3A_796, %swap3A_797], %swap3A_800 {strides = array<i32>} : memref<2x128xi32, #tpu.memory_space<vmem>>, vector<1x16xi32>,
      %get3A_801 = arith.index_cast %scan3A_658 : i32 to index
      %get3A_802 = arith.constant 112 : index
      %get3A_803 = tpu.vector_load %arg6[%get3A_801, %get3A_802] {strides = array<i32>} : memref<80x128xi32, #tpu.memory_space<vmem>>, vector<1x16xi32>,
      %get3A_804 = vector.shape_cast %get3A_803 : vector<1x16xi32> to vector<16xi32>
      %and3A_805 = arith.constant 16383 : i32
      %and3A_806 = vector.broadcast %and3A_805 : i32 to vector<16xi32>
      %and3A_807 = arith.andi %get3A_804, %and3A_806 : vector<16xi32>
      %swap3A_808 = arith.index_cast %rem3A_660 : i32 to index
      %swap3A_809 = arith.constant 112 : index
      %swap3A_810 = tpu.vector_load %arg7[%swap3A_808, %swap3A_809] {strides = array<i32>} : memref<2x128xi32, #tpu.memory_space<vmem>>, vector<1x16xi32>,
      %swap3A_811 = vector.shape_cast %swap3A_810 : vector<1x16xi32> to vector<16xi32>
      %swap3A_812 = vector.shape_cast %and3A_807 : vector<16xi32> to vector<1x16xi32>
      tpu.vector_store %arg7[%swap3A_808, %swap3A_809], %swap3A_812 {strides = array<i32>} : memref<2x128xi32, #tpu.memory_space<vmem>>, vector<1x16xi32>,
      %shift_right_logical3A_813 = arith.constant 14 : i32
      %shift_right_logical3A_814 = vector.broadcast %shift_right_logical3A_813 : i32 to vector<16xi32>
      %shift_right_logical3A_815 = arith.shrui %get3A_804, %shift_right_logical3A_814 : vector<16xi32>
      %swap3A_816 = arith.index_cast %rem3A_660 : i32 to index
      %swap3A_817 = arith.constant 112 : index
      %swap3A_818 = tpu.vector_load %arg8[%swap3A_816, %swap3A_817] {strides = array<i32>} : memref<2x128xi32, #tpu.memory_space<vmem>>, vector<1x16xi32>,
      %swap3A_819 = vector.shape_cast %swap3A_818 : vector<1x16xi32> to vector<16xi32>
      %swap3A_820 = vector.shape_cast %shift_right_logical3A_815 : vector<16xi32> to vector<1x16xi32>
      tpu.vector_store %arg8[%swap3A_816, %swap3A_817], %swap3A_820 {strides = array<i32>} : memref<2x128xi32, #tpu.memory_space<vmem>>, vector<1x16xi32>,
      %ge3A = arith.constant 1 : i32
      %ge3A_821 = arith.cmpi sge, %scan3A_658, %ge3A : i32
      %convert_element_type3A = arith.extui %ge3A_821 : i1 to i32
      %cond3A = arith.constant 0 : i32
      %cond3A_822 = arith.cmpi ne, %convert_element_type3A, %cond3A : i32
      scf.if %cond3A_822 {
        %dma_wait3A_835 = arith.constant 0 : i32
        %dma_wait3A_836 = arith.constant 0 : i32
        %dma_wait3A_837 = arith.constant 0 : i32
        %dma_wait3A_838 = arith.constant 0 : i32
        %dma_wait3A_839 = tpu.memref_slice %arg9[%dma_wait3A_835, %dma_wait3A_837, %dma_wait3A_838] : memref<2x128x128xf32, #tpu.memory_space<vmem>> -> memref<1x128x128xf32, #tpu.memory_space<vmem>>
        %dma_wait3A_840 = tpu.memref_squeeze %dma_wait3A_839 : memref<1x128x128xf32, #tpu.memory_space<vmem>> -> memref<128x128xf32, #tpu.memory_space<vmem>>
        %dma_wait3A_841 = arith.constant 0 : i32
        %dma_wait3A_842 = tpu.memref_slice %arg8[%dma_wait3A_836, %dma_wait3A_841] : memref<2x128xi32, #tpu.memory_space<vmem>> -> memref<1x128xi32, #tpu.memory_space<vmem>>
        %dma_wait3A_843 = tpu.memref_squeeze %dma_wait3A_842 : memref<1x128xi32, #tpu.memory_space<vmem>> -> memref<128xi32, #tpu.memory_space<vmem>>
        %dma_wait3A_844 = arith.constant 0 : i32
        %dma_wait3A_845 = arith.constant 0 : i32
        %dma_wait3A_846 = tpu.memref_slice %arg11[%dma_wait3A_844, %dma_wait3A_845] : memref<10240x128xf32, #tpu.memory_space<vmem_shared>> -> memref<10240x128xf32, #tpu.memory_space<vmem_shared>>
        tpu.wait_indirect_dma semaphore(%arg13 : memref<!tpu.dma_semaphore, #tpu.memory_space<semaphore_mem>>) src(%dma_wait3A_840 : memref<128x128xf32, #tpu.memory_space<vmem>>) dst(%dma_wait3A_846 : memref<10240x128xf32, #tpu.memory_space<vmem_shared>>)
      } else {
      }
      %dma_start3A_823 = arith.constant 0 : i32
      %dma_start3A_824 = arith.constant 0 : i32
      %dma_start3A_825 = arith.constant 0 : i32
      %dma_start3A_826 = tpu.memref_slice %arg9[%dma_start3A_823, %dma_start3A_824, %dma_start3A_825] : memref<2x128x128xf32, #tpu.memory_space<vmem>> -> memref<1x128x128xf32, #tpu.memory_space<vmem>>
      %dma_start3A_827 = tpu.memref_squeeze %dma_start3A_826 : memref<1x128x128xf32, #tpu.memory_space<vmem>> -> memref<128x128xf32, #tpu.memory_space<vmem>>
      %dma_start3A_828 = arith.constant 0 : i32
      %dma_start3A_829 = tpu.memref_slice %arg8[%rem3A_660, %dma_start3A_828] : memref<2x128xi32, #tpu.memory_space<vmem>> -> memref<1x128xi32, #tpu.memory_space<vmem>>
      %dma_start3A_830 = tpu.memref_squeeze %dma_start3A_829 : memref<1x128xi32, #tpu.memory_space<vmem>> -> memref<128xi32, #tpu.memory_space<vmem>>
      %dma_start3A_831 = arith.constant 0 : i32
      %dma_start3A_832 = arith.constant 0 : i32
      %dma_start3A_833 = tpu.memref_slice %arg11[%dma_start3A_831, %dma_start3A_832] : memref<10240x128xf32, #tpu.memory_space<vmem_shared>> -> memref<10240x128xf32, #tpu.memory_space<vmem_shared>>
      tpu.enqueue_indirect_dma source(%dma_start3A_827 : memref<128x128xf32, #tpu.memory_space<vmem>>) target(%dma_start3A_833 : memref<10240x128xf32, #tpu.memory_space<vmem_shared>>) offsets(%dma_start3A_830 : memref<128xi32, #tpu.memory_space<vmem>>) semaphore(%arg13 : memref<!tpu.dma_semaphore, #tpu.memory_space<semaphore_mem>>) {add = true}
      %scan3A_834 = arith.constant 0 : i32
      scf.yield %scan3A_834 : i32
    }
    %scan3A_413 = arith.constant 80 : i32
    %dma_wait3A = arith.constant 0 : i32
    %dma_wait3A_414 = arith.constant 0 : i32
    %dma_wait3A_415 = arith.constant 0 : i32
    %dma_wait3A_416 = arith.constant 0 : i32
    %dma_wait3A_417 = tpu.memref_slice %arg9[%dma_wait3A, %dma_wait3A_415, %dma_wait3A_416] : memref<2x128x128xf32, #tpu.memory_space<vmem>> -> memref<1x128x128xf32, #tpu.memory_space<vmem>>
    %dma_wait3A_418 = tpu.memref_squeeze %dma_wait3A_417 : memref<1x128x128xf32, #tpu.memory_space<vmem>> -> memref<128x128xf32, #tpu.memory_space<vmem>>
    %dma_wait3A_419 = arith.constant 0 : i32
    %dma_wait3A_420 = tpu.memref_slice %arg8[%dma_wait3A_414, %dma_wait3A_419] : memref<2x128xi32, #tpu.memory_space<vmem>> -> memref<1x128xi32, #tpu.memory_space<vmem>>
    %dma_wait3A_421 = tpu.memref_squeeze %dma_wait3A_420 : memref<1x128xi32, #tpu.memory_space<vmem>> -> memref<128xi32, #tpu.memory_space<vmem>>
    %dma_wait3A_422 = arith.constant 0 : i32
    %dma_wait3A_423 = arith.constant 0 : i32
    %dma_wait3A_424 = tpu.memref_slice %arg11[%dma_wait3A_422, %dma_wait3A_423] : memref<10240x128xf32, #tpu.memory_space<vmem_shared>> -> memref<10240x128xf32, #tpu.memory_space<vmem_shared>>
    tpu.wait_indirect_dma semaphore(%arg13 : memref<!tpu.dma_semaphore, #tpu.memory_space<semaphore_mem>>) src(%dma_wait3A_418 : memref<128x128xf32, #tpu.memory_space<vmem>>) dst(%dma_wait3A_424 : memref<10240x128xf32, #tpu.memory_space<vmem_shared>>)
    %barrier3A_425 = arith.constant 0 : index
    tpu.barrier barrier_id(%barrier3A_425)
    %mul3A_426 = arith.constant 640 : i32
    %mul3A_427 = arith.muli %arg1, %mul3A_426 : i32
    "tpu.region"() ({
      %run_scoped3A = tpu.sem_alloc : memref<!tpu.dma_semaphore, #tpu.memory_space<semaphore_mem>>
      %dma_start3A_658 = arith.constant 0 : i32
      %dma_start3A_659 = tpu.memref_slice %arg5[%arg0, %mul3A_427, %dma_start3A_658] : memref<2x10240x128xf32, #tpu.memory_space<hbm>> -> memref<1x640x128xf32, #tpu.memory_space<hbm>>
      %dma_start3A_660 = tpu.memref_squeeze %dma_start3A_659 : memref<1x640x128xf32, #tpu.memory_space<hbm>> -> memref<640x128xf32, #tpu.memory_space<hbm>>
      %dma_start3A_661 = arith.constant 0 : i32
      %dma_start3A_662 = tpu.memref_slice %arg11[%mul3A_427, %dma_start3A_661] : memref<10240x128xf32, #tpu.memory_space<vmem_shared>> -> memref<640x128xf32, #tpu.memory_space<vmem_shared>>
      tpu.enqueue_dma source(%dma_start3A_662 : memref<640x128xf32, #tpu.memory_space<vmem_shared>>) target(%dma_start3A_660 : memref<640x128xf32, #tpu.memory_space<hbm>>) target_semaphore(%run_scoped3A : memref<!tpu.dma_semaphore, #tpu.memory_space<semaphore_mem>>)
      %dma_wait3A_663 = arith.constant 0 : i32
      %dma_wait3A_664 = tpu.memref_slice %arg5[%arg0, %mul3A_427, %dma_wait3A_663] : memref<2x10240x128xf32, #tpu.memory_space<hbm>> -> memref<1x640x128xf32, #tpu.memory_space<hbm>>
      %dma_wait3A_665 = tpu.memref_squeeze %dma_wait3A_664 : memref<1x640x128xf32, #tpu.memory_space<hbm>> -> memref<640x128xf32, #tpu.memory_space<hbm>>
      %dma_wait3A_666 = arith.constant 0 : i32
      %dma_wait3A_667 = tpu.memref_slice %arg11[%mul3A_427, %dma_wait3A_666] : memref<10240x128xf32, #tpu.memory_space<vmem_shared>> -> memref<640x128xf32, #tpu.memory_space<vmem_shared>>
      tpu.wait_dma2 semaphore(%run_scoped3A : memref<!tpu.dma_semaphore, #tpu.memory_space<semaphore_mem>>) src(%dma_wait3A_667 : memref<640x128xf32, #tpu.memory_space<vmem_shared>>) dst(%dma_wait3A_665 : memref<640x128xf32, #tpu.memory_space<hbm>>)
      tpu.yield
    }) : () -> ()
    %barrier3A_428 = arith.constant 0 : index
    tpu.barrier barrier_id(%barrier3A_428)
    %scan3A_429 = arith.constant 0 : i32
    %scan3A_430 = arith.constant 0 : i32
    %scan3A_431 = arith.constant 80 : i32
    %scan3A_432 = arith.addi %scan3A_430, %scan3A_431 : i32
    %scan3A_433 = arith.constant 1 : i32
    %scan3A_434 = scf.for %scan3A_658 = %scan3A_430 to %scan3A_432 step %scan3A_433 iter_args(%scan3A_659 = %scan3A_429) -> (i32)  : i32 {
      %ge3A = arith.constant 4 : i32
      %ge3A_660 = arith.cmpi sge, %scan3A_658, %ge3A : i32
      %convert_element_type3A = arith.extui %ge3A_660 : i1 to i32
      %cond3A = arith.constant 0 : i32
      %cond3A_661 = arith.cmpi ne, %convert_element_type3A, %cond3A : i32
      scf.if %cond3A_661 {
        %dma_wait3A_672 = arith.constant 0 : i32
        %dma_wait3A_673 = arith.constant 0 : i32
        %dma_wait3A_674 = tpu.memref_slice %arg11[%dma_wait3A_672, %dma_wait3A_673] : memref<10240x128xf32, #tpu.memory_space<vmem_shared>> -> memref<8x128xf32, #tpu.memory_space<vmem_shared>>
        %dma_wait3A_675 = arith.constant 0 : i32
        %dma_wait3A_676 = arith.constant 0 : i32
        %dma_wait3A_677 = tpu.memref_slice %arg11[%dma_wait3A_675, %dma_wait3A_676] : memref<10240x128xf32, #tpu.memory_space<vmem_shared>> -> memref<8x128xf32, #tpu.memory_space<vmem_shared>>
        tpu.wait_dma2 semaphore(%arg13 : memref<!tpu.dma_semaphore, #tpu.memory_space<semaphore_mem>>) src(%arg10 : memref<8x128xf32, #tpu.memory_space<vmem>>) dst(%dma_wait3A_677 : memref<8x128xf32, #tpu.memory_space<vmem_shared>>)
      } else {
      }
      %mul3A_662 = arith.constant 640 : i32
      %mul3A_663 = arith.muli %arg1, %mul3A_662 : i32
      %mul3A_664 = arith.constant 8 : i32
      %mul3A_665 = arith.muli %scan3A_658, %mul3A_664 : i32
      %add3A_666 = arith.addi %mul3A_663, %mul3A_665 : i32
      %dma_start3A_667 = arith.constant 0 : i32
      %dma_start3A_668 = tpu.memref_slice %arg11[%add3A_666, %dma_start3A_667] : memref<10240x128xf32, #tpu.memory_space<vmem_shared>> -> memref<8x128xf32, #tpu.memory_space<vmem_shared>>
      %dma_start3A_669 = arith.constant 0 : i32
      %dma_start3A_670 = tpu.memref_slice %arg11[%add3A_666, %dma_start3A_669] : memref<10240x128xf32, #tpu.memory_space<vmem_shared>> -> memref<8x128xf32, #tpu.memory_space<vmem_shared>>
      tpu.enqueue_dma source(%arg10 : memref<8x128xf32, #tpu.memory_space<vmem>>) target(%dma_start3A_670 : memref<8x128xf32, #tpu.memory_space<vmem_shared>>) target_semaphore(%arg13 : memref<!tpu.dma_semaphore, #tpu.memory_space<semaphore_mem>>)
      %scan3A_671 = arith.constant 0 : i32
      scf.yield %scan3A_671 : i32
    }
    %scan3A_435 = arith.constant 80 : i32
    %scan3A_436 = arith.constant 0 : i32
    %scan3A_437 = arith.constant 0 : i32
    %scan3A_438 = arith.constant 4 : i32
    %scan3A_439 = arith.addi %scan3A_437, %scan3A_438 : i32
    %scan3A_440 = arith.constant 1 : i32
    %scan3A_441 = scf.for %scan3A_658 = %scan3A_437 to %scan3A_439 step %scan3A_440 iter_args(%scan3A_659 = %scan3A_436) -> (i32)  : i32 {
      %dma_wait3A_660 = arith.constant 0 : i32
      %dma_wait3A_661 = arith.constant 0 : i32
      %dma_wait3A_662 = tpu.memref_slice %arg11[%dma_wait3A_660, %dma_wait3A_661] : memref<10240x128xf32, #tpu.memory_space<vmem_shared>> -> memref<8x128xf32, #tpu.memory_space<vmem_shared>>
      %dma_wait3A_663 = arith.constant 0 : i32
      %dma_wait3A_664 = arith.constant 0 : i32
      %dma_wait3A_665 = tpu.memref_slice %arg11[%dma_wait3A_663, %dma_wait3A_664] : memref<10240x128xf32, #tpu.memory_space<vmem_shared>> -> memref<8x128xf32, #tpu.memory_space<vmem_shared>>
      tpu.wait_dma2 semaphore(%arg13 : memref<!tpu.dma_semaphore, #tpu.memory_space<semaphore_mem>>) src(%arg10 : memref<8x128xf32, #tpu.memory_space<vmem>>) dst(%dma_wait3A_665 : memref<8x128xf32, #tpu.memory_space<vmem_shared>>)
      %scan3A_666 = arith.constant 0 : i32
      scf.yield %scan3A_666 : i32
    }
    %scan3A_442 = arith.constant 4 : i32
    %barrier3A_443 = arith.constant 0 : index
    tpu.barrier barrier_id(%barrier3A_443)
    %get3A = arith.constant 0 : i32
    %get3A_444 = arith.index_cast %get3A : i32 to index
    %get3A_445 = arith.constant 0 : index
    %get3A_446 = tpu.vector_load %arg6[%get3A_444, %get3A_445] {strides = array<i32>} : memref<80x128xi32, #tpu.memory_space<vmem>>, vector<1x16xi32>,
    %get3A_447 = vector.shape_cast %get3A_446 : vector<1x16xi32> to vector<16xi32>
    %and3A = arith.constant 16383 : i32
    %and3A_448 = vector.broadcast %and3A : i32 to vector<16xi32>
    %and3A_449 = arith.andi %get3A_447, %and3A_448 : vector<16xi32>
    %swap3A_450 = arith.constant 0 : i32
    %swap3A_451 = arith.index_cast %swap3A_450 : i32 to index
    %swap3A_452 = arith.constant 0 : index
    %swap3A_453 = tpu.vector_load %arg7[%swap3A_451, %swap3A_452] {strides = array<i32>} : memref<2x128xi32, #tpu.memory_space<vmem>>, vector<1x16xi32>,
    %swap3A_454 = vector.shape_cast %swap3A_453 : vector<1x16xi32> to vector<16xi32>
    %swap3A_455 = vector.shape_cast %and3A_449 : vector<16xi32> to vector<1x16xi32>
    tpu.vector_store %arg7[%swap3A_451, %swap3A_452], %swap3A_455 {strides = array<i32>} : memref<2x128xi32, #tpu.memory_space<vmem>>, vector<1x16xi32>,
    %shift_right_logical3A = arith.constant 14 : i32
    %shift_right_logical3A_456 = vector.broadcast %shift_right_logical3A : i32 to vector<16xi32>
    %shift_right_logical3A_457 = arith.shrui %get3A_447, %shift_right_logical3A_456 : vector<16xi32>
    %swap3A_458 = arith.constant 0 : i32
    %swap3A_459 = arith.index_cast %swap3A_458 : i32 to index
    %swap3A_460 = arith.constant 0 : index
    %swap3A_461 = tpu.vector_load %arg8[%swap3A_459, %swap3A_460] {strides = array<i32>} : memref<2x128xi32, #tpu.memory_space<vmem>>, vector<1x16xi32>,
    %swap3A_462 = vector.shape_cast %swap3A_461 : vector<1x16xi32> to vector<16xi32>
    %swap3A_463 = vector.shape_cast %shift_right_logical3A_457 : vector<16xi32> to vector<1x16xi32>
    tpu.vector_store %arg8[%swap3A_459, %swap3A_460], %swap3A_463 {strides = array<i32>} : memref<2x128xi32, #tpu.memory_space<vmem>>, vector<1x16xi32>,
    %get3A_464 = arith.constant 0 : i32
    %get3A_465 = arith.index_cast %get3A_464 : i32 to index
    %get3A_466 = arith.constant 16 : index
    %get3A_467 = tpu.vector_load %arg6[%get3A_465, %get3A_466] {strides = array<i32>} : memref<80x128xi32, #tpu.memory_space<vmem>>, vector<1x16xi32>,
    %get3A_468 = vector.shape_cast %get3A_467 : vector<1x16xi32> to vector<16xi32>
    %and3A_469 = arith.constant 16383 : i32
    %and3A_470 = vector.broadcast %and3A_469 : i32 to vector<16xi32>
    %and3A_471 = arith.andi %get3A_468, %and3A_470 : vector<16xi32>
    %swap3A_472 = arith.constant 0 : i32
    %swap3A_473 = arith.index_cast %swap3A_472 : i32 to index
    %swap3A_474 = arith.constant 16 : index
    %swap3A_475 = tpu.vector_load %arg7[%swap3A_473, %swap3A_474] {strides = array<i32>} : memref<2x128xi32, #tpu.memory_space<vmem>>, vector<1x16xi32>,
    %swap3A_476 = vector.shape_cast %swap3A_475 : vector<1x16xi32> to vector<16xi32>
    %swap3A_477 = vector.shape_cast %and3A_471 : vector<16xi32> to vector<1x16xi32>
    tpu.vector_store %arg7[%swap3A_473, %swap3A_474], %swap3A_477 {strides = array<i32>} : memref<2x128xi32, #tpu.memory_space<vmem>>, vector<1x16xi32>,
    %shift_right_logical3A_478 = arith.constant 14 : i32
    %shift_right_logical3A_479 = vector.broadcast %shift_right_logical3A_478 : i32 to vector<16xi32>
    %shift_right_logical3A_480 = arith.shrui %get3A_468, %shift_right_logical3A_479 : vector<16xi32>
    %swap3A_481 = arith.constant 0 : i32
    %swap3A_482 = arith.index_cast %swap3A_481 : i32 to index
    %swap3A_483 = arith.constant 16 : index
    %swap3A_484 = tpu.vector_load %arg8[%swap3A_482, %swap3A_483] {strides = array<i32>} : memref<2x128xi32, #tpu.memory_space<vmem>>, vector<1x16xi32>,
    %swap3A_485 = vector.shape_cast %swap3A_484 : vector<1x16xi32> to vector<16xi32>
    %swap3A_486 = vector.shape_cast %shift_right_logical3A_480 : vector<16xi32> to vector<1x16xi32>
    tpu.vector_store %arg8[%swap3A_482, %swap3A_483], %swap3A_486 {strides = array<i32>} : memref<2x128xi32, #tpu.memory_space<vmem>>, vector<1x16xi32>,
    %get3A_487 = arith.constant 0 : i32
    %get3A_488 = arith.index_cast %get3A_487 : i32 to index
    %get3A_489 = arith.constant 32 : index
    %get3A_490 = tpu.vector_load %arg6[%get3A_488, %get3A_489] {strides = array<i32>} : memref<80x128xi32, #tpu.memory_space<vmem>>, vector<1x16xi32>,
    %get3A_491 = vector.shape_cast %get3A_490 : vector<1x16xi32> to vector<16xi32>
    %and3A_492 = arith.constant 16383 : i32
    %and3A_493 = vector.broadcast %and3A_492 : i32 to vector<16xi32>
    %and3A_494 = arith.andi %get3A_491, %and3A_493 : vector<16xi32>
    %swap3A_495 = arith.constant 0 : i32
    %swap3A_496 = arith.index_cast %swap3A_495 : i32 to index
    %swap3A_497 = arith.constant 32 : index
    %swap3A_498 = tpu.vector_load %arg7[%swap3A_496, %swap3A_497] {strides = array<i32>} : memref<2x128xi32, #tpu.memory_space<vmem>>, vector<1x16xi32>,
    %swap3A_499 = vector.shape_cast %swap3A_498 : vector<1x16xi32> to vector<16xi32>
    %swap3A_500 = vector.shape_cast %and3A_494 : vector<16xi32> to vector<1x16xi32>
    tpu.vector_store %arg7[%swap3A_496, %swap3A_497], %swap3A_500 {strides = array<i32>} : memref<2x128xi32, #tpu.memory_space<vmem>>, vector<1x16xi32>,
    %shift_right_logical3A_501 = arith.constant 14 : i32
    %shift_right_logical3A_502 = vector.broadcast %shift_right_logical3A_501 : i32 to vector<16xi32>
    %shift_right_logical3A_503 = arith.shrui %get3A_491, %shift_right_logical3A_502 : vector<16xi32>
    %swap3A_504 = arith.constant 0 : i32
    %swap3A_505 = arith.index_cast %swap3A_504 : i32 to index
    %swap3A_506 = arith.constant 32 : index
    %swap3A_507 = tpu.vector_load %arg8[%swap3A_505, %swap3A_506] {strides = array<i32>} : memref<2x128xi32, #tpu.memory_space<vmem>>, vector<1x16xi32>,
    %swap3A_508 = vector.shape_cast %swap3A_507 : vector<1x16xi32> to vector<16xi32>
    %swap3A_509 = vector.shape_cast %shift_right_logical3A_503 : vector<16xi32> to vector<1x16xi32>
    tpu.vector_store %arg8[%swap3A_505, %swap3A_506], %swap3A_509 {strides = array<i32>} : memref<2x128xi32, #tpu.memory_space<vmem>>, vector<1x16xi32>,
    %get3A_510 = arith.constant 0 : i32
    %get3A_511 = arith.index_cast %get3A_510 : i32 to index
    %get3A_512 = arith.constant 48 : index
    %get3A_513 = tpu.vector_load %arg6[%get3A_511, %get3A_512] {strides = array<i32>} : memref<80x128xi32, #tpu.memory_space<vmem>>, vector<1x16xi32>,
    %get3A_514 = vector.shape_cast %get3A_513 : vector<1x16xi32> to vector<16xi32>
    %and3A_515 = arith.constant 16383 : i32
    %and3A_516 = vector.broadcast %and3A_515 : i32 to vector<16xi32>
    %and3A_517 = arith.andi %get3A_514, %and3A_516 : vector<16xi32>
    %swap3A_518 = arith.constant 0 : i32
    %swap3A_519 = arith.index_cast %swap3A_518 : i32 to index
    %swap3A_520 = arith.constant 48 : index
    %swap3A_521 = tpu.vector_load %arg7[%swap3A_519, %swap3A_520] {strides = array<i32>} : memref<2x128xi32, #tpu.memory_space<vmem>>, vector<1x16xi32>,
    %swap3A_522 = vector.shape_cast %swap3A_521 : vector<1x16xi32> to vector<16xi32>
    %swap3A_523 = vector.shape_cast %and3A_517 : vector<16xi32> to vector<1x16xi32>
    tpu.vector_store %arg7[%swap3A_519, %swap3A_520], %swap3A_523 {strides = array<i32>} : memref<2x128xi32, #tpu.memory_space<vmem>>, vector<1x16xi32>,
    %shift_right_logical3A_524 = arith.constant 14 : i32
    %shift_right_logical3A_525 = vector.broadcast %shift_right_logical3A_524 : i32 to vector<16xi32>
    %shift_right_logical3A_526 = arith.shrui %get3A_514, %shift_right_logical3A_525 : vector<16xi32>
    %swap3A_527 = arith.constant 0 : i32
    %swap3A_528 = arith.index_cast %swap3A_527 : i32 to index
    %swap3A_529 = arith.constant 48 : index
    %swap3A_530 = tpu.vector_load %arg8[%swap3A_528, %swap3A_529] {strides = array<i32>} : memref<2x128xi32, #tpu.memory_space<vmem>>, vector<1x16xi32>,
    %swap3A_531 = vector.shape_cast %swap3A_530 : vector<1x16xi32> to vector<16xi32>
    %swap3A_532 = vector.shape_cast %shift_right_logical3A_526 : vector<16xi32> to vector<1x16xi32>
    tpu.vector_store %arg8[%swap3A_528, %swap3A_529], %swap3A_532 {strides = array<i32>} : memref<2x128xi32, #tpu.memory_space<vmem>>, vector<1x16xi32>,
    %get3A_533 = arith.constant 0 : i32
    %get3A_534 = arith.index_cast %get3A_533 : i32 to index
    %get3A_535 = arith.constant 64 : index
    %get3A_536 = tpu.vector_load %arg6[%get3A_534, %get3A_535] {strides = array<i32>} : memref<80x128xi32, #tpu.memory_space<vmem>>, vector<1x16xi32>,
    %get3A_537 = vector.shape_cast %get3A_536 : vector<1x16xi32> to vector<16xi32>
    %and3A_538 = arith.constant 16383 : i32
    %and3A_539 = vector.broadcast %and3A_538 : i32 to vector<16xi32>
    %and3A_540 = arith.andi %get3A_537, %and3A_539 : vector<16xi32>
    %swap3A_541 = arith.constant 0 : i32
    %swap3A_542 = arith.index_cast %swap3A_541 : i32 to index
    %swap3A_543 = arith.constant 64 : index
    %swap3A_544 = tpu.vector_load %arg7[%swap3A_542, %swap3A_543] {strides = array<i32>} : memref<2x128xi32, #tpu.memory_space<vmem>>, vector<1x16xi32>,
    %swap3A_545 = vector.shape_cast %swap3A_544 : vector<1x16xi32> to vector<16xi32>
    %swap3A_546 = vector.shape_cast %and3A_540 : vector<16xi32> to vector<1x16xi32>
    tpu.vector_store %arg7[%swap3A_542, %swap3A_543], %swap3A_546 {strides = array<i32>} : memref<2x128xi32, #tpu.memory_space<vmem>>, vector<1x16xi32>,
    %shift_right_logical3A_547 = arith.constant 14 : i32
    %shift_right_logical3A_548 = vector.broadcast %shift_right_logical3A_547 : i32 to vector<16xi32>
    %shift_right_logical3A_549 = arith.shrui %get3A_537, %shift_right_logical3A_548 : vector<16xi32>
    %swap3A_550 = arith.constant 0 : i32
    %swap3A_551 = arith.index_cast %swap3A_550 : i32 to index
    %swap3A_552 = arith.constant 64 : index
    %swap3A_553 = tpu.vector_load %arg8[%swap3A_551, %swap3A_552] {strides = array<i32>} : memref<2x128xi32, #tpu.memory_space<vmem>>, vector<1x16xi32>,
    %swap3A_554 = vector.shape_cast %swap3A_553 : vector<1x16xi32> to vector<16xi32>
    %swap3A_555 = vector.shape_cast %shift_right_logical3A_549 : vector<16xi32> to vector<1x16xi32>
    tpu.vector_store %arg8[%swap3A_551, %swap3A_552], %swap3A_555 {strides = array<i32>} : memref<2x128xi32, #tpu.memory_space<vmem>>, vector<1x16xi32>,
    %get3A_556 = arith.constant 0 : i32
    %get3A_557 = arith.index_cast %get3A_556 : i32 to index
    %get3A_558 = arith.constant 80 : index
    %get3A_559 = tpu.vector_load %arg6[%get3A_557, %get3A_558] {strides = array<i32>} : memref<80x128xi32, #tpu.memory_space<vmem>>, vector<1x16xi32>,
    %get3A_560 = vector.shape_cast %get3A_559 : vector<1x16xi32> to vector<16xi32>
    %and3A_561 = arith.constant 16383 : i32
    %and3A_562 = vector.broadcast %and3A_561 : i32 to vector<16xi32>
    %and3A_563 = arith.andi %get3A_560, %and3A_562 : vector<16xi32>
    %swap3A_564 = arith.constant 0 : i32
    %swap3A_565 = arith.index_cast %swap3A_564 : i32 to index
    %swap3A_566 = arith.constant 80 : index
    %swap3A_567 = tpu.vector_load %arg7[%swap3A_565, %swap3A_566] {strides = array<i32>} : memref<2x128xi32, #tpu.memory_space<vmem>>, vector<1x16xi32>,
    %swap3A_568 = vector.shape_cast %swap3A_567 : vector<1x16xi32> to vector<16xi32>
    %swap3A_569 = vector.shape_cast %and3A_563 : vector<16xi32> to vector<1x16xi32>
    tpu.vector_store %arg7[%swap3A_565, %swap3A_566], %swap3A_569 {strides = array<i32>} : memref<2x128xi32, #tpu.memory_space<vmem>>, vector<1x16xi32>,
    %shift_right_logical3A_570 = arith.constant 14 : i32
    %shift_right_logical3A_571 = vector.broadcast %shift_right_logical3A_570 : i32 to vector<16xi32>
    %shift_right_logical3A_572 = arith.shrui %get3A_560, %shift_right_logical3A_571 : vector<16xi32>
    %swap3A_573 = arith.constant 0 : i32
    %swap3A_574 = arith.index_cast %swap3A_573 : i32 to index
    %swap3A_575 = arith.constant 80 : index
    %swap3A_576 = tpu.vector_load %arg8[%swap3A_574, %swap3A_575] {strides = array<i32>} : memref<2x128xi32, #tpu.memory_space<vmem>>, vector<1x16xi32>,
    %swap3A_577 = vector.shape_cast %swap3A_576 : vector<1x16xi32> to vector<16xi32>
    %swap3A_578 = vector.shape_cast %shift_right_logical3A_572 : vector<16xi32> to vector<1x16xi32>
    tpu.vector_store %arg8[%swap3A_574, %swap3A_575], %swap3A_578 {strides = array<i32>} : memref<2x128xi32, #tpu.memory_space<vmem>>, vector<1x16xi32>,
    %get3A_579 = arith.constant 0 : i32
    %get3A_580 = arith.index_cast %get3A_579 : i32 to index
    %get3A_581 = arith.constant 96 : index
    %get3A_582 = tpu.vector_load %arg6[%get3A_580, %get3A_581] {strides = array<i32>} : memref<80x128xi32, #tpu.memory_space<vmem>>, vector<1x16xi32>,
    %get3A_583 = vector.shape_cast %get3A_582 : vector<1x16xi32> to vector<16xi32>
    %and3A_584 = arith.constant 16383 : i32
    %and3A_585 = vector.broadcast %and3A_584 : i32 to vector<16xi32>
    %and3A_586 = arith.andi %get3A_583, %and3A_585 : vector<16xi32>
    %swap3A_587 = arith.constant 0 : i32
    %swap3A_588 = arith.index_cast %swap3A_587 : i32 to index
    %swap3A_589 = arith.constant 96 : index
    %swap3A_590 = tpu.vector_load %arg7[%swap3A_588, %swap3A_589] {strides = array<i32>} : memref<2x128xi32, #tpu.memory_space<vmem>>, vector<1x16xi32>,
    %swap3A_591 = vector.shape_cast %swap3A_590 : vector<1x16xi32> to vector<16xi32>
    %swap3A_592 = vector.shape_cast %and3A_586 : vector<16xi32> to vector<1x16xi32>
    tpu.vector_store %arg7[%swap3A_588, %swap3A_589], %swap3A_592 {strides = array<i32>} : memref<2x128xi32, #tpu.memory_space<vmem>>, vector<1x16xi32>,
    %shift_right_logical3A_593 = arith.constant 14 : i32
    %shift_right_logical3A_594 = vector.broadcast %shift_right_logical3A_593 : i32 to vector<16xi32>
    %shift_right_logical3A_595 = arith.shrui %get3A_583, %shift_right_logical3A_594 : vector<16xi32>
    %swap3A_596 = arith.constant 0 : i32
    %swap3A_597 = arith.index_cast %swap3A_596 : i32 to index
    %swap3A_598 = arith.constant 96 : index
    %swap3A_599 = tpu.vector_load %arg8[%swap3A_597, %swap3A_598] {strides = array<i32>} : memref<2x128xi32, #tpu.memory_space<vmem>>, vector<1x16xi32>,
    %swap3A_600 = vector.shape_cast %swap3A_599 : vector<1x16xi32> to vector<16xi32>
    %swap3A_601 = vector.shape_cast %shift_right_logical3A_595 : vector<16xi32> to vector<1x16xi32>
    tpu.vector_store %arg8[%swap3A_597, %swap3A_598], %swap3A_601 {strides = array<i32>} : memref<2x128xi32, #tpu.memory_space<vmem>>, vector<1x16xi32>,
    %get3A_602 = arith.constant 0 : i32
    %get3A_603 = arith.index_cast %get3A_602 : i32 to index
    %get3A_604 = arith.constant 112 : index
    %get3A_605 = tpu.vector_load %arg6[%get3A_603, %get3A_604] {strides = array<i32>} : memref<80x128xi32, #tpu.memory_space<vmem>>, vector<1x16xi32>,
    %get3A_606 = vector.shape_cast %get3A_605 : vector<1x16xi32> to vector<16xi32>
    %and3A_607 = arith.constant 16383 : i32
    %and3A_608 = vector.broadcast %and3A_607 : i32 to vector<16xi32>
    %and3A_609 = arith.andi %get3A_606, %and3A_608 : vector<16xi32>
    %swap3A_610 = arith.constant 0 : i32
    %swap3A_611 = arith.index_cast %swap3A_610 : i32 to index
    %swap3A_612 = arith.constant 112 : index
    %swap3A_613 = tpu.vector_load %arg7[%swap3A_611, %swap3A_612] {strides = array<i32>} : memref<2x128xi32, #tpu.memory_space<vmem>>, vector<1x16xi32>,
    %swap3A_614 = vector.shape_cast %swap3A_613 : vector<1x16xi32> to vector<16xi32>
    %swap3A_615 = vector.shape_cast %and3A_609 : vector<16xi32> to vector<1x16xi32>
    tpu.vector_store %arg7[%swap3A_611, %swap3A_612], %swap3A_615 {strides = array<i32>} : memref<2x128xi32, #tpu.memory_space<vmem>>, vector<1x16xi32>,
    %shift_right_logical3A_616 = arith.constant 14 : i32
    %shift_right_logical3A_617 = vector.broadcast %shift_right_logical3A_616 : i32 to vector<16xi32>
    %shift_right_logical3A_618 = arith.shrui %get3A_606, %shift_right_logical3A_617 : vector<16xi32>
    %swap3A_619 = arith.constant 0 : i32
    %swap3A_620 = arith.index_cast %swap3A_619 : i32 to index
    %swap3A_621 = arith.constant 112 : index
    %swap3A_622 = tpu.vector_load %arg8[%swap3A_620, %swap3A_621] {strides = array<i32>} : memref<2x128xi32, #tpu.memory_space<vmem>>, vector<1x16xi32>,
    %swap3A_623 = vector.shape_cast %swap3A_622 : vector<1x16xi32> to vector<16xi32>
    %swap3A_624 = vector.shape_cast %shift_right_logical3A_618 : vector<16xi32> to vector<1x16xi32>
    tpu.vector_store %arg8[%swap3A_620, %swap3A_621], %swap3A_624 {strides = array<i32>} : memref<2x128xi32, #tpu.memory_space<vmem>>, vector<1x16xi32>,
    %dma_start3A = arith.constant 0 : i32
    %dma_start3A_625 = arith.constant 0 : i32
    %dma_start3A_626 = arith.constant 0 : i32
    %dma_start3A_627 = arith.constant 0 : i32
    %dma_start3A_628 = tpu.memref_slice %arg9[%dma_start3A_625, %dma_start3A_626, %dma_start3A_627] : memref<2x128x128xf32, #tpu.memory_space<vmem>> -> memref<1x128x128xf32, #tpu.memory_space<vmem>>
    %dma_start3A_629 = tpu.memref_squeeze %dma_start3A_628 : memref<1x128x128xf32, #tpu.memory_space<vmem>> -> memref<128x128xf32, #tpu.memory_space<vmem>>
    %dma_start3A_630 = arith.constant 0 : i32
    %dma_start3A_631 = tpu.memref_slice %arg7[%dma_start3A, %dma_start3A_630] : memref<2x128xi32, #tpu.memory_space<vmem>> -> memref<1x128xi32, #tpu.memory_space<vmem>>
    %dma_start3A_632 = tpu.memref_squeeze %dma_start3A_631 : memref<1x128xi32, #tpu.memory_space<vmem>> -> memref<128xi32, #tpu.memory_space<vmem>>
    %dma_start3A_633 = arith.constant 0 : i32
    %dma_start3A_634 = arith.constant 0 : i32
    %dma_start3A_635 = tpu.memref_slice %arg2[%dma_start3A_633, %dma_start3A_634] : memref<10240x128xf32, #tpu.memory_space<hbm>> -> memref<10240x128xf32, #tpu.memory_space<hbm>>
    tpu.enqueue_indirect_dma source(%dma_start3A_635 : memref<10240x128xf32, #tpu.memory_space<hbm>>) target(%dma_start3A_629 : memref<128x128xf32, #tpu.memory_space<vmem>>) offsets(%dma_start3A_632 : memref<128xi32, #tpu.memory_space<vmem>>) semaphore(%arg12 : memref<!tpu.dma_semaphore, #tpu.memory_space<semaphore_mem>>)
    %scan3A_636 = arith.constant 0 : i32
    %scan3A_637 = arith.constant 0 : i32
    %scan3A_638 = arith.constant 80 : i32
    %scan3A_639 = arith.addi %scan3A_637, %scan3A_638 : i32
    %scan3A_640 = arith.constant 1 : i32
    %scan3A_641 = scf.for %scan3A_658 = %scan3A_637 to %scan3A_639 step %scan3A_640 iter_args(%scan3A_659 = %scan3A_636) -> (i32)  : i32 {
      %rem3A = arith.constant 2 : i32
      %rem3A_660 = arith.remsi %scan3A_658, %rem3A : i32
      %dma_wait3A_661 = arith.constant 0 : i32
      %dma_wait3A_662 = arith.constant 0 : i32
      %dma_wait3A_663 = tpu.memref_slice %arg9[%rem3A_660, %dma_wait3A_661, %dma_wait3A_662] : memref<2x128x128xf32, #tpu.memory_space<vmem>> -> memref<1x128x128xf32, #tpu.memory_space<vmem>>
      %dma_wait3A_664 = tpu.memref_squeeze %dma_wait3A_663 : memref<1x128x128xf32, #tpu.memory_space<vmem>> -> memref<128x128xf32, #tpu.memory_space<vmem>>
      %dma_wait3A_665 = arith.constant 0 : i32
      %dma_wait3A_666 = tpu.memref_slice %arg7[%rem3A_660, %dma_wait3A_665] : memref<2x128xi32, #tpu.memory_space<vmem>> -> memref<1x128xi32, #tpu.memory_space<vmem>>
      %dma_wait3A_667 = tpu.memref_squeeze %dma_wait3A_666 : memref<1x128xi32, #tpu.memory_space<vmem>> -> memref<128xi32, #tpu.memory_space<vmem>>
      %dma_wait3A_668 = arith.constant 0 : i32
      %dma_wait3A_669 = arith.constant 0 : i32
      %dma_wait3A_670 = tpu.memref_slice %arg2[%dma_wait3A_668, %dma_wait3A_669] : memref<10240x128xf32, #tpu.memory_space<hbm>> -> memref<10240x128xf32, #tpu.memory_space<hbm>>
      tpu.wait_indirect_dma semaphore(%arg12 : memref<!tpu.dma_semaphore, #tpu.memory_space<semaphore_mem>>) src(%dma_wait3A_670 : memref<10240x128xf32, #tpu.memory_space<hbm>>) dst(%dma_wait3A_664 : memref<128x128xf32, #tpu.memory_space<vmem>>)
      %ge3A = arith.constant 1 : i32
      %ge3A_671 = arith.cmpi sge, %scan3A_658, %ge3A : i32
      %convert_element_type3A = arith.extui %ge3A_671 : i1 to i32
      %cond3A = arith.constant 0 : i32
      %cond3A_672 = arith.cmpi ne, %convert_element_type3A, %cond3A : i32
      scf.if %cond3A_672 {
        %dma_wait3A_688 = arith.constant 0 : i32
        %dma_wait3A_689 = arith.constant 0 : i32
        %dma_wait3A_690 = arith.constant 0 : i32
        %dma_wait3A_691 = arith.constant 0 : i32
        %dma_wait3A_692 = tpu.memref_slice %arg9[%dma_wait3A_688, %dma_wait3A_690, %dma_wait3A_691] : memref<2x128x128xf32, #tpu.memory_space<vmem>> -> memref<1x128x128xf32, #tpu.memory_space<vmem>>
        %dma_wait3A_693 = tpu.memref_squeeze %dma_wait3A_692 : memref<1x128x128xf32, #tpu.memory_space<vmem>> -> memref<128x128xf32, #tpu.memory_space<vmem>>
        %dma_wait3A_694 = arith.constant 0 : i32
        %dma_wait3A_695 = tpu.memref_slice %arg8[%dma_wait3A_689, %dma_wait3A_694] : memref<2x128xi32, #tpu.memory_space<vmem>> -> memref<1x128xi32, #tpu.memory_space<vmem>>
        %dma_wait3A_696 = tpu.memref_squeeze %dma_wait3A_695 : memref<1x128xi32, #tpu.memory_space<vmem>> -> memref<128xi32, #tpu.memory_space<vmem>>
        %dma_wait3A_697 = arith.constant 0 : i32
        %dma_wait3A_698 = arith.constant 0 : i32
        %dma_wait3A_699 = tpu.memref_slice %arg11[%dma_wait3A_697, %dma_wait3A_698] : memref<10240x128xf32, #tpu.memory_space<vmem_shared>> -> memref<10240x128xf32, #tpu.memory_space<vmem_shared>>
        tpu.wait_indirect_dma semaphore(%arg13 : memref<!tpu.dma_semaphore, #tpu.memory_space<semaphore_mem>>) src(%dma_wait3A_693 : memref<128x128xf32, #tpu.memory_space<vmem>>) dst(%dma_wait3A_699 : memref<10240x128xf32, #tpu.memory_space<vmem_shared>>)
      } else {
      }
      %lt3A = arith.constant 79 : i32
      %lt3A_673 = arith.cmpi slt, %scan3A_658, %lt3A : i32
      %convert_element_type3A_674 = arith.extui %lt3A_673 : i1 to i32
      %cond3A_675 = arith.constant 0 : i32
      %cond3A_676 = arith.cmpi ne, %convert_element_type3A_674, %cond3A_675 : i32
      scf.if %cond3A_676 {
        %add3A_688 = arith.constant 1 : i32
        %add3A_689 = arith.addi %scan3A_658, %add3A_688 : i32
        %sub3A = arith.constant 1 : i32
        %sub3A_690 = arith.subi %sub3A, %rem3A_660 : i32
        %get3A_691 = arith.index_cast %add3A_689 : i32 to index
        %get3A_692 = arith.constant 0 : index
        %get3A_693 = tpu.vector_load %arg6[%get3A_691, %get3A_692] {strides = array<i32>} : memref<80x128xi32, #tpu.memory_space<vmem>>, vector<1x16xi32>,
        %get3A_694 = vector.shape_cast %get3A_693 : vector<1x16xi32> to vector<16xi32>
        %and3A_695 = arith.constant 16383 : i32
        %and3A_696 = vector.broadcast %and3A_695 : i32 to vector<16xi32>
        %and3A_697 = arith.andi %get3A_694, %and3A_696 : vector<16xi32>
        %swap3A_698 = arith.index_cast %sub3A_690 : i32 to index
        %swap3A_699 = arith.constant 0 : index
        %swap3A_700 = tpu.vector_load %arg7[%swap3A_698, %swap3A_699] {strides = array<i32>} : memref<2x128xi32, #tpu.memory_space<vmem>>, vector<1x16xi32>,
        %swap3A_701 = vector.shape_cast %swap3A_700 : vector<1x16xi32> to vector<16xi32>
        %swap3A_702 = vector.shape_cast %and3A_697 : vector<16xi32> to vector<1x16xi32>
        tpu.vector_store %arg7[%swap3A_698, %swap3A_699], %swap3A_702 {strides = array<i32>} : memref<2x128xi32, #tpu.memory_space<vmem>>, vector<1x16xi32>,
        %shift_right_logical3A_703 = arith.constant 14 : i32
        %shift_right_logical3A_704 = vector.broadcast %shift_right_logical3A_703 : i32 to vector<16xi32>
        %shift_right_logical3A_705 = arith.shrui %get3A_694, %shift_right_logical3A_704 : vector<16xi32>
        %swap3A_706 = arith.index_cast %sub3A_690 : i32 to index
        %swap3A_707 = arith.constant 0 : index
        %swap3A_708 = tpu.vector_load %arg8[%swap3A_706, %swap3A_707] {strides = array<i32>} : memref<2x128xi32, #tpu.memory_space<vmem>>, vector<1x16xi32>,
        %swap3A_709 = vector.shape_cast %swap3A_708 : vector<1x16xi32> to vector<16xi32>
        %swap3A_710 = vector.shape_cast %shift_right_logical3A_705 : vector<16xi32> to vector<1x16xi32>
        tpu.vector_store %arg8[%swap3A_706, %swap3A_707], %swap3A_710 {strides = array<i32>} : memref<2x128xi32, #tpu.memory_space<vmem>>, vector<1x16xi32>,
        %get3A_711 = arith.index_cast %add3A_689 : i32 to index
        %get3A_712 = arith.constant 16 : index
        %get3A_713 = tpu.vector_load %arg6[%get3A_711, %get3A_712] {strides = array<i32>} : memref<80x128xi32, #tpu.memory_space<vmem>>, vector<1x16xi32>,
        %get3A_714 = vector.shape_cast %get3A_713 : vector<1x16xi32> to vector<16xi32>
        %and3A_715 = arith.constant 16383 : i32
        %and3A_716 = vector.broadcast %and3A_715 : i32 to vector<16xi32>
        %and3A_717 = arith.andi %get3A_714, %and3A_716 : vector<16xi32>
        %swap3A_718 = arith.index_cast %sub3A_690 : i32 to index
        %swap3A_719 = arith.constant 16 : index
        %swap3A_720 = tpu.vector_load %arg7[%swap3A_718, %swap3A_719] {strides = array<i32>} : memref<2x128xi32, #tpu.memory_space<vmem>>, vector<1x16xi32>,
        %swap3A_721 = vector.shape_cast %swap3A_720 : vector<1x16xi32> to vector<16xi32>
        %swap3A_722 = vector.shape_cast %and3A_717 : vector<16xi32> to vector<1x16xi32>
        tpu.vector_store %arg7[%swap3A_718, %swap3A_719], %swap3A_722 {strides = array<i32>} : memref<2x128xi32, #tpu.memory_space<vmem>>, vector<1x16xi32>,
        %shift_right_logical3A_723 = arith.constant 14 : i32
        %shift_right_logical3A_724 = vector.broadcast %shift_right_logical3A_723 : i32 to vector<16xi32>
        %shift_right_logical3A_725 = arith.shrui %get3A_714, %shift_right_logical3A_724 : vector<16xi32>
        %swap3A_726 = arith.index_cast %sub3A_690 : i32 to index
        %swap3A_727 = arith.constant 16 : index
        %swap3A_728 = tpu.vector_load %arg8[%swap3A_726, %swap3A_727] {strides = array<i32>} : memref<2x128xi32, #tpu.memory_space<vmem>>, vector<1x16xi32>,
        %swap3A_729 = vector.shape_cast %swap3A_728 : vector<1x16xi32> to vector<16xi32>
        %swap3A_730 = vector.shape_cast %shift_right_logical3A_725 : vector<16xi32> to vector<1x16xi32>
        tpu.vector_store %arg8[%swap3A_726, %swap3A_727], %swap3A_730 {strides = array<i32>} : memref<2x128xi32, #tpu.memory_space<vmem>>, vector<1x16xi32>,
        %get3A_731 = arith.index_cast %add3A_689 : i32 to index
        %get3A_732 = arith.constant 32 : index
        %get3A_733 = tpu.vector_load %arg6[%get3A_731, %get3A_732] {strides = array<i32>} : memref<80x128xi32, #tpu.memory_space<vmem>>, vector<1x16xi32>,
        %get3A_734 = vector.shape_cast %get3A_733 : vector<1x16xi32> to vector<16xi32>
        %and3A_735 = arith.constant 16383 : i32
        %and3A_736 = vector.broadcast %and3A_735 : i32 to vector<16xi32>
        %and3A_737 = arith.andi %get3A_734, %and3A_736 : vector<16xi32>
        %swap3A_738 = arith.index_cast %sub3A_690 : i32 to index
        %swap3A_739 = arith.constant 32 : index
        %swap3A_740 = tpu.vector_load %arg7[%swap3A_738, %swap3A_739] {strides = array<i32>} : memref<2x128xi32, #tpu.memory_space<vmem>>, vector<1x16xi32>,
        %swap3A_741 = vector.shape_cast %swap3A_740 : vector<1x16xi32> to vector<16xi32>
        %swap3A_742 = vector.shape_cast %and3A_737 : vector<16xi32> to vector<1x16xi32>
        tpu.vector_store %arg7[%swap3A_738, %swap3A_739], %swap3A_742 {strides = array<i32>} : memref<2x128xi32, #tpu.memory_space<vmem>>, vector<1x16xi32>,
        %shift_right_logical3A_743 = arith.constant 14 : i32
        %shift_right_logical3A_744 = vector.broadcast %shift_right_logical3A_743 : i32 to vector<16xi32>
        %shift_right_logical3A_745 = arith.shrui %get3A_734, %shift_right_logical3A_744 : vector<16xi32>
        %swap3A_746 = arith.index_cast %sub3A_690 : i32 to index
        %swap3A_747 = arith.constant 32 : index
        %swap3A_748 = tpu.vector_load %arg8[%swap3A_746, %swap3A_747] {strides = array<i32>} : memref<2x128xi32, #tpu.memory_space<vmem>>, vector<1x16xi32>,
        %swap3A_749 = vector.shape_cast %swap3A_748 : vector<1x16xi32> to vector<16xi32>
        %swap3A_750 = vector.shape_cast %shift_right_logical3A_745 : vector<16xi32> to vector<1x16xi32>
        tpu.vector_store %arg8[%swap3A_746, %swap3A_747], %swap3A_750 {strides = array<i32>} : memref<2x128xi32, #tpu.memory_space<vmem>>, vector<1x16xi32>,
        %get3A_751 = arith.index_cast %add3A_689 : i32 to index
        %get3A_752 = arith.constant 48 : index
        %get3A_753 = tpu.vector_load %arg6[%get3A_751, %get3A_752] {strides = array<i32>} : memref<80x128xi32, #tpu.memory_space<vmem>>, vector<1x16xi32>,
        %get3A_754 = vector.shape_cast %get3A_753 : vector<1x16xi32> to vector<16xi32>
        %and3A_755 = arith.constant 16383 : i32
        %and3A_756 = vector.broadcast %and3A_755 : i32 to vector<16xi32>
        %and3A_757 = arith.andi %get3A_754, %and3A_756 : vector<16xi32>
        %swap3A_758 = arith.index_cast %sub3A_690 : i32 to index
        %swap3A_759 = arith.constant 48 : index
        %swap3A_760 = tpu.vector_load %arg7[%swap3A_758, %swap3A_759] {strides = array<i32>} : memref<2x128xi32, #tpu.memory_space<vmem>>, vector<1x16xi32>,
        %swap3A_761 = vector.shape_cast %swap3A_760 : vector<1x16xi32> to vector<16xi32>
        %swap3A_762 = vector.shape_cast %and3A_757 : vector<16xi32> to vector<1x16xi32>
        tpu.vector_store %arg7[%swap3A_758, %swap3A_759], %swap3A_762 {strides = array<i32>} : memref<2x128xi32, #tpu.memory_space<vmem>>, vector<1x16xi32>,
        %shift_right_logical3A_763 = arith.constant 14 : i32
        %shift_right_logical3A_764 = vector.broadcast %shift_right_logical3A_763 : i32 to vector<16xi32>
        %shift_right_logical3A_765 = arith.shrui %get3A_754, %shift_right_logical3A_764 : vector<16xi32>
        %swap3A_766 = arith.index_cast %sub3A_690 : i32 to index
        %swap3A_767 = arith.constant 48 : index
        %swap3A_768 = tpu.vector_load %arg8[%swap3A_766, %swap3A_767] {strides = array<i32>} : memref<2x128xi32, #tpu.memory_space<vmem>>, vector<1x16xi32>,
        %swap3A_769 = vector.shape_cast %swap3A_768 : vector<1x16xi32> to vector<16xi32>
        %swap3A_770 = vector.shape_cast %shift_right_logical3A_765 : vector<16xi32> to vector<1x16xi32>
        tpu.vector_store %arg8[%swap3A_766, %swap3A_767], %swap3A_770 {strides = array<i32>} : memref<2x128xi32, #tpu.memory_space<vmem>>, vector<1x16xi32>,
        %get3A_771 = arith.index_cast %add3A_689 : i32 to index
        %get3A_772 = arith.constant 64 : index
        %get3A_773 = tpu.vector_load %arg6[%get3A_771, %get3A_772] {strides = array<i32>} : memref<80x128xi32, #tpu.memory_space<vmem>>, vector<1x16xi32>,
        %get3A_774 = vector.shape_cast %get3A_773 : vector<1x16xi32> to vector<16xi32>
        %and3A_775 = arith.constant 16383 : i32
        %and3A_776 = vector.broadcast %and3A_775 : i32 to vector<16xi32>
        %and3A_777 = arith.andi %get3A_774, %and3A_776 : vector<16xi32>
        %swap3A_778 = arith.index_cast %sub3A_690 : i32 to index
        %swap3A_779 = arith.constant 64 : index
        %swap3A_780 = tpu.vector_load %arg7[%swap3A_778, %swap3A_779] {strides = array<i32>} : memref<2x128xi32, #tpu.memory_space<vmem>>, vector<1x16xi32>,
        %swap3A_781 = vector.shape_cast %swap3A_780 : vector<1x16xi32> to vector<16xi32>
        %swap3A_782 = vector.shape_cast %and3A_777 : vector<16xi32> to vector<1x16xi32>
        tpu.vector_store %arg7[%swap3A_778, %swap3A_779], %swap3A_782 {strides = array<i32>} : memref<2x128xi32, #tpu.memory_space<vmem>>, vector<1x16xi32>,
        %shift_right_logical3A_783 = arith.constant 14 : i32
        %shift_right_logical3A_784 = vector.broadcast %shift_right_logical3A_783 : i32 to vector<16xi32>
        %shift_right_logical3A_785 = arith.shrui %get3A_774, %shift_right_logical3A_784 : vector<16xi32>
        %swap3A_786 = arith.index_cast %sub3A_690 : i32 to index
        %swap3A_787 = arith.constant 64 : index
        %swap3A_788 = tpu.vector_load %arg8[%swap3A_786, %swap3A_787] {strides = array<i32>} : memref<2x128xi32, #tpu.memory_space<vmem>>, vector<1x16xi32>,
        %swap3A_789 = vector.shape_cast %swap3A_788 : vector<1x16xi32> to vector<16xi32>
        %swap3A_790 = vector.shape_cast %shift_right_logical3A_785 : vector<16xi32> to vector<1x16xi32>
        tpu.vector_store %arg8[%swap3A_786, %swap3A_787], %swap3A_790 {strides = array<i32>} : memref<2x128xi32, #tpu.memory_space<vmem>>, vector<1x16xi32>,
        %get3A_791 = arith.index_cast %add3A_689 : i32 to index
        %get3A_792 = arith.constant 80 : index
        %get3A_793 = tpu.vector_load %arg6[%get3A_791, %get3A_792] {strides = array<i32>} : memref<80x128xi32, #tpu.memory_space<vmem>>, vector<1x16xi32>,
        %get3A_794 = vector.shape_cast %get3A_793 : vector<1x16xi32> to vector<16xi32>
        %and3A_795 = arith.constant 16383 : i32
        %and3A_796 = vector.broadcast %and3A_795 : i32 to vector<16xi32>
        %and3A_797 = arith.andi %get3A_794, %and3A_796 : vector<16xi32>
        %swap3A_798 = arith.index_cast %sub3A_690 : i32 to index
        %swap3A_799 = arith.constant 80 : index
        %swap3A_800 = tpu.vector_load %arg7[%swap3A_798, %swap3A_799] {strides = array<i32>} : memref<2x128xi32, #tpu.memory_space<vmem>>, vector<1x16xi32>,
        %swap3A_801 = vector.shape_cast %swap3A_800 : vector<1x16xi32> to vector<16xi32>
        %swap3A_802 = vector.shape_cast %and3A_797 : vector<16xi32> to vector<1x16xi32>
        tpu.vector_store %arg7[%swap3A_798, %swap3A_799], %swap3A_802 {strides = array<i32>} : memref<2x128xi32, #tpu.memory_space<vmem>>, vector<1x16xi32>,
        %shift_right_logical3A_803 = arith.constant 14 : i32
        %shift_right_logical3A_804 = vector.broadcast %shift_right_logical3A_803 : i32 to vector<16xi32>
        %shift_right_logical3A_805 = arith.shrui %get3A_794, %shift_right_logical3A_804 : vector<16xi32>
        %swap3A_806 = arith.index_cast %sub3A_690 : i32 to index
        %swap3A_807 = arith.constant 80 : index
        %swap3A_808 = tpu.vector_load %arg8[%swap3A_806, %swap3A_807] {strides = array<i32>} : memref<2x128xi32, #tpu.memory_space<vmem>>, vector<1x16xi32>,
        %swap3A_809 = vector.shape_cast %swap3A_808 : vector<1x16xi32> to vector<16xi32>
        %swap3A_810 = vector.shape_cast %shift_right_logical3A_805 : vector<16xi32> to vector<1x16xi32>
        tpu.vector_store %arg8[%swap3A_806, %swap3A_807], %swap3A_810 {strides = array<i32>} : memref<2x128xi32, #tpu.memory_space<vmem>>, vector<1x16xi32>,
        %get3A_811 = arith.index_cast %add3A_689 : i32 to index
        %get3A_812 = arith.constant 96 : index
        %get3A_813 = tpu.vector_load %arg6[%get3A_811, %get3A_812] {strides = array<i32>} : memref<80x128xi32, #tpu.memory_space<vmem>>, vector<1x16xi32>,
        %get3A_814 = vector.shape_cast %get3A_813 : vector<1x16xi32> to vector<16xi32>
        %and3A_815 = arith.constant 16383 : i32
        %and3A_816 = vector.broadcast %and3A_815 : i32 to vector<16xi32>
        %and3A_817 = arith.andi %get3A_814, %and3A_816 : vector<16xi32>
        %swap3A_818 = arith.index_cast %sub3A_690 : i32 to index
        %swap3A_819 = arith.constant 96 : index
        %swap3A_820 = tpu.vector_load %arg7[%swap3A_818, %swap3A_819] {strides = array<i32>} : memref<2x128xi32, #tpu.memory_space<vmem>>, vector<1x16xi32>,
        %swap3A_821 = vector.shape_cast %swap3A_820 : vector<1x16xi32> to vector<16xi32>
        %swap3A_822 = vector.shape_cast %and3A_817 : vector<16xi32> to vector<1x16xi32>
        tpu.vector_store %arg7[%swap3A_818, %swap3A_819], %swap3A_822 {strides = array<i32>} : memref<2x128xi32, #tpu.memory_space<vmem>>, vector<1x16xi32>,
        %shift_right_logical3A_823 = arith.constant 14 : i32
        %shift_right_logical3A_824 = vector.broadcast %shift_right_logical3A_823 : i32 to vector<16xi32>
        %shift_right_logical3A_825 = arith.shrui %get3A_814, %shift_right_logical3A_824 : vector<16xi32>
        %swap3A_826 = arith.index_cast %sub3A_690 : i32 to index
        %swap3A_827 = arith.constant 96 : index
        %swap3A_828 = tpu.vector_load %arg8[%swap3A_826, %swap3A_827] {strides = array<i32>} : memref<2x128xi32, #tpu.memory_space<vmem>>, vector<1x16xi32>,
        %swap3A_829 = vector.shape_cast %swap3A_828 : vector<1x16xi32> to vector<16xi32>
        %swap3A_830 = vector.shape_cast %shift_right_logical3A_825 : vector<16xi32> to vector<1x16xi32>
        tpu.vector_store %arg8[%swap3A_826, %swap3A_827], %swap3A_830 {strides = array<i32>} : memref<2x128xi32, #tpu.memory_space<vmem>>, vector<1x16xi32>,
        %get3A_831 = arith.index_cast %add3A_689 : i32 to index
        %get3A_832 = arith.constant 112 : index
        %get3A_833 = tpu.vector_load %arg6[%get3A_831, %get3A_832] {strides = array<i32>} : memref<80x128xi32, #tpu.memory_space<vmem>>, vector<1x16xi32>,
        %get3A_834 = vector.shape_cast %get3A_833 : vector<1x16xi32> to vector<16xi32>
        %and3A_835 = arith.constant 16383 : i32
        %and3A_836 = vector.broadcast %and3A_835 : i32 to vector<16xi32>
        %and3A_837 = arith.andi %get3A_834, %and3A_836 : vector<16xi32>
        %swap3A_838 = arith.index_cast %sub3A_690 : i32 to index
        %swap3A_839 = arith.constant 112 : index
        %swap3A_840 = tpu.vector_load %arg7[%swap3A_838, %swap3A_839] {strides = array<i32>} : memref<2x128xi32, #tpu.memory_space<vmem>>, vector<1x16xi32>,
        %swap3A_841 = vector.shape_cast %swap3A_840 : vector<1x16xi32> to vector<16xi32>
        %swap3A_842 = vector.shape_cast %and3A_837 : vector<16xi32> to vector<1x16xi32>
        tpu.vector_store %arg7[%swap3A_838, %swap3A_839], %swap3A_842 {strides = array<i32>} : memref<2x128xi32, #tpu.memory_space<vmem>>, vector<1x16xi32>,
        %shift_right_logical3A_843 = arith.constant 14 : i32
        %shift_right_logical3A_844 = vector.broadcast %shift_right_logical3A_843 : i32 to vector<16xi32>
        %shift_right_logical3A_845 = arith.shrui %get3A_834, %shift_right_logical3A_844 : vector<16xi32>
        %swap3A_846 = arith.index_cast %sub3A_690 : i32 to index
        %swap3A_847 = arith.constant 112 : index
        %swap3A_848 = tpu.vector_load %arg8[%swap3A_846, %swap3A_847] {strides = array<i32>} : memref<2x128xi32, #tpu.memory_space<vmem>>, vector<1x16xi32>,
        %swap3A_849 = vector.shape_cast %swap3A_848 : vector<1x16xi32> to vector<16xi32>
        %swap3A_850 = vector.shape_cast %shift_right_logical3A_845 : vector<16xi32> to vector<1x16xi32>
        tpu.vector_store %arg8[%swap3A_846, %swap3A_847], %swap3A_850 {strides = array<i32>} : memref<2x128xi32, #tpu.memory_space<vmem>>, vector<1x16xi32>,
        %sub3A_851 = arith.constant 1 : i32
        %sub3A_852 = arith.subi %sub3A_851, %rem3A_660 : i32
        %sub3A_853 = arith.constant 1 : i32
        %sub3A_854 = arith.subi %sub3A_853, %rem3A_660 : i32
        %dma_start3A_855 = arith.constant 0 : i32
        %dma_start3A_856 = arith.constant 0 : i32
        %dma_start3A_857 = tpu.memref_slice %arg9[%sub3A_854, %dma_start3A_855, %dma_start3A_856] : memref<2x128x128xf32, #tpu.memory_space<vmem>> -> memref<1x128x128xf32, #tpu.memory_space<vmem>>
        %dma_start3A_858 = tpu.memref_squeeze %dma_start3A_857 : memref<1x128x128xf32, #tpu.memory_space<vmem>> -> memref<128x128xf32, #tpu.memory_space<vmem>>
        %dma_start3A_859 = arith.constant 0 : i32
        %dma_start3A_860 = tpu.memref_slice %arg7[%sub3A_852, %dma_start3A_859] : memref<2x128xi32, #tpu.memory_space<vmem>> -> memref<1x128xi32, #tpu.memory_space<vmem>>
        %dma_start3A_861 = tpu.memref_squeeze %dma_start3A_860 : memref<1x128xi32, #tpu.memory_space<vmem>> -> memref<128xi32, #tpu.memory_space<vmem>>
        %dma_start3A_862 = arith.constant 0 : i32
        %dma_start3A_863 = arith.constant 0 : i32
        %dma_start3A_864 = tpu.memref_slice %arg2[%dma_start3A_862, %dma_start3A_863] : memref<10240x128xf32, #tpu.memory_space<hbm>> -> memref<10240x128xf32, #tpu.memory_space<hbm>>
        tpu.enqueue_indirect_dma source(%dma_start3A_864 : memref<10240x128xf32, #tpu.memory_space<hbm>>) target(%dma_start3A_858 : memref<128x128xf32, #tpu.memory_space<vmem>>) offsets(%dma_start3A_861 : memref<128xi32, #tpu.memory_space<vmem>>) semaphore(%arg12 : memref<!tpu.dma_semaphore, #tpu.memory_space<semaphore_mem>>)
      } else {
      }
      %dma_start3A_677 = arith.constant 0 : i32
      %dma_start3A_678 = arith.constant 0 : i32
      %dma_start3A_679 = tpu.memref_slice %arg9[%rem3A_660, %dma_start3A_677, %dma_start3A_678] : memref<2x128x128xf32, #tpu.memory_space<vmem>> -> memref<1x128x128xf32, #tpu.memory_space<vmem>>
      %dma_start3A_680 = tpu.memref_squeeze %dma_start3A_679 : memref<1x128x128xf32, #tpu.memory_space<vmem>> -> memref<128x128xf32, #tpu.memory_space<vmem>>
      %dma_start3A_681 = arith.constant 0 : i32
      %dma_start3A_682 = tpu.memref_slice %arg8[%rem3A_660, %dma_start3A_681] : memref<2x128xi32, #tpu.memory_space<vmem>> -> memref<1x128xi32, #tpu.memory_space<vmem>>
      %dma_start3A_683 = tpu.memref_squeeze %dma_start3A_682 : memref<1x128xi32, #tpu.memory_space<vmem>> -> memref<128xi32, #tpu.memory_space<vmem>>
      %dma_start3A_684 = arith.constant 0 : i32
      %dma_start3A_685 = arith.constant 0 : i32
      %dma_start3A_686 = tpu.memref_slice %arg11[%dma_start3A_684, %dma_start3A_685] : memref<10240x128xf32, #tpu.memory_space<vmem_shared>> -> memref<10240x128xf32, #tpu.memory_space<vmem_shared>>
      tpu.enqueue_indirect_dma source(%dma_start3A_680 : memref<128x128xf32, #tpu.memory_space<vmem>>) target(%dma_start3A_686 : memref<10240x128xf32, #tpu.memory_space<vmem_shared>>) offsets(%dma_start3A_683 : memref<128xi32, #tpu.memory_space<vmem>>) semaphore(%arg13 : memref<!tpu.dma_semaphore, #tpu.memory_space<semaphore_mem>>) {add = true}
      %scan3A_687 = arith.constant 0 : i32
      scf.yield %scan3A_687 : i32
    }
    %scan3A_642 = arith.constant 80 : i32
    %dma_wait3A_643 = arith.constant 0 : i32
    %dma_wait3A_644 = arith.constant 0 : i32
    %dma_wait3A_645 = arith.constant 0 : i32
    %dma_wait3A_646 = arith.constant 0 : i32
    %dma_wait3A_647 = tpu.memref_slice %arg9[%dma_wait3A_643, %dma_wait3A_645, %dma_wait3A_646] : memref<2x128x128xf32, #tpu.memory_space<vmem>> -> memref<1x128x128xf32, #tpu.memory_space<vmem>>
    %dma_wait3A_648 = tpu.memref_squeeze %dma_wait3A_647 : memref<1x128x128xf32, #tpu.memory_space<vmem>> -> memref<128x128xf32, #tpu.memory_space<vmem>>
    %dma_wait3A_649 = arith.constant 0 : i32
    %dma_wait3A_650 = tpu.memref_slice %arg8[%dma_wait3A_644, %dma_wait3A_649] : memref<2x128xi32, #tpu.memory_space<vmem>> -> memref<1x128xi32, #tpu.memory_space<vmem>>
    %dma_wait3A_651 = tpu.memref_squeeze %dma_wait3A_650 : memref<1x128xi32, #tpu.memory_space<vmem>> -> memref<128xi32, #tpu.memory_space<vmem>>
    %dma_wait3A_652 = arith.constant 0 : i32
    %dma_wait3A_653 = arith.constant 0 : i32
    %dma_wait3A_654 = tpu.memref_slice %arg11[%dma_wait3A_652, %dma_wait3A_653] : memref<10240x128xf32, #tpu.memory_space<vmem_shared>> -> memref<10240x128xf32, #tpu.memory_space<vmem_shared>>
    tpu.wait_indirect_dma semaphore(%arg13 : memref<!tpu.dma_semaphore, #tpu.memory_space<semaphore_mem>>) src(%dma_wait3A_648 : memref<128x128xf32, #tpu.memory_space<vmem>>) dst(%dma_wait3A_654 : memref<10240x128xf32, #tpu.memory_space<vmem_shared>>)
    %barrier3A_655 = arith.constant 0 : index
    tpu.barrier barrier_id(%barrier3A_655)
    %mul3A_656 = arith.constant 640 : i32
    %mul3A_657 = arith.muli %arg1, %mul3A_656 : i32
    "tpu.region"() ({
      %run_scoped3A = tpu.sem_alloc : memref<!tpu.dma_semaphore, #tpu.memory_space<semaphore_mem>>
      %dma_start3A_658 = arith.constant 0 : i32
      %dma_start3A_659 = tpu.memref_slice %arg4[%arg0, %mul3A_657, %dma_start3A_658] : memref<2x10240x128xf32, #tpu.memory_space<hbm>> -> memref<1x640x128xf32, #tpu.memory_space<hbm>>
      %dma_start3A_660 = tpu.memref_squeeze %dma_start3A_659 : memref<1x640x128xf32, #tpu.memory_space<hbm>> -> memref<640x128xf32, #tpu.memory_space<hbm>>
      %dma_start3A_661 = arith.constant 0 : i32
      %dma_start3A_662 = tpu.memref_slice %arg11[%mul3A_657, %dma_start3A_661] : memref<10240x128xf32, #tpu.memory_space<vmem_shared>> -> memref<640x128xf32, #tpu.memory_space<vmem_shared>>
      tpu.enqueue_dma source(%dma_start3A_662 : memref<640x128xf32, #tpu.memory_space<vmem_shared>>) target(%dma_start3A_660 : memref<640x128xf32, #tpu.memory_space<hbm>>) target_semaphore(%run_scoped3A : memref<!tpu.dma_semaphore, #tpu.memory_space<semaphore_mem>>)
      %dma_wait3A_663 = arith.constant 0 : i32
      %dma_wait3A_664 = tpu.memref_slice %arg4[%arg0, %mul3A_657, %dma_wait3A_663] : memref<2x10240x128xf32, #tpu.memory_space<hbm>> -> memref<1x640x128xf32, #tpu.memory_space<hbm>>
      %dma_wait3A_665 = tpu.memref_squeeze %dma_wait3A_664 : memref<1x640x128xf32, #tpu.memory_space<hbm>> -> memref<640x128xf32, #tpu.memory_space<hbm>>
      %dma_wait3A_666 = arith.constant 0 : i32
      %dma_wait3A_667 = tpu.memref_slice %arg11[%mul3A_657, %dma_wait3A_666] : memref<10240x128xf32, #tpu.memory_space<vmem_shared>> -> memref<640x128xf32, #tpu.memory_space<vmem_shared>>
      tpu.wait_dma2 semaphore(%run_scoped3A : memref<!tpu.dma_semaphore, #tpu.memory_space<semaphore_mem>>) src(%dma_wait3A_667 : memref<640x128xf32, #tpu.memory_space<vmem_shared>>) dst(%dma_wait3A_665 : memref<640x128xf32, #tpu.memory_space<hbm>>)
      tpu.yield
    }) : () -> ()
    return
  }
}

#map = affine_map<(d0, d1) -> (0, 0)>
#map1 = affine_map<(d0, d1) -> (0, 0, 0)>
module attributes {stable_mosaic.version = 14 : i64} {
  func.func @_sc_agg_body(%arg0: i32, %arg1: i32, %arg2: memref<10240x128xf32, #tpu.memory_space<hbm>>, %arg3: memref<32x80x128xi32, #tpu.memory_space<hbm>>, %arg4: memref<2x10240x128xf32, #tpu.memory_space<hbm>>, %arg5: memref<80x128xi32, #tpu.memory_space<vmem>>, %arg6: memref<2x128xi32, #tpu.memory_space<vmem>>, %arg7: memref<2x128xi32, #tpu.memory_space<vmem>>, %arg8: memref<2x128x128xf32, #tpu.memory_space<vmem>>, %arg9: memref<8x128xf32, #tpu.memory_space<vmem>>, %arg10: memref<10240x128xf32, #tpu.memory_space<vmem_shared>>, %arg11: memref<!tpu.dma_semaphore, #tpu.memory_space<semaphore_mem>>, %arg12: memref<!tpu.dma_semaphore, #tpu.memory_space<semaphore_mem>>) attributes {dimension_semantics = [#tpu.dimension_semantics<core_parallel>, #tpu.dimension_semantics<subcore_parallel>], iteration_bounds = array<i64: 2, 16>, scalar_prefetch = 0 : i64, scratch_operands = 8 : i64, tpu.core_type = #tpu.core_type<sc_vector_subcore>, window_params = [{transform_indices = #map}, {transform_indices = #map1}, {transform_indices = #map1}]} {
    %mul3A = arith.constant 2 : i32
    %mul3A_0 = arith.muli %arg1, %mul3A : i32
    %add3A = arith.addi %mul3A_0, %arg0 : i32
    %broadcast_in_dim3A = arith.constant 0.000000e+00 : f32
    %broadcast_in_dim3A_1 = vector.broadcast %broadcast_in_dim3A : f32 to vector<16xf32>
    %swap3A = arith.constant 0 : i32
    %swap3A_2 = arith.index_cast %swap3A : i32 to index
    %swap3A_3 = arith.constant 0 : index
    %swap3A_4 = tpu.vector_load %arg9[%swap3A_2, %swap3A_3] {strides = array<i32>} : memref<8x128xf32, #tpu.memory_space<vmem>>, vector<1x16xf32>,
    %swap3A_5 = vector.shape_cast %swap3A_4 : vector<1x16xf32> to vector<16xf32>
    %swap3A_6 = vector.shape_cast %broadcast_in_dim3A_1 : vector<16xf32> to vector<1x16xf32>
    tpu.vector_store %arg9[%swap3A_2, %swap3A_3], %swap3A_6 {strides = array<i32>} : memref<8x128xf32, #tpu.memory_space<vmem>>, vector<1x16xf32>,
    %swap3A_7 = arith.constant 0 : i32
    %swap3A_8 = arith.index_cast %swap3A_7 : i32 to index
    %swap3A_9 = arith.constant 16 : index
    %swap3A_10 = tpu.vector_load %arg9[%swap3A_8, %swap3A_9] {strides = array<i32>} : memref<8x128xf32, #tpu.memory_space<vmem>>, vector<1x16xf32>,
    %swap3A_11 = vector.shape_cast %swap3A_10 : vector<1x16xf32> to vector<16xf32>
    %swap3A_12 = vector.shape_cast %broadcast_in_dim3A_1 : vector<16xf32> to vector<1x16xf32>
    tpu.vector_store %arg9[%swap3A_8, %swap3A_9], %swap3A_12 {strides = array<i32>} : memref<8x128xf32, #tpu.memory_space<vmem>>, vector<1x16xf32>,
    %swap3A_13 = arith.constant 0 : i32
    %swap3A_14 = arith.index_cast %swap3A_13 : i32 to index
    %swap3A_15 = arith.constant 32 : index
    %swap3A_16 = tpu.vector_load %arg9[%swap3A_14, %swap3A_15] {strides = array<i32>} : memref<8x128xf32, #tpu.memory_space<vmem>>, vector<1x16xf32>,
    %swap3A_17 = vector.shape_cast %swap3A_16 : vector<1x16xf32> to vector<16xf32>
    %swap3A_18 = vector.shape_cast %broadcast_in_dim3A_1 : vector<16xf32> to vector<1x16xf32>
    tpu.vector_store %arg9[%swap3A_14, %swap3A_15], %swap3A_18 {strides = array<i32>} : memref<8x128xf32, #tpu.memory_space<vmem>>, vector<1x16xf32>,
    %swap3A_19 = arith.constant 0 : i32
    %swap3A_20 = arith.index_cast %swap3A_19 : i32 to index
    %swap3A_21 = arith.constant 48 : index
    %swap3A_22 = tpu.vector_load %arg9[%swap3A_20, %swap3A_21] {strides = array<i32>} : memref<8x128xf32, #tpu.memory_space<vmem>>, vector<1x16xf32>,
    %swap3A_23 = vector.shape_cast %swap3A_22 : vector<1x16xf32> to vector<16xf32>
    %swap3A_24 = vector.shape_cast %broadcast_in_dim3A_1 : vector<16xf32> to vector<1x16xf32>
    tpu.vector_store %arg9[%swap3A_20, %swap3A_21], %swap3A_24 {strides = array<i32>} : memref<8x128xf32, #tpu.memory_space<vmem>>, vector<1x16xf32>,
    %swap3A_25 = arith.constant 0 : i32
    %swap3A_26 = arith.index_cast %swap3A_25 : i32 to index
    %swap3A_27 = arith.constant 64 : index
    %swap3A_28 = tpu.vector_load %arg9[%swap3A_26, %swap3A_27] {strides = array<i32>} : memref<8x128xf32, #tpu.memory_space<vmem>>, vector<1x16xf32>,
    %swap3A_29 = vector.shape_cast %swap3A_28 : vector<1x16xf32> to vector<16xf32>
    %swap3A_30 = vector.shape_cast %broadcast_in_dim3A_1 : vector<16xf32> to vector<1x16xf32>
    tpu.vector_store %arg9[%swap3A_26, %swap3A_27], %swap3A_30 {strides = array<i32>} : memref<8x128xf32, #tpu.memory_space<vmem>>, vector<1x16xf32>,
    %swap3A_31 = arith.constant 0 : i32
    %swap3A_32 = arith.index_cast %swap3A_31 : i32 to index
    %swap3A_33 = arith.constant 80 : index
    %swap3A_34 = tpu.vector_load %arg9[%swap3A_32, %swap3A_33] {strides = array<i32>} : memref<8x128xf32, #tpu.memory_space<vmem>>, vector<1x16xf32>,
    %swap3A_35 = vector.shape_cast %swap3A_34 : vector<1x16xf32> to vector<16xf32>
    %swap3A_36 = vector.shape_cast %broadcast_in_dim3A_1 : vector<16xf32> to vector<1x16xf32>
    tpu.vector_store %arg9[%swap3A_32, %swap3A_33], %swap3A_36 {strides = array<i32>} : memref<8x128xf32, #tpu.memory_space<vmem>>, vector<1x16xf32>,
    %swap3A_37 = arith.constant 0 : i32
    %swap3A_38 = arith.index_cast %swap3A_37 : i32 to index
    %swap3A_39 = arith.constant 96 : index
    %swap3A_40 = tpu.vector_load %arg9[%swap3A_38, %swap3A_39] {strides = array<i32>} : memref<8x128xf32, #tpu.memory_space<vmem>>, vector<1x16xf32>,
    %swap3A_41 = vector.shape_cast %swap3A_40 : vector<1x16xf32> to vector<16xf32>
    %swap3A_42 = vector.shape_cast %broadcast_in_dim3A_1 : vector<16xf32> to vector<1x16xf32>
    tpu.vector_store %arg9[%swap3A_38, %swap3A_39], %swap3A_42 {strides = array<i32>} : memref<8x128xf32, #tpu.memory_space<vmem>>, vector<1x16xf32>,
    %swap3A_43 = arith.constant 0 : i32
    %swap3A_44 = arith.index_cast %swap3A_43 : i32 to index
    %swap3A_45 = arith.constant 112 : index
    %swap3A_46 = tpu.vector_load %arg9[%swap3A_44, %swap3A_45] {strides = array<i32>} : memref<8x128xf32, #tpu.memory_space<vmem>>, vector<1x16xf32>,
    %swap3A_47 = vector.shape_cast %swap3A_46 : vector<1x16xf32> to vector<16xf32>
    %swap3A_48 = vector.shape_cast %broadcast_in_dim3A_1 : vector<16xf32> to vector<1x16xf32>
    tpu.vector_store %arg9[%swap3A_44, %swap3A_45], %swap3A_48 {strides = array<i32>} : memref<8x128xf32, #tpu.memory_space<vmem>>, vector<1x16xf32>,
    %swap3A_49 = arith.constant 1 : i32
    %swap3A_50 = arith.index_cast %swap3A_49 : i32 to index
    %swap3A_51 = arith.constant 0 : index
    %swap3A_52 = tpu.vector_load %arg9[%swap3A_50, %swap3A_51] {strides = array<i32>} : memref<8x128xf32, #tpu.memory_space<vmem>>, vector<1x16xf32>,
    %swap3A_53 = vector.shape_cast %swap3A_52 : vector<1x16xf32> to vector<16xf32>
    %swap3A_54 = vector.shape_cast %broadcast_in_dim3A_1 : vector<16xf32> to vector<1x16xf32>
    tpu.vector_store %arg9[%swap3A_50, %swap3A_51], %swap3A_54 {strides = array<i32>} : memref<8x128xf32, #tpu.memory_space<vmem>>, vector<1x16xf32>,
    %swap3A_55 = arith.constant 1 : i32
    %swap3A_56 = arith.index_cast %swap3A_55 : i32 to index
    %swap3A_57 = arith.constant 16 : index
    %swap3A_58 = tpu.vector_load %arg9[%swap3A_56, %swap3A_57] {strides = array<i32>} : memref<8x128xf32, #tpu.memory_space<vmem>>, vector<1x16xf32>,
    %swap3A_59 = vector.shape_cast %swap3A_58 : vector<1x16xf32> to vector<16xf32>
    %swap3A_60 = vector.shape_cast %broadcast_in_dim3A_1 : vector<16xf32> to vector<1x16xf32>
    tpu.vector_store %arg9[%swap3A_56, %swap3A_57], %swap3A_60 {strides = array<i32>} : memref<8x128xf32, #tpu.memory_space<vmem>>, vector<1x16xf32>,
    %swap3A_61 = arith.constant 1 : i32
    %swap3A_62 = arith.index_cast %swap3A_61 : i32 to index
    %swap3A_63 = arith.constant 32 : index
    %swap3A_64 = tpu.vector_load %arg9[%swap3A_62, %swap3A_63] {strides = array<i32>} : memref<8x128xf32, #tpu.memory_space<vmem>>, vector<1x16xf32>,
    %swap3A_65 = vector.shape_cast %swap3A_64 : vector<1x16xf32> to vector<16xf32>
    %swap3A_66 = vector.shape_cast %broadcast_in_dim3A_1 : vector<16xf32> to vector<1x16xf32>
    tpu.vector_store %arg9[%swap3A_62, %swap3A_63], %swap3A_66 {strides = array<i32>} : memref<8x128xf32, #tpu.memory_space<vmem>>, vector<1x16xf32>,
    %swap3A_67 = arith.constant 1 : i32
    %swap3A_68 = arith.index_cast %swap3A_67 : i32 to index
    %swap3A_69 = arith.constant 48 : index
    %swap3A_70 = tpu.vector_load %arg9[%swap3A_68, %swap3A_69] {strides = array<i32>} : memref<8x128xf32, #tpu.memory_space<vmem>>, vector<1x16xf32>,
    %swap3A_71 = vector.shape_cast %swap3A_70 : vector<1x16xf32> to vector<16xf32>
    %swap3A_72 = vector.shape_cast %broadcast_in_dim3A_1 : vector<16xf32> to vector<1x16xf32>
    tpu.vector_store %arg9[%swap3A_68, %swap3A_69], %swap3A_72 {strides = array<i32>} : memref<8x128xf32, #tpu.memory_space<vmem>>, vector<1x16xf32>,
    %swap3A_73 = arith.constant 1 : i32
    %swap3A_74 = arith.index_cast %swap3A_73 : i32 to index
    %swap3A_75 = arith.constant 64 : index
    %swap3A_76 = tpu.vector_load %arg9[%swap3A_74, %swap3A_75] {strides = array<i32>} : memref<8x128xf32, #tpu.memory_space<vmem>>, vector<1x16xf32>,
    %swap3A_77 = vector.shape_cast %swap3A_76 : vector<1x16xf32> to vector<16xf32>
    %swap3A_78 = vector.shape_cast %broadcast_in_dim3A_1 : vector<16xf32> to vector<1x16xf32>
    tpu.vector_store %arg9[%swap3A_74, %swap3A_75], %swap3A_78 {strides = array<i32>} : memref<8x128xf32, #tpu.memory_space<vmem>>, vector<1x16xf32>,
    %swap3A_79 = arith.constant 1 : i32
    %swap3A_80 = arith.index_cast %swap3A_79 : i32 to index
    %swap3A_81 = arith.constant 80 : index
    %swap3A_82 = tpu.vector_load %arg9[%swap3A_80, %swap3A_81] {strides = array<i32>} : memref<8x128xf32, #tpu.memory_space<vmem>>, vector<1x16xf32>,
    %swap3A_83 = vector.shape_cast %swap3A_82 : vector<1x16xf32> to vector<16xf32>
    %swap3A_84 = vector.shape_cast %broadcast_in_dim3A_1 : vector<16xf32> to vector<1x16xf32>
    tpu.vector_store %arg9[%swap3A_80, %swap3A_81], %swap3A_84 {strides = array<i32>} : memref<8x128xf32, #tpu.memory_space<vmem>>, vector<1x16xf32>,
    %swap3A_85 = arith.constant 1 : i32
    %swap3A_86 = arith.index_cast %swap3A_85 : i32 to index
    %swap3A_87 = arith.constant 96 : index
    %swap3A_88 = tpu.vector_load %arg9[%swap3A_86, %swap3A_87] {strides = array<i32>} : memref<8x128xf32, #tpu.memory_space<vmem>>, vector<1x16xf32>,
    %swap3A_89 = vector.shape_cast %swap3A_88 : vector<1x16xf32> to vector<16xf32>
    %swap3A_90 = vector.shape_cast %broadcast_in_dim3A_1 : vector<16xf32> to vector<1x16xf32>
    tpu.vector_store %arg9[%swap3A_86, %swap3A_87], %swap3A_90 {strides = array<i32>} : memref<8x128xf32, #tpu.memory_space<vmem>>, vector<1x16xf32>,
    %swap3A_91 = arith.constant 1 : i32
    %swap3A_92 = arith.index_cast %swap3A_91 : i32 to index
    %swap3A_93 = arith.constant 112 : index
    %swap3A_94 = tpu.vector_load %arg9[%swap3A_92, %swap3A_93] {strides = array<i32>} : memref<8x128xf32, #tpu.memory_space<vmem>>, vector<1x16xf32>,
    %swap3A_95 = vector.shape_cast %swap3A_94 : vector<1x16xf32> to vector<16xf32>
    %swap3A_96 = vector.shape_cast %broadcast_in_dim3A_1 : vector<16xf32> to vector<1x16xf32>
    tpu.vector_store %arg9[%swap3A_92, %swap3A_93], %swap3A_96 {strides = array<i32>} : memref<8x128xf32, #tpu.memory_space<vmem>>, vector<1x16xf32>,
    %swap3A_97 = arith.constant 2 : i32
    %swap3A_98 = arith.index_cast %swap3A_97 : i32 to index
    %swap3A_99 = arith.constant 0 : index
    %swap3A_100 = tpu.vector_load %arg9[%swap3A_98, %swap3A_99] {strides = array<i32>} : memref<8x128xf32, #tpu.memory_space<vmem>>, vector<1x16xf32>,
    %swap3A_101 = vector.shape_cast %swap3A_100 : vector<1x16xf32> to vector<16xf32>
    %swap3A_102 = vector.shape_cast %broadcast_in_dim3A_1 : vector<16xf32> to vector<1x16xf32>
    tpu.vector_store %arg9[%swap3A_98, %swap3A_99], %swap3A_102 {strides = array<i32>} : memref<8x128xf32, #tpu.memory_space<vmem>>, vector<1x16xf32>,
    %swap3A_103 = arith.constant 2 : i32
    %swap3A_104 = arith.index_cast %swap3A_103 : i32 to index
    %swap3A_105 = arith.constant 16 : index
    %swap3A_106 = tpu.vector_load %arg9[%swap3A_104, %swap3A_105] {strides = array<i32>} : memref<8x128xf32, #tpu.memory_space<vmem>>, vector<1x16xf32>,
    %swap3A_107 = vector.shape_cast %swap3A_106 : vector<1x16xf32> to vector<16xf32>
    %swap3A_108 = vector.shape_cast %broadcast_in_dim3A_1 : vector<16xf32> to vector<1x16xf32>
    tpu.vector_store %arg9[%swap3A_104, %swap3A_105], %swap3A_108 {strides = array<i32>} : memref<8x128xf32, #tpu.memory_space<vmem>>, vector<1x16xf32>,
    %swap3A_109 = arith.constant 2 : i32
    %swap3A_110 = arith.index_cast %swap3A_109 : i32 to index
    %swap3A_111 = arith.constant 32 : index
    %swap3A_112 = tpu.vector_load %arg9[%swap3A_110, %swap3A_111] {strides = array<i32>} : memref<8x128xf32, #tpu.memory_space<vmem>>, vector<1x16xf32>,
    %swap3A_113 = vector.shape_cast %swap3A_112 : vector<1x16xf32> to vector<16xf32>
    %swap3A_114 = vector.shape_cast %broadcast_in_dim3A_1 : vector<16xf32> to vector<1x16xf32>
    tpu.vector_store %arg9[%swap3A_110, %swap3A_111], %swap3A_114 {strides = array<i32>} : memref<8x128xf32, #tpu.memory_space<vmem>>, vector<1x16xf32>,
    %swap3A_115 = arith.constant 2 : i32
    %swap3A_116 = arith.index_cast %swap3A_115 : i32 to index
    %swap3A_117 = arith.constant 48 : index
    %swap3A_118 = tpu.vector_load %arg9[%swap3A_116, %swap3A_117] {strides = array<i32>} : memref<8x128xf32, #tpu.memory_space<vmem>>, vector<1x16xf32>,
    %swap3A_119 = vector.shape_cast %swap3A_118 : vector<1x16xf32> to vector<16xf32>
    %swap3A_120 = vector.shape_cast %broadcast_in_dim3A_1 : vector<16xf32> to vector<1x16xf32>
    tpu.vector_store %arg9[%swap3A_116, %swap3A_117], %swap3A_120 {strides = array<i32>} : memref<8x128xf32, #tpu.memory_space<vmem>>, vector<1x16xf32>,
    %swap3A_121 = arith.constant 2 : i32
    %swap3A_122 = arith.index_cast %swap3A_121 : i32 to index
    %swap3A_123 = arith.constant 64 : index
    %swap3A_124 = tpu.vector_load %arg9[%swap3A_122, %swap3A_123] {strides = array<i32>} : memref<8x128xf32, #tpu.memory_space<vmem>>, vector<1x16xf32>,
    %swap3A_125 = vector.shape_cast %swap3A_124 : vector<1x16xf32> to vector<16xf32>
    %swap3A_126 = vector.shape_cast %broadcast_in_dim3A_1 : vector<16xf32> to vector<1x16xf32>
    tpu.vector_store %arg9[%swap3A_122, %swap3A_123], %swap3A_126 {strides = array<i32>} : memref<8x128xf32, #tpu.memory_space<vmem>>, vector<1x16xf32>,
    %swap3A_127 = arith.constant 2 : i32
    %swap3A_128 = arith.index_cast %swap3A_127 : i32 to index
    %swap3A_129 = arith.constant 80 : index
    %swap3A_130 = tpu.vector_load %arg9[%swap3A_128, %swap3A_129] {strides = array<i32>} : memref<8x128xf32, #tpu.memory_space<vmem>>, vector<1x16xf32>,
    %swap3A_131 = vector.shape_cast %swap3A_130 : vector<1x16xf32> to vector<16xf32>
    %swap3A_132 = vector.shape_cast %broadcast_in_dim3A_1 : vector<16xf32> to vector<1x16xf32>
    tpu.vector_store %arg9[%swap3A_128, %swap3A_129], %swap3A_132 {strides = array<i32>} : memref<8x128xf32, #tpu.memory_space<vmem>>, vector<1x16xf32>,
    %swap3A_133 = arith.constant 2 : i32
    %swap3A_134 = arith.index_cast %swap3A_133 : i32 to index
    %swap3A_135 = arith.constant 96 : index
    %swap3A_136 = tpu.vector_load %arg9[%swap3A_134, %swap3A_135] {strides = array<i32>} : memref<8x128xf32, #tpu.memory_space<vmem>>, vector<1x16xf32>,
    %swap3A_137 = vector.shape_cast %swap3A_136 : vector<1x16xf32> to vector<16xf32>
    %swap3A_138 = vector.shape_cast %broadcast_in_dim3A_1 : vector<16xf32> to vector<1x16xf32>
    tpu.vector_store %arg9[%swap3A_134, %swap3A_135], %swap3A_138 {strides = array<i32>} : memref<8x128xf32, #tpu.memory_space<vmem>>, vector<1x16xf32>,
    %swap3A_139 = arith.constant 2 : i32
    %swap3A_140 = arith.index_cast %swap3A_139 : i32 to index
    %swap3A_141 = arith.constant 112 : index
    %swap3A_142 = tpu.vector_load %arg9[%swap3A_140, %swap3A_141] {strides = array<i32>} : memref<8x128xf32, #tpu.memory_space<vmem>>, vector<1x16xf32>,
    %swap3A_143 = vector.shape_cast %swap3A_142 : vector<1x16xf32> to vector<16xf32>
    %swap3A_144 = vector.shape_cast %broadcast_in_dim3A_1 : vector<16xf32> to vector<1x16xf32>
    tpu.vector_store %arg9[%swap3A_140, %swap3A_141], %swap3A_144 {strides = array<i32>} : memref<8x128xf32, #tpu.memory_space<vmem>>, vector<1x16xf32>,
    %swap3A_145 = arith.constant 3 : i32
    %swap3A_146 = arith.index_cast %swap3A_145 : i32 to index
    %swap3A_147 = arith.constant 0 : index
    %swap3A_148 = tpu.vector_load %arg9[%swap3A_146, %swap3A_147] {strides = array<i32>} : memref<8x128xf32, #tpu.memory_space<vmem>>, vector<1x16xf32>,
    %swap3A_149 = vector.shape_cast %swap3A_148 : vector<1x16xf32> to vector<16xf32>
    %swap3A_150 = vector.shape_cast %broadcast_in_dim3A_1 : vector<16xf32> to vector<1x16xf32>
    tpu.vector_store %arg9[%swap3A_146, %swap3A_147], %swap3A_150 {strides = array<i32>} : memref<8x128xf32, #tpu.memory_space<vmem>>, vector<1x16xf32>,
    %swap3A_151 = arith.constant 3 : i32
    %swap3A_152 = arith.index_cast %swap3A_151 : i32 to index
    %swap3A_153 = arith.constant 16 : index
    %swap3A_154 = tpu.vector_load %arg9[%swap3A_152, %swap3A_153] {strides = array<i32>} : memref<8x128xf32, #tpu.memory_space<vmem>>, vector<1x16xf32>,
    %swap3A_155 = vector.shape_cast %swap3A_154 : vector<1x16xf32> to vector<16xf32>
    %swap3A_156 = vector.shape_cast %broadcast_in_dim3A_1 : vector<16xf32> to vector<1x16xf32>
    tpu.vector_store %arg9[%swap3A_152, %swap3A_153], %swap3A_156 {strides = array<i32>} : memref<8x128xf32, #tpu.memory_space<vmem>>, vector<1x16xf32>,
    %swap3A_157 = arith.constant 3 : i32
    %swap3A_158 = arith.index_cast %swap3A_157 : i32 to index
    %swap3A_159 = arith.constant 32 : index
    %swap3A_160 = tpu.vector_load %arg9[%swap3A_158, %swap3A_159] {strides = array<i32>} : memref<8x128xf32, #tpu.memory_space<vmem>>, vector<1x16xf32>,
    %swap3A_161 = vector.shape_cast %swap3A_160 : vector<1x16xf32> to vector<16xf32>
    %swap3A_162 = vector.shape_cast %broadcast_in_dim3A_1 : vector<16xf32> to vector<1x16xf32>
    tpu.vector_store %arg9[%swap3A_158, %swap3A_159], %swap3A_162 {strides = array<i32>} : memref<8x128xf32, #tpu.memory_space<vmem>>, vector<1x16xf32>,
    %swap3A_163 = arith.constant 3 : i32
    %swap3A_164 = arith.index_cast %swap3A_163 : i32 to index
    %swap3A_165 = arith.constant 48 : index
    %swap3A_166 = tpu.vector_load %arg9[%swap3A_164, %swap3A_165] {strides = array<i32>} : memref<8x128xf32, #tpu.memory_space<vmem>>, vector<1x16xf32>,
    %swap3A_167 = vector.shape_cast %swap3A_166 : vector<1x16xf32> to vector<16xf32>
    %swap3A_168 = vector.shape_cast %broadcast_in_dim3A_1 : vector<16xf32> to vector<1x16xf32>
    tpu.vector_store %arg9[%swap3A_164, %swap3A_165], %swap3A_168 {strides = array<i32>} : memref<8x128xf32, #tpu.memory_space<vmem>>, vector<1x16xf32>,
    %swap3A_169 = arith.constant 3 : i32
    %swap3A_170 = arith.index_cast %swap3A_169 : i32 to index
    %swap3A_171 = arith.constant 64 : index
    %swap3A_172 = tpu.vector_load %arg9[%swap3A_170, %swap3A_171] {strides = array<i32>} : memref<8x128xf32, #tpu.memory_space<vmem>>, vector<1x16xf32>,
    %swap3A_173 = vector.shape_cast %swap3A_172 : vector<1x16xf32> to vector<16xf32>
    %swap3A_174 = vector.shape_cast %broadcast_in_dim3A_1 : vector<16xf32> to vector<1x16xf32>
    tpu.vector_store %arg9[%swap3A_170, %swap3A_171], %swap3A_174 {strides = array<i32>} : memref<8x128xf32, #tpu.memory_space<vmem>>, vector<1x16xf32>,
    %swap3A_175 = arith.constant 3 : i32
    %swap3A_176 = arith.index_cast %swap3A_175 : i32 to index
    %swap3A_177 = arith.constant 80 : index
    %swap3A_178 = tpu.vector_load %arg9[%swap3A_176, %swap3A_177] {strides = array<i32>} : memref<8x128xf32, #tpu.memory_space<vmem>>, vector<1x16xf32>,
    %swap3A_179 = vector.shape_cast %swap3A_178 : vector<1x16xf32> to vector<16xf32>
    %swap3A_180 = vector.shape_cast %broadcast_in_dim3A_1 : vector<16xf32> to vector<1x16xf32>
    tpu.vector_store %arg9[%swap3A_176, %swap3A_177], %swap3A_180 {strides = array<i32>} : memref<8x128xf32, #tpu.memory_space<vmem>>, vector<1x16xf32>,
    %swap3A_181 = arith.constant 3 : i32
    %swap3A_182 = arith.index_cast %swap3A_181 : i32 to index
    %swap3A_183 = arith.constant 96 : index
    %swap3A_184 = tpu.vector_load %arg9[%swap3A_182, %swap3A_183] {strides = array<i32>} : memref<8x128xf32, #tpu.memory_space<vmem>>, vector<1x16xf32>,
    %swap3A_185 = vector.shape_cast %swap3A_184 : vector<1x16xf32> to vector<16xf32>
    %swap3A_186 = vector.shape_cast %broadcast_in_dim3A_1 : vector<16xf32> to vector<1x16xf32>
    tpu.vector_store %arg9[%swap3A_182, %swap3A_183], %swap3A_186 {strides = array<i32>} : memref<8x128xf32, #tpu.memory_space<vmem>>, vector<1x16xf32>,
    %swap3A_187 = arith.constant 3 : i32
    %swap3A_188 = arith.index_cast %swap3A_187 : i32 to index
    %swap3A_189 = arith.constant 112 : index
    %swap3A_190 = tpu.vector_load %arg9[%swap3A_188, %swap3A_189] {strides = array<i32>} : memref<8x128xf32, #tpu.memory_space<vmem>>, vector<1x16xf32>,
    %swap3A_191 = vector.shape_cast %swap3A_190 : vector<1x16xf32> to vector<16xf32>
    %swap3A_192 = vector.shape_cast %broadcast_in_dim3A_1 : vector<16xf32> to vector<1x16xf32>
    tpu.vector_store %arg9[%swap3A_188, %swap3A_189], %swap3A_192 {strides = array<i32>} : memref<8x128xf32, #tpu.memory_space<vmem>>, vector<1x16xf32>,
    %swap3A_193 = arith.constant 4 : i32
    %swap3A_194 = arith.index_cast %swap3A_193 : i32 to index
    %swap3A_195 = arith.constant 0 : index
    %swap3A_196 = tpu.vector_load %arg9[%swap3A_194, %swap3A_195] {strides = array<i32>} : memref<8x128xf32, #tpu.memory_space<vmem>>, vector<1x16xf32>,
    %swap3A_197 = vector.shape_cast %swap3A_196 : vector<1x16xf32> to vector<16xf32>
    %swap3A_198 = vector.shape_cast %broadcast_in_dim3A_1 : vector<16xf32> to vector<1x16xf32>
    tpu.vector_store %arg9[%swap3A_194, %swap3A_195], %swap3A_198 {strides = array<i32>} : memref<8x128xf32, #tpu.memory_space<vmem>>, vector<1x16xf32>,
    %swap3A_199 = arith.constant 4 : i32
    %swap3A_200 = arith.index_cast %swap3A_199 : i32 to index
    %swap3A_201 = arith.constant 16 : index
    %swap3A_202 = tpu.vector_load %arg9[%swap3A_200, %swap3A_201] {strides = array<i32>} : memref<8x128xf32, #tpu.memory_space<vmem>>, vector<1x16xf32>,
    %swap3A_203 = vector.shape_cast %swap3A_202 : vector<1x16xf32> to vector<16xf32>
    %swap3A_204 = vector.shape_cast %broadcast_in_dim3A_1 : vector<16xf32> to vector<1x16xf32>
    tpu.vector_store %arg9[%swap3A_200, %swap3A_201], %swap3A_204 {strides = array<i32>} : memref<8x128xf32, #tpu.memory_space<vmem>>, vector<1x16xf32>,
    %swap3A_205 = arith.constant 4 : i32
    %swap3A_206 = arith.index_cast %swap3A_205 : i32 to index
    %swap3A_207 = arith.constant 32 : index
    %swap3A_208 = tpu.vector_load %arg9[%swap3A_206, %swap3A_207] {strides = array<i32>} : memref<8x128xf32, #tpu.memory_space<vmem>>, vector<1x16xf32>,
    %swap3A_209 = vector.shape_cast %swap3A_208 : vector<1x16xf32> to vector<16xf32>
    %swap3A_210 = vector.shape_cast %broadcast_in_dim3A_1 : vector<16xf32> to vector<1x16xf32>
    tpu.vector_store %arg9[%swap3A_206, %swap3A_207], %swap3A_210 {strides = array<i32>} : memref<8x128xf32, #tpu.memory_space<vmem>>, vector<1x16xf32>,
    %swap3A_211 = arith.constant 4 : i32
    %swap3A_212 = arith.index_cast %swap3A_211 : i32 to index
    %swap3A_213 = arith.constant 48 : index
    %swap3A_214 = tpu.vector_load %arg9[%swap3A_212, %swap3A_213] {strides = array<i32>} : memref<8x128xf32, #tpu.memory_space<vmem>>, vector<1x16xf32>,
    %swap3A_215 = vector.shape_cast %swap3A_214 : vector<1x16xf32> to vector<16xf32>
    %swap3A_216 = vector.shape_cast %broadcast_in_dim3A_1 : vector<16xf32> to vector<1x16xf32>
    tpu.vector_store %arg9[%swap3A_212, %swap3A_213], %swap3A_216 {strides = array<i32>} : memref<8x128xf32, #tpu.memory_space<vmem>>, vector<1x16xf32>,
    %swap3A_217 = arith.constant 4 : i32
    %swap3A_218 = arith.index_cast %swap3A_217 : i32 to index
    %swap3A_219 = arith.constant 64 : index
    %swap3A_220 = tpu.vector_load %arg9[%swap3A_218, %swap3A_219] {strides = array<i32>} : memref<8x128xf32, #tpu.memory_space<vmem>>, vector<1x16xf32>,
    %swap3A_221 = vector.shape_cast %swap3A_220 : vector<1x16xf32> to vector<16xf32>
    %swap3A_222 = vector.shape_cast %broadcast_in_dim3A_1 : vector<16xf32> to vector<1x16xf32>
    tpu.vector_store %arg9[%swap3A_218, %swap3A_219], %swap3A_222 {strides = array<i32>} : memref<8x128xf32, #tpu.memory_space<vmem>>, vector<1x16xf32>,
    %swap3A_223 = arith.constant 4 : i32
    %swap3A_224 = arith.index_cast %swap3A_223 : i32 to index
    %swap3A_225 = arith.constant 80 : index
    %swap3A_226 = tpu.vector_load %arg9[%swap3A_224, %swap3A_225] {strides = array<i32>} : memref<8x128xf32, #tpu.memory_space<vmem>>, vector<1x16xf32>,
    %swap3A_227 = vector.shape_cast %swap3A_226 : vector<1x16xf32> to vector<16xf32>
    %swap3A_228 = vector.shape_cast %broadcast_in_dim3A_1 : vector<16xf32> to vector<1x16xf32>
    tpu.vector_store %arg9[%swap3A_224, %swap3A_225], %swap3A_228 {strides = array<i32>} : memref<8x128xf32, #tpu.memory_space<vmem>>, vector<1x16xf32>,
    %swap3A_229 = arith.constant 4 : i32
    %swap3A_230 = arith.index_cast %swap3A_229 : i32 to index
    %swap3A_231 = arith.constant 96 : index
    %swap3A_232 = tpu.vector_load %arg9[%swap3A_230, %swap3A_231] {strides = array<i32>} : memref<8x128xf32, #tpu.memory_space<vmem>>, vector<1x16xf32>,
    %swap3A_233 = vector.shape_cast %swap3A_232 : vector<1x16xf32> to vector<16xf32>
    %swap3A_234 = vector.shape_cast %broadcast_in_dim3A_1 : vector<16xf32> to vector<1x16xf32>
    tpu.vector_store %arg9[%swap3A_230, %swap3A_231], %swap3A_234 {strides = array<i32>} : memref<8x128xf32, #tpu.memory_space<vmem>>, vector<1x16xf32>,
    %swap3A_235 = arith.constant 4 : i32
    %swap3A_236 = arith.index_cast %swap3A_235 : i32 to index
    %swap3A_237 = arith.constant 112 : index
    %swap3A_238 = tpu.vector_load %arg9[%swap3A_236, %swap3A_237] {strides = array<i32>} : memref<8x128xf32, #tpu.memory_space<vmem>>, vector<1x16xf32>,
    %swap3A_239 = vector.shape_cast %swap3A_238 : vector<1x16xf32> to vector<16xf32>
    %swap3A_240 = vector.shape_cast %broadcast_in_dim3A_1 : vector<16xf32> to vector<1x16xf32>
    tpu.vector_store %arg9[%swap3A_236, %swap3A_237], %swap3A_240 {strides = array<i32>} : memref<8x128xf32, #tpu.memory_space<vmem>>, vector<1x16xf32>,
    %swap3A_241 = arith.constant 5 : i32
    %swap3A_242 = arith.index_cast %swap3A_241 : i32 to index
    %swap3A_243 = arith.constant 0 : index
    %swap3A_244 = tpu.vector_load %arg9[%swap3A_242, %swap3A_243] {strides = array<i32>} : memref<8x128xf32, #tpu.memory_space<vmem>>, vector<1x16xf32>,
    %swap3A_245 = vector.shape_cast %swap3A_244 : vector<1x16xf32> to vector<16xf32>
    %swap3A_246 = vector.shape_cast %broadcast_in_dim3A_1 : vector<16xf32> to vector<1x16xf32>
    tpu.vector_store %arg9[%swap3A_242, %swap3A_243], %swap3A_246 {strides = array<i32>} : memref<8x128xf32, #tpu.memory_space<vmem>>, vector<1x16xf32>,
    %swap3A_247 = arith.constant 5 : i32
    %swap3A_248 = arith.index_cast %swap3A_247 : i32 to index
    %swap3A_249 = arith.constant 16 : index
    %swap3A_250 = tpu.vector_load %arg9[%swap3A_248, %swap3A_249] {strides = array<i32>} : memref<8x128xf32, #tpu.memory_space<vmem>>, vector<1x16xf32>,
    %swap3A_251 = vector.shape_cast %swap3A_250 : vector<1x16xf32> to vector<16xf32>
    %swap3A_252 = vector.shape_cast %broadcast_in_dim3A_1 : vector<16xf32> to vector<1x16xf32>
    tpu.vector_store %arg9[%swap3A_248, %swap3A_249], %swap3A_252 {strides = array<i32>} : memref<8x128xf32, #tpu.memory_space<vmem>>, vector<1x16xf32>,
    %swap3A_253 = arith.constant 5 : i32
    %swap3A_254 = arith.index_cast %swap3A_253 : i32 to index
    %swap3A_255 = arith.constant 32 : index
    %swap3A_256 = tpu.vector_load %arg9[%swap3A_254, %swap3A_255] {strides = array<i32>} : memref<8x128xf32, #tpu.memory_space<vmem>>, vector<1x16xf32>,
    %swap3A_257 = vector.shape_cast %swap3A_256 : vector<1x16xf32> to vector<16xf32>
    %swap3A_258 = vector.shape_cast %broadcast_in_dim3A_1 : vector<16xf32> to vector<1x16xf32>
    tpu.vector_store %arg9[%swap3A_254, %swap3A_255], %swap3A_258 {strides = array<i32>} : memref<8x128xf32, #tpu.memory_space<vmem>>, vector<1x16xf32>,
    %swap3A_259 = arith.constant 5 : i32
    %swap3A_260 = arith.index_cast %swap3A_259 : i32 to index
    %swap3A_261 = arith.constant 48 : index
    %swap3A_262 = tpu.vector_load %arg9[%swap3A_260, %swap3A_261] {strides = array<i32>} : memref<8x128xf32, #tpu.memory_space<vmem>>, vector<1x16xf32>,
    %swap3A_263 = vector.shape_cast %swap3A_262 : vector<1x16xf32> to vector<16xf32>
    %swap3A_264 = vector.shape_cast %broadcast_in_dim3A_1 : vector<16xf32> to vector<1x16xf32>
    tpu.vector_store %arg9[%swap3A_260, %swap3A_261], %swap3A_264 {strides = array<i32>} : memref<8x128xf32, #tpu.memory_space<vmem>>, vector<1x16xf32>,
    %swap3A_265 = arith.constant 5 : i32
    %swap3A_266 = arith.index_cast %swap3A_265 : i32 to index
    %swap3A_267 = arith.constant 64 : index
    %swap3A_268 = tpu.vector_load %arg9[%swap3A_266, %swap3A_267] {strides = array<i32>} : memref<8x128xf32, #tpu.memory_space<vmem>>, vector<1x16xf32>,
    %swap3A_269 = vector.shape_cast %swap3A_268 : vector<1x16xf32> to vector<16xf32>
    %swap3A_270 = vector.shape_cast %broadcast_in_dim3A_1 : vector<16xf32> to vector<1x16xf32>
    tpu.vector_store %arg9[%swap3A_266, %swap3A_267], %swap3A_270 {strides = array<i32>} : memref<8x128xf32, #tpu.memory_space<vmem>>, vector<1x16xf32>,
    %swap3A_271 = arith.constant 5 : i32
    %swap3A_272 = arith.index_cast %swap3A_271 : i32 to index
    %swap3A_273 = arith.constant 80 : index
    %swap3A_274 = tpu.vector_load %arg9[%swap3A_272, %swap3A_273] {strides = array<i32>} : memref<8x128xf32, #tpu.memory_space<vmem>>, vector<1x16xf32>,
    %swap3A_275 = vector.shape_cast %swap3A_274 : vector<1x16xf32> to vector<16xf32>
    %swap3A_276 = vector.shape_cast %broadcast_in_dim3A_1 : vector<16xf32> to vector<1x16xf32>
    tpu.vector_store %arg9[%swap3A_272, %swap3A_273], %swap3A_276 {strides = array<i32>} : memref<8x128xf32, #tpu.memory_space<vmem>>, vector<1x16xf32>,
    %swap3A_277 = arith.constant 5 : i32
    %swap3A_278 = arith.index_cast %swap3A_277 : i32 to index
    %swap3A_279 = arith.constant 96 : index
    %swap3A_280 = tpu.vector_load %arg9[%swap3A_278, %swap3A_279] {strides = array<i32>} : memref<8x128xf32, #tpu.memory_space<vmem>>, vector<1x16xf32>,
    %swap3A_281 = vector.shape_cast %swap3A_280 : vector<1x16xf32> to vector<16xf32>
    %swap3A_282 = vector.shape_cast %broadcast_in_dim3A_1 : vector<16xf32> to vector<1x16xf32>
    tpu.vector_store %arg9[%swap3A_278, %swap3A_279], %swap3A_282 {strides = array<i32>} : memref<8x128xf32, #tpu.memory_space<vmem>>, vector<1x16xf32>,
    %swap3A_283 = arith.constant 5 : i32
    %swap3A_284 = arith.index_cast %swap3A_283 : i32 to index
    %swap3A_285 = arith.constant 112 : index
    %swap3A_286 = tpu.vector_load %arg9[%swap3A_284, %swap3A_285] {strides = array<i32>} : memref<8x128xf32, #tpu.memory_space<vmem>>, vector<1x16xf32>,
    %swap3A_287 = vector.shape_cast %swap3A_286 : vector<1x16xf32> to vector<16xf32>
    %swap3A_288 = vector.shape_cast %broadcast_in_dim3A_1 : vector<16xf32> to vector<1x16xf32>
    tpu.vector_store %arg9[%swap3A_284, %swap3A_285], %swap3A_288 {strides = array<i32>} : memref<8x128xf32, #tpu.memory_space<vmem>>, vector<1x16xf32>,
    %swap3A_289 = arith.constant 6 : i32
    %swap3A_290 = arith.index_cast %swap3A_289 : i32 to index
    %swap3A_291 = arith.constant 0 : index
    %swap3A_292 = tpu.vector_load %arg9[%swap3A_290, %swap3A_291] {strides = array<i32>} : memref<8x128xf32, #tpu.memory_space<vmem>>, vector<1x16xf32>,
    %swap3A_293 = vector.shape_cast %swap3A_292 : vector<1x16xf32> to vector<16xf32>
    %swap3A_294 = vector.shape_cast %broadcast_in_dim3A_1 : vector<16xf32> to vector<1x16xf32>
    tpu.vector_store %arg9[%swap3A_290, %swap3A_291], %swap3A_294 {strides = array<i32>} : memref<8x128xf32, #tpu.memory_space<vmem>>, vector<1x16xf32>,
    %swap3A_295 = arith.constant 6 : i32
    %swap3A_296 = arith.index_cast %swap3A_295 : i32 to index
    %swap3A_297 = arith.constant 16 : index
    %swap3A_298 = tpu.vector_load %arg9[%swap3A_296, %swap3A_297] {strides = array<i32>} : memref<8x128xf32, #tpu.memory_space<vmem>>, vector<1x16xf32>,
    %swap3A_299 = vector.shape_cast %swap3A_298 : vector<1x16xf32> to vector<16xf32>
    %swap3A_300 = vector.shape_cast %broadcast_in_dim3A_1 : vector<16xf32> to vector<1x16xf32>
    tpu.vector_store %arg9[%swap3A_296, %swap3A_297], %swap3A_300 {strides = array<i32>} : memref<8x128xf32, #tpu.memory_space<vmem>>, vector<1x16xf32>,
    %swap3A_301 = arith.constant 6 : i32
    %swap3A_302 = arith.index_cast %swap3A_301 : i32 to index
    %swap3A_303 = arith.constant 32 : index
    %swap3A_304 = tpu.vector_load %arg9[%swap3A_302, %swap3A_303] {strides = array<i32>} : memref<8x128xf32, #tpu.memory_space<vmem>>, vector<1x16xf32>,
    %swap3A_305 = vector.shape_cast %swap3A_304 : vector<1x16xf32> to vector<16xf32>
    %swap3A_306 = vector.shape_cast %broadcast_in_dim3A_1 : vector<16xf32> to vector<1x16xf32>
    tpu.vector_store %arg9[%swap3A_302, %swap3A_303], %swap3A_306 {strides = array<i32>} : memref<8x128xf32, #tpu.memory_space<vmem>>, vector<1x16xf32>,
    %swap3A_307 = arith.constant 6 : i32
    %swap3A_308 = arith.index_cast %swap3A_307 : i32 to index
    %swap3A_309 = arith.constant 48 : index
    %swap3A_310 = tpu.vector_load %arg9[%swap3A_308, %swap3A_309] {strides = array<i32>} : memref<8x128xf32, #tpu.memory_space<vmem>>, vector<1x16xf32>,
    %swap3A_311 = vector.shape_cast %swap3A_310 : vector<1x16xf32> to vector<16xf32>
    %swap3A_312 = vector.shape_cast %broadcast_in_dim3A_1 : vector<16xf32> to vector<1x16xf32>
    tpu.vector_store %arg9[%swap3A_308, %swap3A_309], %swap3A_312 {strides = array<i32>} : memref<8x128xf32, #tpu.memory_space<vmem>>, vector<1x16xf32>,
    %swap3A_313 = arith.constant 6 : i32
    %swap3A_314 = arith.index_cast %swap3A_313 : i32 to index
    %swap3A_315 = arith.constant 64 : index
    %swap3A_316 = tpu.vector_load %arg9[%swap3A_314, %swap3A_315] {strides = array<i32>} : memref<8x128xf32, #tpu.memory_space<vmem>>, vector<1x16xf32>,
    %swap3A_317 = vector.shape_cast %swap3A_316 : vector<1x16xf32> to vector<16xf32>
    %swap3A_318 = vector.shape_cast %broadcast_in_dim3A_1 : vector<16xf32> to vector<1x16xf32>
    tpu.vector_store %arg9[%swap3A_314, %swap3A_315], %swap3A_318 {strides = array<i32>} : memref<8x128xf32, #tpu.memory_space<vmem>>, vector<1x16xf32>,
    %swap3A_319 = arith.constant 6 : i32
    %swap3A_320 = arith.index_cast %swap3A_319 : i32 to index
    %swap3A_321 = arith.constant 80 : index
    %swap3A_322 = tpu.vector_load %arg9[%swap3A_320, %swap3A_321] {strides = array<i32>} : memref<8x128xf32, #tpu.memory_space<vmem>>, vector<1x16xf32>,
    %swap3A_323 = vector.shape_cast %swap3A_322 : vector<1x16xf32> to vector<16xf32>
    %swap3A_324 = vector.shape_cast %broadcast_in_dim3A_1 : vector<16xf32> to vector<1x16xf32>
    tpu.vector_store %arg9[%swap3A_320, %swap3A_321], %swap3A_324 {strides = array<i32>} : memref<8x128xf32, #tpu.memory_space<vmem>>, vector<1x16xf32>,
    %swap3A_325 = arith.constant 6 : i32
    %swap3A_326 = arith.index_cast %swap3A_325 : i32 to index
    %swap3A_327 = arith.constant 96 : index
    %swap3A_328 = tpu.vector_load %arg9[%swap3A_326, %swap3A_327] {strides = array<i32>} : memref<8x128xf32, #tpu.memory_space<vmem>>, vector<1x16xf32>,
    %swap3A_329 = vector.shape_cast %swap3A_328 : vector<1x16xf32> to vector<16xf32>
    %swap3A_330 = vector.shape_cast %broadcast_in_dim3A_1 : vector<16xf32> to vector<1x16xf32>
    tpu.vector_store %arg9[%swap3A_326, %swap3A_327], %swap3A_330 {strides = array<i32>} : memref<8x128xf32, #tpu.memory_space<vmem>>, vector<1x16xf32>,
    %swap3A_331 = arith.constant 6 : i32
    %swap3A_332 = arith.index_cast %swap3A_331 : i32 to index
    %swap3A_333 = arith.constant 112 : index
    %swap3A_334 = tpu.vector_load %arg9[%swap3A_332, %swap3A_333] {strides = array<i32>} : memref<8x128xf32, #tpu.memory_space<vmem>>, vector<1x16xf32>,
    %swap3A_335 = vector.shape_cast %swap3A_334 : vector<1x16xf32> to vector<16xf32>
    %swap3A_336 = vector.shape_cast %broadcast_in_dim3A_1 : vector<16xf32> to vector<1x16xf32>
    tpu.vector_store %arg9[%swap3A_332, %swap3A_333], %swap3A_336 {strides = array<i32>} : memref<8x128xf32, #tpu.memory_space<vmem>>, vector<1x16xf32>,
    %swap3A_337 = arith.constant 7 : i32
    %swap3A_338 = arith.index_cast %swap3A_337 : i32 to index
    %swap3A_339 = arith.constant 0 : index
    %swap3A_340 = tpu.vector_load %arg9[%swap3A_338, %swap3A_339] {strides = array<i32>} : memref<8x128xf32, #tpu.memory_space<vmem>>, vector<1x16xf32>,
    %swap3A_341 = vector.shape_cast %swap3A_340 : vector<1x16xf32> to vector<16xf32>
    %swap3A_342 = vector.shape_cast %broadcast_in_dim3A_1 : vector<16xf32> to vector<1x16xf32>
    tpu.vector_store %arg9[%swap3A_338, %swap3A_339], %swap3A_342 {strides = array<i32>} : memref<8x128xf32, #tpu.memory_space<vmem>>, vector<1x16xf32>,
    %swap3A_343 = arith.constant 7 : i32
    %swap3A_344 = arith.index_cast %swap3A_343 : i32 to index
    %swap3A_345 = arith.constant 16 : index
    %swap3A_346 = tpu.vector_load %arg9[%swap3A_344, %swap3A_345] {strides = array<i32>} : memref<8x128xf32, #tpu.memory_space<vmem>>, vector<1x16xf32>,
    %swap3A_347 = vector.shape_cast %swap3A_346 : vector<1x16xf32> to vector<16xf32>
    %swap3A_348 = vector.shape_cast %broadcast_in_dim3A_1 : vector<16xf32> to vector<1x16xf32>
    tpu.vector_store %arg9[%swap3A_344, %swap3A_345], %swap3A_348 {strides = array<i32>} : memref<8x128xf32, #tpu.memory_space<vmem>>, vector<1x16xf32>,
    %swap3A_349 = arith.constant 7 : i32
    %swap3A_350 = arith.index_cast %swap3A_349 : i32 to index
    %swap3A_351 = arith.constant 32 : index
    %swap3A_352 = tpu.vector_load %arg9[%swap3A_350, %swap3A_351] {strides = array<i32>} : memref<8x128xf32, #tpu.memory_space<vmem>>, vector<1x16xf32>,
    %swap3A_353 = vector.shape_cast %swap3A_352 : vector<1x16xf32> to vector<16xf32>
    %swap3A_354 = vector.shape_cast %broadcast_in_dim3A_1 : vector<16xf32> to vector<1x16xf32>
    tpu.vector_store %arg9[%swap3A_350, %swap3A_351], %swap3A_354 {strides = array<i32>} : memref<8x128xf32, #tpu.memory_space<vmem>>, vector<1x16xf32>,
    %swap3A_355 = arith.constant 7 : i32
    %swap3A_356 = arith.index_cast %swap3A_355 : i32 to index
    %swap3A_357 = arith.constant 48 : index
    %swap3A_358 = tpu.vector_load %arg9[%swap3A_356, %swap3A_357] {strides = array<i32>} : memref<8x128xf32, #tpu.memory_space<vmem>>, vector<1x16xf32>,
    %swap3A_359 = vector.shape_cast %swap3A_358 : vector<1x16xf32> to vector<16xf32>
    %swap3A_360 = vector.shape_cast %broadcast_in_dim3A_1 : vector<16xf32> to vector<1x16xf32>
    tpu.vector_store %arg9[%swap3A_356, %swap3A_357], %swap3A_360 {strides = array<i32>} : memref<8x128xf32, #tpu.memory_space<vmem>>, vector<1x16xf32>,
    %swap3A_361 = arith.constant 7 : i32
    %swap3A_362 = arith.index_cast %swap3A_361 : i32 to index
    %swap3A_363 = arith.constant 64 : index
    %swap3A_364 = tpu.vector_load %arg9[%swap3A_362, %swap3A_363] {strides = array<i32>} : memref<8x128xf32, #tpu.memory_space<vmem>>, vector<1x16xf32>,
    %swap3A_365 = vector.shape_cast %swap3A_364 : vector<1x16xf32> to vector<16xf32>
    %swap3A_366 = vector.shape_cast %broadcast_in_dim3A_1 : vector<16xf32> to vector<1x16xf32>
    tpu.vector_store %arg9[%swap3A_362, %swap3A_363], %swap3A_366 {strides = array<i32>} : memref<8x128xf32, #tpu.memory_space<vmem>>, vector<1x16xf32>,
    %swap3A_367 = arith.constant 7 : i32
    %swap3A_368 = arith.index_cast %swap3A_367 : i32 to index
    %swap3A_369 = arith.constant 80 : index
    %swap3A_370 = tpu.vector_load %arg9[%swap3A_368, %swap3A_369] {strides = array<i32>} : memref<8x128xf32, #tpu.memory_space<vmem>>, vector<1x16xf32>,
    %swap3A_371 = vector.shape_cast %swap3A_370 : vector<1x16xf32> to vector<16xf32>
    %swap3A_372 = vector.shape_cast %broadcast_in_dim3A_1 : vector<16xf32> to vector<1x16xf32>
    tpu.vector_store %arg9[%swap3A_368, %swap3A_369], %swap3A_372 {strides = array<i32>} : memref<8x128xf32, #tpu.memory_space<vmem>>, vector<1x16xf32>,
    %swap3A_373 = arith.constant 7 : i32
    %swap3A_374 = arith.index_cast %swap3A_373 : i32 to index
    %swap3A_375 = arith.constant 96 : index
    %swap3A_376 = tpu.vector_load %arg9[%swap3A_374, %swap3A_375] {strides = array<i32>} : memref<8x128xf32, #tpu.memory_space<vmem>>, vector<1x16xf32>,
    %swap3A_377 = vector.shape_cast %swap3A_376 : vector<1x16xf32> to vector<16xf32>
    %swap3A_378 = vector.shape_cast %broadcast_in_dim3A_1 : vector<16xf32> to vector<1x16xf32>
    tpu.vector_store %arg9[%swap3A_374, %swap3A_375], %swap3A_378 {strides = array<i32>} : memref<8x128xf32, #tpu.memory_space<vmem>>, vector<1x16xf32>,
    %swap3A_379 = arith.constant 7 : i32
    %swap3A_380 = arith.index_cast %swap3A_379 : i32 to index
    %swap3A_381 = arith.constant 112 : index
    %swap3A_382 = tpu.vector_load %arg9[%swap3A_380, %swap3A_381] {strides = array<i32>} : memref<8x128xf32, #tpu.memory_space<vmem>>, vector<1x16xf32>,
    %swap3A_383 = vector.shape_cast %swap3A_382 : vector<1x16xf32> to vector<16xf32>
    %swap3A_384 = vector.shape_cast %broadcast_in_dim3A_1 : vector<16xf32> to vector<1x16xf32>
    tpu.vector_store %arg9[%swap3A_380, %swap3A_381], %swap3A_384 {strides = array<i32>} : memref<8x128xf32, #tpu.memory_space<vmem>>, vector<1x16xf32>,
    %scan3A = arith.constant 0 : i32
    %scan3A_385 = arith.constant 0 : i32
    %scan3A_386 = arith.constant 80 : i32
    %scan3A_387 = arith.addi %scan3A_385, %scan3A_386 : i32
    %scan3A_388 = arith.constant 1 : i32
    %scan3A_389 = scf.for %scan3A_611 = %scan3A_385 to %scan3A_387 step %scan3A_388 iter_args(%scan3A_612 = %scan3A) -> (i32)  : i32 {
      %ge3A = arith.constant 4 : i32
      %ge3A_613 = arith.cmpi sge, %scan3A_611, %ge3A : i32
      %convert_element_type3A = arith.extui %ge3A_613 : i1 to i32
      %cond3A = arith.constant 0 : i32
      %cond3A_614 = arith.cmpi ne, %convert_element_type3A, %cond3A : i32
      scf.if %cond3A_614 {
        %dma_wait3A_625 = arith.constant 0 : i32
        %dma_wait3A_626 = arith.constant 0 : i32
        %dma_wait3A_627 = tpu.memref_slice %arg10[%dma_wait3A_625, %dma_wait3A_626] : memref<10240x128xf32, #tpu.memory_space<vmem_shared>> -> memref<8x128xf32, #tpu.memory_space<vmem_shared>>
        %dma_wait3A_628 = arith.constant 0 : i32
        %dma_wait3A_629 = arith.constant 0 : i32
        %dma_wait3A_630 = tpu.memref_slice %arg10[%dma_wait3A_628, %dma_wait3A_629] : memref<10240x128xf32, #tpu.memory_space<vmem_shared>> -> memref<8x128xf32, #tpu.memory_space<vmem_shared>>
        tpu.wait_dma2 semaphore(%arg12 : memref<!tpu.dma_semaphore, #tpu.memory_space<semaphore_mem>>) src(%arg9 : memref<8x128xf32, #tpu.memory_space<vmem>>) dst(%dma_wait3A_630 : memref<8x128xf32, #tpu.memory_space<vmem_shared>>)
      } else {
      }
      %mul3A_615 = arith.constant 640 : i32
      %mul3A_616 = arith.muli %arg1, %mul3A_615 : i32
      %mul3A_617 = arith.constant 8 : i32
      %mul3A_618 = arith.muli %scan3A_611, %mul3A_617 : i32
      %add3A_619 = arith.addi %mul3A_616, %mul3A_618 : i32
      %dma_start3A_620 = arith.constant 0 : i32
      %dma_start3A_621 = tpu.memref_slice %arg10[%add3A_619, %dma_start3A_620] : memref<10240x128xf32, #tpu.memory_space<vmem_shared>> -> memref<8x128xf32, #tpu.memory_space<vmem_shared>>
      %dma_start3A_622 = arith.constant 0 : i32
      %dma_start3A_623 = tpu.memref_slice %arg10[%add3A_619, %dma_start3A_622] : memref<10240x128xf32, #tpu.memory_space<vmem_shared>> -> memref<8x128xf32, #tpu.memory_space<vmem_shared>>
      tpu.enqueue_dma source(%arg9 : memref<8x128xf32, #tpu.memory_space<vmem>>) target(%dma_start3A_623 : memref<8x128xf32, #tpu.memory_space<vmem_shared>>) target_semaphore(%arg12 : memref<!tpu.dma_semaphore, #tpu.memory_space<semaphore_mem>>)
      %scan3A_624 = arith.constant 0 : i32
      scf.yield %scan3A_624 : i32
    }
    %scan3A_390 = arith.constant 80 : i32
    "tpu.region"() ({
      %run_scoped3A = tpu.sem_alloc : memref<!tpu.dma_semaphore, #tpu.memory_space<semaphore_mem>>
      %dma_start3A_611 = arith.constant 0 : i32
      %dma_start3A_612 = arith.constant 0 : i32
      %dma_start3A_613 = tpu.memref_slice %arg3[%add3A, %dma_start3A_611, %dma_start3A_612] : memref<32x80x128xi32, #tpu.memory_space<hbm>> -> memref<1x80x128xi32, #tpu.memory_space<hbm>>
      %dma_start3A_614 = tpu.memref_squeeze %dma_start3A_613 : memref<1x80x128xi32, #tpu.memory_space<hbm>> -> memref<80x128xi32, #tpu.memory_space<hbm>>
      %dma_start3A_615 = arith.constant 0 : i32
      %dma_start3A_616 = arith.constant 0 : i32
      %dma_start3A_617 = tpu.memref_slice %arg3[%add3A, %dma_start3A_615, %dma_start3A_616] : memref<32x80x128xi32, #tpu.memory_space<hbm>> -> memref<1x80x128xi32, #tpu.memory_space<hbm>>
      %dma_start3A_618 = tpu.memref_squeeze %dma_start3A_617 : memref<1x80x128xi32, #tpu.memory_space<hbm>> -> memref<80x128xi32, #tpu.memory_space<hbm>>
      tpu.enqueue_dma source(%dma_start3A_618 : memref<80x128xi32, #tpu.memory_space<hbm>>) target(%arg5 : memref<80x128xi32, #tpu.memory_space<vmem>>) target_semaphore(%run_scoped3A : memref<!tpu.dma_semaphore, #tpu.memory_space<semaphore_mem>>)
      %dma_wait3A_619 = arith.constant 0 : i32
      %dma_wait3A_620 = arith.constant 0 : i32
      %dma_wait3A_621 = tpu.memref_slice %arg3[%add3A, %dma_wait3A_619, %dma_wait3A_620] : memref<32x80x128xi32, #tpu.memory_space<hbm>> -> memref<1x80x128xi32, #tpu.memory_space<hbm>>
      %dma_wait3A_622 = tpu.memref_squeeze %dma_wait3A_621 : memref<1x80x128xi32, #tpu.memory_space<hbm>> -> memref<80x128xi32, #tpu.memory_space<hbm>>
      %dma_wait3A_623 = arith.constant 0 : i32
      %dma_wait3A_624 = arith.constant 0 : i32
      %dma_wait3A_625 = tpu.memref_slice %arg3[%add3A, %dma_wait3A_623, %dma_wait3A_624] : memref<32x80x128xi32, #tpu.memory_space<hbm>> -> memref<1x80x128xi32, #tpu.memory_space<hbm>>
      %dma_wait3A_626 = tpu.memref_squeeze %dma_wait3A_625 : memref<1x80x128xi32, #tpu.memory_space<hbm>> -> memref<80x128xi32, #tpu.memory_space<hbm>>
      tpu.wait_dma2 semaphore(%run_scoped3A : memref<!tpu.dma_semaphore, #tpu.memory_space<semaphore_mem>>) src(%dma_wait3A_626 : memref<80x128xi32, #tpu.memory_space<hbm>>) dst(%arg5 : memref<80x128xi32, #tpu.memory_space<vmem>>)
      tpu.yield
    }) : () -> ()
    %scan3A_391 = arith.constant 0 : i32
    %scan3A_392 = arith.constant 0 : i32
    %scan3A_393 = arith.constant 4 : i32
    %scan3A_394 = arith.addi %scan3A_392, %scan3A_393 : i32
    %scan3A_395 = arith.constant 1 : i32
    %scan3A_396 = scf.for %scan3A_611 = %scan3A_392 to %scan3A_394 step %scan3A_395 iter_args(%scan3A_612 = %scan3A_391) -> (i32)  : i32 {
      %dma_wait3A_613 = arith.constant 0 : i32
      %dma_wait3A_614 = arith.constant 0 : i32
      %dma_wait3A_615 = tpu.memref_slice %arg10[%dma_wait3A_613, %dma_wait3A_614] : memref<10240x128xf32, #tpu.memory_space<vmem_shared>> -> memref<8x128xf32, #tpu.memory_space<vmem_shared>>
      %dma_wait3A_616 = arith.constant 0 : i32
      %dma_wait3A_617 = arith.constant 0 : i32
      %dma_wait3A_618 = tpu.memref_slice %arg10[%dma_wait3A_616, %dma_wait3A_617] : memref<10240x128xf32, #tpu.memory_space<vmem_shared>> -> memref<8x128xf32, #tpu.memory_space<vmem_shared>>
      tpu.wait_dma2 semaphore(%arg12 : memref<!tpu.dma_semaphore, #tpu.memory_space<semaphore_mem>>) src(%arg9 : memref<8x128xf32, #tpu.memory_space<vmem>>) dst(%dma_wait3A_618 : memref<8x128xf32, #tpu.memory_space<vmem_shared>>)
      %scan3A_619 = arith.constant 0 : i32
      scf.yield %scan3A_619 : i32
    }
    %scan3A_397 = arith.constant 4 : i32
    %barrier3A = arith.constant 0 : index
    tpu.barrier barrier_id(%barrier3A)
    %get3A = arith.constant 0 : i32
    %get3A_398 = arith.index_cast %get3A : i32 to index
    %get3A_399 = arith.constant 0 : index
    %get3A_400 = tpu.vector_load %arg5[%get3A_398, %get3A_399] {strides = array<i32>} : memref<80x128xi32, #tpu.memory_space<vmem>>, vector<1x16xi32>,
    %get3A_401 = vector.shape_cast %get3A_400 : vector<1x16xi32> to vector<16xi32>
    %and3A = arith.constant 16383 : i32
    %and3A_402 = vector.broadcast %and3A : i32 to vector<16xi32>
    %and3A_403 = arith.andi %get3A_401, %and3A_402 : vector<16xi32>
    %swap3A_404 = arith.constant 0 : i32
    %swap3A_405 = arith.index_cast %swap3A_404 : i32 to index
    %swap3A_406 = arith.constant 0 : index
    %swap3A_407 = tpu.vector_load %arg6[%swap3A_405, %swap3A_406] {strides = array<i32>} : memref<2x128xi32, #tpu.memory_space<vmem>>, vector<1x16xi32>,
    %swap3A_408 = vector.shape_cast %swap3A_407 : vector<1x16xi32> to vector<16xi32>
    %swap3A_409 = vector.shape_cast %and3A_403 : vector<16xi32> to vector<1x16xi32>
    tpu.vector_store %arg6[%swap3A_405, %swap3A_406], %swap3A_409 {strides = array<i32>} : memref<2x128xi32, #tpu.memory_space<vmem>>, vector<1x16xi32>,
    %shift_right_logical3A = arith.constant 14 : i32
    %shift_right_logical3A_410 = vector.broadcast %shift_right_logical3A : i32 to vector<16xi32>
    %shift_right_logical3A_411 = arith.shrui %get3A_401, %shift_right_logical3A_410 : vector<16xi32>
    %swap3A_412 = arith.constant 0 : i32
    %swap3A_413 = arith.index_cast %swap3A_412 : i32 to index
    %swap3A_414 = arith.constant 0 : index
    %swap3A_415 = tpu.vector_load %arg7[%swap3A_413, %swap3A_414] {strides = array<i32>} : memref<2x128xi32, #tpu.memory_space<vmem>>, vector<1x16xi32>,
    %swap3A_416 = vector.shape_cast %swap3A_415 : vector<1x16xi32> to vector<16xi32>
    %swap3A_417 = vector.shape_cast %shift_right_logical3A_411 : vector<16xi32> to vector<1x16xi32>
    tpu.vector_store %arg7[%swap3A_413, %swap3A_414], %swap3A_417 {strides = array<i32>} : memref<2x128xi32, #tpu.memory_space<vmem>>, vector<1x16xi32>,
    %get3A_418 = arith.constant 0 : i32
    %get3A_419 = arith.index_cast %get3A_418 : i32 to index
    %get3A_420 = arith.constant 16 : index
    %get3A_421 = tpu.vector_load %arg5[%get3A_419, %get3A_420] {strides = array<i32>} : memref<80x128xi32, #tpu.memory_space<vmem>>, vector<1x16xi32>,
    %get3A_422 = vector.shape_cast %get3A_421 : vector<1x16xi32> to vector<16xi32>
    %and3A_423 = arith.constant 16383 : i32
    %and3A_424 = vector.broadcast %and3A_423 : i32 to vector<16xi32>
    %and3A_425 = arith.andi %get3A_422, %and3A_424 : vector<16xi32>
    %swap3A_426 = arith.constant 0 : i32
    %swap3A_427 = arith.index_cast %swap3A_426 : i32 to index
    %swap3A_428 = arith.constant 16 : index
    %swap3A_429 = tpu.vector_load %arg6[%swap3A_427, %swap3A_428] {strides = array<i32>} : memref<2x128xi32, #tpu.memory_space<vmem>>, vector<1x16xi32>,
    %swap3A_430 = vector.shape_cast %swap3A_429 : vector<1x16xi32> to vector<16xi32>
    %swap3A_431 = vector.shape_cast %and3A_425 : vector<16xi32> to vector<1x16xi32>
    tpu.vector_store %arg6[%swap3A_427, %swap3A_428], %swap3A_431 {strides = array<i32>} : memref<2x128xi32, #tpu.memory_space<vmem>>, vector<1x16xi32>,
    %shift_right_logical3A_432 = arith.constant 14 : i32
    %shift_right_logical3A_433 = vector.broadcast %shift_right_logical3A_432 : i32 to vector<16xi32>
    %shift_right_logical3A_434 = arith.shrui %get3A_422, %shift_right_logical3A_433 : vector<16xi32>
    %swap3A_435 = arith.constant 0 : i32
    %swap3A_436 = arith.index_cast %swap3A_435 : i32 to index
    %swap3A_437 = arith.constant 16 : index
    %swap3A_438 = tpu.vector_load %arg7[%swap3A_436, %swap3A_437] {strides = array<i32>} : memref<2x128xi32, #tpu.memory_space<vmem>>, vector<1x16xi32>,
    %swap3A_439 = vector.shape_cast %swap3A_438 : vector<1x16xi32> to vector<16xi32>
    %swap3A_440 = vector.shape_cast %shift_right_logical3A_434 : vector<16xi32> to vector<1x16xi32>
    tpu.vector_store %arg7[%swap3A_436, %swap3A_437], %swap3A_440 {strides = array<i32>} : memref<2x128xi32, #tpu.memory_space<vmem>>, vector<1x16xi32>,
    %get3A_441 = arith.constant 0 : i32
    %get3A_442 = arith.index_cast %get3A_441 : i32 to index
    %get3A_443 = arith.constant 32 : index
    %get3A_444 = tpu.vector_load %arg5[%get3A_442, %get3A_443] {strides = array<i32>} : memref<80x128xi32, #tpu.memory_space<vmem>>, vector<1x16xi32>,
    %get3A_445 = vector.shape_cast %get3A_444 : vector<1x16xi32> to vector<16xi32>
    %and3A_446 = arith.constant 16383 : i32
    %and3A_447 = vector.broadcast %and3A_446 : i32 to vector<16xi32>
    %and3A_448 = arith.andi %get3A_445, %and3A_447 : vector<16xi32>
    %swap3A_449 = arith.constant 0 : i32
    %swap3A_450 = arith.index_cast %swap3A_449 : i32 to index
    %swap3A_451 = arith.constant 32 : index
    %swap3A_452 = tpu.vector_load %arg6[%swap3A_450, %swap3A_451] {strides = array<i32>} : memref<2x128xi32, #tpu.memory_space<vmem>>, vector<1x16xi32>,
    %swap3A_453 = vector.shape_cast %swap3A_452 : vector<1x16xi32> to vector<16xi32>
    %swap3A_454 = vector.shape_cast %and3A_448 : vector<16xi32> to vector<1x16xi32>
    tpu.vector_store %arg6[%swap3A_450, %swap3A_451], %swap3A_454 {strides = array<i32>} : memref<2x128xi32, #tpu.memory_space<vmem>>, vector<1x16xi32>,
    %shift_right_logical3A_455 = arith.constant 14 : i32
    %shift_right_logical3A_456 = vector.broadcast %shift_right_logical3A_455 : i32 to vector<16xi32>
    %shift_right_logical3A_457 = arith.shrui %get3A_445, %shift_right_logical3A_456 : vector<16xi32>
    %swap3A_458 = arith.constant 0 : i32
    %swap3A_459 = arith.index_cast %swap3A_458 : i32 to index
    %swap3A_460 = arith.constant 32 : index
    %swap3A_461 = tpu.vector_load %arg7[%swap3A_459, %swap3A_460] {strides = array<i32>} : memref<2x128xi32, #tpu.memory_space<vmem>>, vector<1x16xi32>,
    %swap3A_462 = vector.shape_cast %swap3A_461 : vector<1x16xi32> to vector<16xi32>
    %swap3A_463 = vector.shape_cast %shift_right_logical3A_457 : vector<16xi32> to vector<1x16xi32>
    tpu.vector_store %arg7[%swap3A_459, %swap3A_460], %swap3A_463 {strides = array<i32>} : memref<2x128xi32, #tpu.memory_space<vmem>>, vector<1x16xi32>,
    %get3A_464 = arith.constant 0 : i32
    %get3A_465 = arith.index_cast %get3A_464 : i32 to index
    %get3A_466 = arith.constant 48 : index
    %get3A_467 = tpu.vector_load %arg5[%get3A_465, %get3A_466] {strides = array<i32>} : memref<80x128xi32, #tpu.memory_space<vmem>>, vector<1x16xi32>,
    %get3A_468 = vector.shape_cast %get3A_467 : vector<1x16xi32> to vector<16xi32>
    %and3A_469 = arith.constant 16383 : i32
    %and3A_470 = vector.broadcast %and3A_469 : i32 to vector<16xi32>
    %and3A_471 = arith.andi %get3A_468, %and3A_470 : vector<16xi32>
    %swap3A_472 = arith.constant 0 : i32
    %swap3A_473 = arith.index_cast %swap3A_472 : i32 to index
    %swap3A_474 = arith.constant 48 : index
    %swap3A_475 = tpu.vector_load %arg6[%swap3A_473, %swap3A_474] {strides = array<i32>} : memref<2x128xi32, #tpu.memory_space<vmem>>, vector<1x16xi32>,
    %swap3A_476 = vector.shape_cast %swap3A_475 : vector<1x16xi32> to vector<16xi32>
    %swap3A_477 = vector.shape_cast %and3A_471 : vector<16xi32> to vector<1x16xi32>
    tpu.vector_store %arg6[%swap3A_473, %swap3A_474], %swap3A_477 {strides = array<i32>} : memref<2x128xi32, #tpu.memory_space<vmem>>, vector<1x16xi32>,
    %shift_right_logical3A_478 = arith.constant 14 : i32
    %shift_right_logical3A_479 = vector.broadcast %shift_right_logical3A_478 : i32 to vector<16xi32>
    %shift_right_logical3A_480 = arith.shrui %get3A_468, %shift_right_logical3A_479 : vector<16xi32>
    %swap3A_481 = arith.constant 0 : i32
    %swap3A_482 = arith.index_cast %swap3A_481 : i32 to index
    %swap3A_483 = arith.constant 48 : index
    %swap3A_484 = tpu.vector_load %arg7[%swap3A_482, %swap3A_483] {strides = array<i32>} : memref<2x128xi32, #tpu.memory_space<vmem>>, vector<1x16xi32>,
    %swap3A_485 = vector.shape_cast %swap3A_484 : vector<1x16xi32> to vector<16xi32>
    %swap3A_486 = vector.shape_cast %shift_right_logical3A_480 : vector<16xi32> to vector<1x16xi32>
    tpu.vector_store %arg7[%swap3A_482, %swap3A_483], %swap3A_486 {strides = array<i32>} : memref<2x128xi32, #tpu.memory_space<vmem>>, vector<1x16xi32>,
    %get3A_487 = arith.constant 0 : i32
    %get3A_488 = arith.index_cast %get3A_487 : i32 to index
    %get3A_489 = arith.constant 64 : index
    %get3A_490 = tpu.vector_load %arg5[%get3A_488, %get3A_489] {strides = array<i32>} : memref<80x128xi32, #tpu.memory_space<vmem>>, vector<1x16xi32>,
    %get3A_491 = vector.shape_cast %get3A_490 : vector<1x16xi32> to vector<16xi32>
    %and3A_492 = arith.constant 16383 : i32
    %and3A_493 = vector.broadcast %and3A_492 : i32 to vector<16xi32>
    %and3A_494 = arith.andi %get3A_491, %and3A_493 : vector<16xi32>
    %swap3A_495 = arith.constant 0 : i32
    %swap3A_496 = arith.index_cast %swap3A_495 : i32 to index
    %swap3A_497 = arith.constant 64 : index
    %swap3A_498 = tpu.vector_load %arg6[%swap3A_496, %swap3A_497] {strides = array<i32>} : memref<2x128xi32, #tpu.memory_space<vmem>>, vector<1x16xi32>,
    %swap3A_499 = vector.shape_cast %swap3A_498 : vector<1x16xi32> to vector<16xi32>
    %swap3A_500 = vector.shape_cast %and3A_494 : vector<16xi32> to vector<1x16xi32>
    tpu.vector_store %arg6[%swap3A_496, %swap3A_497], %swap3A_500 {strides = array<i32>} : memref<2x128xi32, #tpu.memory_space<vmem>>, vector<1x16xi32>,
    %shift_right_logical3A_501 = arith.constant 14 : i32
    %shift_right_logical3A_502 = vector.broadcast %shift_right_logical3A_501 : i32 to vector<16xi32>
    %shift_right_logical3A_503 = arith.shrui %get3A_491, %shift_right_logical3A_502 : vector<16xi32>
    %swap3A_504 = arith.constant 0 : i32
    %swap3A_505 = arith.index_cast %swap3A_504 : i32 to index
    %swap3A_506 = arith.constant 64 : index
    %swap3A_507 = tpu.vector_load %arg7[%swap3A_505, %swap3A_506] {strides = array<i32>} : memref<2x128xi32, #tpu.memory_space<vmem>>, vector<1x16xi32>,
    %swap3A_508 = vector.shape_cast %swap3A_507 : vector<1x16xi32> to vector<16xi32>
    %swap3A_509 = vector.shape_cast %shift_right_logical3A_503 : vector<16xi32> to vector<1x16xi32>
    tpu.vector_store %arg7[%swap3A_505, %swap3A_506], %swap3A_509 {strides = array<i32>} : memref<2x128xi32, #tpu.memory_space<vmem>>, vector<1x16xi32>,
    %get3A_510 = arith.constant 0 : i32
    %get3A_511 = arith.index_cast %get3A_510 : i32 to index
    %get3A_512 = arith.constant 80 : index
    %get3A_513 = tpu.vector_load %arg5[%get3A_511, %get3A_512] {strides = array<i32>} : memref<80x128xi32, #tpu.memory_space<vmem>>, vector<1x16xi32>,
    %get3A_514 = vector.shape_cast %get3A_513 : vector<1x16xi32> to vector<16xi32>
    %and3A_515 = arith.constant 16383 : i32
    %and3A_516 = vector.broadcast %and3A_515 : i32 to vector<16xi32>
    %and3A_517 = arith.andi %get3A_514, %and3A_516 : vector<16xi32>
    %swap3A_518 = arith.constant 0 : i32
    %swap3A_519 = arith.index_cast %swap3A_518 : i32 to index
    %swap3A_520 = arith.constant 80 : index
    %swap3A_521 = tpu.vector_load %arg6[%swap3A_519, %swap3A_520] {strides = array<i32>} : memref<2x128xi32, #tpu.memory_space<vmem>>, vector<1x16xi32>,
    %swap3A_522 = vector.shape_cast %swap3A_521 : vector<1x16xi32> to vector<16xi32>
    %swap3A_523 = vector.shape_cast %and3A_517 : vector<16xi32> to vector<1x16xi32>
    tpu.vector_store %arg6[%swap3A_519, %swap3A_520], %swap3A_523 {strides = array<i32>} : memref<2x128xi32, #tpu.memory_space<vmem>>, vector<1x16xi32>,
    %shift_right_logical3A_524 = arith.constant 14 : i32
    %shift_right_logical3A_525 = vector.broadcast %shift_right_logical3A_524 : i32 to vector<16xi32>
    %shift_right_logical3A_526 = arith.shrui %get3A_514, %shift_right_logical3A_525 : vector<16xi32>
    %swap3A_527 = arith.constant 0 : i32
    %swap3A_528 = arith.index_cast %swap3A_527 : i32 to index
    %swap3A_529 = arith.constant 80 : index
    %swap3A_530 = tpu.vector_load %arg7[%swap3A_528, %swap3A_529] {strides = array<i32>} : memref<2x128xi32, #tpu.memory_space<vmem>>, vector<1x16xi32>,
    %swap3A_531 = vector.shape_cast %swap3A_530 : vector<1x16xi32> to vector<16xi32>
    %swap3A_532 = vector.shape_cast %shift_right_logical3A_526 : vector<16xi32> to vector<1x16xi32>
    tpu.vector_store %arg7[%swap3A_528, %swap3A_529], %swap3A_532 {strides = array<i32>} : memref<2x128xi32, #tpu.memory_space<vmem>>, vector<1x16xi32>,
    %get3A_533 = arith.constant 0 : i32
    %get3A_534 = arith.index_cast %get3A_533 : i32 to index
    %get3A_535 = arith.constant 96 : index
    %get3A_536 = tpu.vector_load %arg5[%get3A_534, %get3A_535] {strides = array<i32>} : memref<80x128xi32, #tpu.memory_space<vmem>>, vector<1x16xi32>,
    %get3A_537 = vector.shape_cast %get3A_536 : vector<1x16xi32> to vector<16xi32>
    %and3A_538 = arith.constant 16383 : i32
    %and3A_539 = vector.broadcast %and3A_538 : i32 to vector<16xi32>
    %and3A_540 = arith.andi %get3A_537, %and3A_539 : vector<16xi32>
    %swap3A_541 = arith.constant 0 : i32
    %swap3A_542 = arith.index_cast %swap3A_541 : i32 to index
    %swap3A_543 = arith.constant 96 : index
    %swap3A_544 = tpu.vector_load %arg6[%swap3A_542, %swap3A_543] {strides = array<i32>} : memref<2x128xi32, #tpu.memory_space<vmem>>, vector<1x16xi32>,
    %swap3A_545 = vector.shape_cast %swap3A_544 : vector<1x16xi32> to vector<16xi32>
    %swap3A_546 = vector.shape_cast %and3A_540 : vector<16xi32> to vector<1x16xi32>
    tpu.vector_store %arg6[%swap3A_542, %swap3A_543], %swap3A_546 {strides = array<i32>} : memref<2x128xi32, #tpu.memory_space<vmem>>, vector<1x16xi32>,
    %shift_right_logical3A_547 = arith.constant 14 : i32
    %shift_right_logical3A_548 = vector.broadcast %shift_right_logical3A_547 : i32 to vector<16xi32>
    %shift_right_logical3A_549 = arith.shrui %get3A_537, %shift_right_logical3A_548 : vector<16xi32>
    %swap3A_550 = arith.constant 0 : i32
    %swap3A_551 = arith.index_cast %swap3A_550 : i32 to index
    %swap3A_552 = arith.constant 96 : index
    %swap3A_553 = tpu.vector_load %arg7[%swap3A_551, %swap3A_552] {strides = array<i32>} : memref<2x128xi32, #tpu.memory_space<vmem>>, vector<1x16xi32>,
    %swap3A_554 = vector.shape_cast %swap3A_553 : vector<1x16xi32> to vector<16xi32>
    %swap3A_555 = vector.shape_cast %shift_right_logical3A_549 : vector<16xi32> to vector<1x16xi32>
    tpu.vector_store %arg7[%swap3A_551, %swap3A_552], %swap3A_555 {strides = array<i32>} : memref<2x128xi32, #tpu.memory_space<vmem>>, vector<1x16xi32>,
    %get3A_556 = arith.constant 0 : i32
    %get3A_557 = arith.index_cast %get3A_556 : i32 to index
    %get3A_558 = arith.constant 112 : index
    %get3A_559 = tpu.vector_load %arg5[%get3A_557, %get3A_558] {strides = array<i32>} : memref<80x128xi32, #tpu.memory_space<vmem>>, vector<1x16xi32>,
    %get3A_560 = vector.shape_cast %get3A_559 : vector<1x16xi32> to vector<16xi32>
    %and3A_561 = arith.constant 16383 : i32
    %and3A_562 = vector.broadcast %and3A_561 : i32 to vector<16xi32>
    %and3A_563 = arith.andi %get3A_560, %and3A_562 : vector<16xi32>
    %swap3A_564 = arith.constant 0 : i32
    %swap3A_565 = arith.index_cast %swap3A_564 : i32 to index
    %swap3A_566 = arith.constant 112 : index
    %swap3A_567 = tpu.vector_load %arg6[%swap3A_565, %swap3A_566] {strides = array<i32>} : memref<2x128xi32, #tpu.memory_space<vmem>>, vector<1x16xi32>,
    %swap3A_568 = vector.shape_cast %swap3A_567 : vector<1x16xi32> to vector<16xi32>
    %swap3A_569 = vector.shape_cast %and3A_563 : vector<16xi32> to vector<1x16xi32>
    tpu.vector_store %arg6[%swap3A_565, %swap3A_566], %swap3A_569 {strides = array<i32>} : memref<2x128xi32, #tpu.memory_space<vmem>>, vector<1x16xi32>,
    %shift_right_logical3A_570 = arith.constant 14 : i32
    %shift_right_logical3A_571 = vector.broadcast %shift_right_logical3A_570 : i32 to vector<16xi32>
    %shift_right_logical3A_572 = arith.shrui %get3A_560, %shift_right_logical3A_571 : vector<16xi32>
    %swap3A_573 = arith.constant 0 : i32
    %swap3A_574 = arith.index_cast %swap3A_573 : i32 to index
    %swap3A_575 = arith.constant 112 : index
    %swap3A_576 = tpu.vector_load %arg7[%swap3A_574, %swap3A_575] {strides = array<i32>} : memref<2x128xi32, #tpu.memory_space<vmem>>, vector<1x16xi32>,
    %swap3A_577 = vector.shape_cast %swap3A_576 : vector<1x16xi32> to vector<16xi32>
    %swap3A_578 = vector.shape_cast %shift_right_logical3A_572 : vector<16xi32> to vector<1x16xi32>
    tpu.vector_store %arg7[%swap3A_574, %swap3A_575], %swap3A_578 {strides = array<i32>} : memref<2x128xi32, #tpu.memory_space<vmem>>, vector<1x16xi32>,
    %dma_start3A = arith.constant 0 : i32
    %dma_start3A_579 = arith.constant 0 : i32
    %dma_start3A_580 = arith.constant 0 : i32
    %dma_start3A_581 = arith.constant 0 : i32
    %dma_start3A_582 = tpu.memref_slice %arg8[%dma_start3A_579, %dma_start3A_580, %dma_start3A_581] : memref<2x128x128xf32, #tpu.memory_space<vmem>> -> memref<1x128x128xf32, #tpu.memory_space<vmem>>
    %dma_start3A_583 = tpu.memref_squeeze %dma_start3A_582 : memref<1x128x128xf32, #tpu.memory_space<vmem>> -> memref<128x128xf32, #tpu.memory_space<vmem>>
    %dma_start3A_584 = arith.constant 0 : i32
    %dma_start3A_585 = tpu.memref_slice %arg6[%dma_start3A, %dma_start3A_584] : memref<2x128xi32, #tpu.memory_space<vmem>> -> memref<1x128xi32, #tpu.memory_space<vmem>>
    %dma_start3A_586 = tpu.memref_squeeze %dma_start3A_585 : memref<1x128xi32, #tpu.memory_space<vmem>> -> memref<128xi32, #tpu.memory_space<vmem>>
    %dma_start3A_587 = arith.constant 0 : i32
    %dma_start3A_588 = arith.constant 0 : i32
    %dma_start3A_589 = tpu.memref_slice %arg2[%dma_start3A_587, %dma_start3A_588] : memref<10240x128xf32, #tpu.memory_space<hbm>> -> memref<10240x128xf32, #tpu.memory_space<hbm>>
    tpu.enqueue_indirect_dma source(%dma_start3A_589 : memref<10240x128xf32, #tpu.memory_space<hbm>>) target(%dma_start3A_583 : memref<128x128xf32, #tpu.memory_space<vmem>>) offsets(%dma_start3A_586 : memref<128xi32, #tpu.memory_space<vmem>>) semaphore(%arg11 : memref<!tpu.dma_semaphore, #tpu.memory_space<semaphore_mem>>)
    %scan3A_590 = arith.constant 0 : i32
    %scan3A_591 = arith.constant 0 : i32
    %scan3A_592 = arith.constant 80 : i32
    %scan3A_593 = arith.addi %scan3A_591, %scan3A_592 : i32
    %scan3A_594 = arith.constant 1 : i32
    %scan3A_595 = scf.for %scan3A_611 = %scan3A_591 to %scan3A_593 step %scan3A_594 iter_args(%scan3A_612 = %scan3A_590) -> (i32)  : i32 {
      %rem3A = arith.constant 2 : i32
      %rem3A_613 = arith.remsi %scan3A_611, %rem3A : i32
      %dma_wait3A_614 = arith.constant 0 : i32
      %dma_wait3A_615 = arith.constant 0 : i32
      %dma_wait3A_616 = tpu.memref_slice %arg8[%rem3A_613, %dma_wait3A_614, %dma_wait3A_615] : memref<2x128x128xf32, #tpu.memory_space<vmem>> -> memref<1x128x128xf32, #tpu.memory_space<vmem>>
      %dma_wait3A_617 = tpu.memref_squeeze %dma_wait3A_616 : memref<1x128x128xf32, #tpu.memory_space<vmem>> -> memref<128x128xf32, #tpu.memory_space<vmem>>
      %dma_wait3A_618 = arith.constant 0 : i32
      %dma_wait3A_619 = tpu.memref_slice %arg6[%rem3A_613, %dma_wait3A_618] : memref<2x128xi32, #tpu.memory_space<vmem>> -> memref<1x128xi32, #tpu.memory_space<vmem>>
      %dma_wait3A_620 = tpu.memref_squeeze %dma_wait3A_619 : memref<1x128xi32, #tpu.memory_space<vmem>> -> memref<128xi32, #tpu.memory_space<vmem>>
      %dma_wait3A_621 = arith.constant 0 : i32
      %dma_wait3A_622 = arith.constant 0 : i32
      %dma_wait3A_623 = tpu.memref_slice %arg2[%dma_wait3A_621, %dma_wait3A_622] : memref<10240x128xf32, #tpu.memory_space<hbm>> -> memref<10240x128xf32, #tpu.memory_space<hbm>>
      tpu.wait_indirect_dma semaphore(%arg11 : memref<!tpu.dma_semaphore, #tpu.memory_space<semaphore_mem>>) src(%dma_wait3A_623 : memref<10240x128xf32, #tpu.memory_space<hbm>>) dst(%dma_wait3A_617 : memref<128x128xf32, #tpu.memory_space<vmem>>)
      %ge3A = arith.constant 1 : i32
      %ge3A_624 = arith.cmpi sge, %scan3A_611, %ge3A : i32
      %convert_element_type3A = arith.extui %ge3A_624 : i1 to i32
      %cond3A = arith.constant 0 : i32
      %cond3A_625 = arith.cmpi ne, %convert_element_type3A, %cond3A : i32
      scf.if %cond3A_625 {
        %dma_wait3A_641 = arith.constant 0 : i32
        %dma_wait3A_642 = arith.constant 0 : i32
        %dma_wait3A_643 = arith.constant 0 : i32
        %dma_wait3A_644 = arith.constant 0 : i32
        %dma_wait3A_645 = tpu.memref_slice %arg8[%dma_wait3A_641, %dma_wait3A_643, %dma_wait3A_644] : memref<2x128x128xf32, #tpu.memory_space<vmem>> -> memref<1x128x128xf32, #tpu.memory_space<vmem>>
        %dma_wait3A_646 = tpu.memref_squeeze %dma_wait3A_645 : memref<1x128x128xf32, #tpu.memory_space<vmem>> -> memref<128x128xf32, #tpu.memory_space<vmem>>
        %dma_wait3A_647 = arith.constant 0 : i32
        %dma_wait3A_648 = tpu.memref_slice %arg7[%dma_wait3A_642, %dma_wait3A_647] : memref<2x128xi32, #tpu.memory_space<vmem>> -> memref<1x128xi32, #tpu.memory_space<vmem>>
        %dma_wait3A_649 = tpu.memref_squeeze %dma_wait3A_648 : memref<1x128xi32, #tpu.memory_space<vmem>> -> memref<128xi32, #tpu.memory_space<vmem>>
        %dma_wait3A_650 = arith.constant 0 : i32
        %dma_wait3A_651 = arith.constant 0 : i32
        %dma_wait3A_652 = tpu.memref_slice %arg10[%dma_wait3A_650, %dma_wait3A_651] : memref<10240x128xf32, #tpu.memory_space<vmem_shared>> -> memref<10240x128xf32, #tpu.memory_space<vmem_shared>>
        tpu.wait_indirect_dma semaphore(%arg12 : memref<!tpu.dma_semaphore, #tpu.memory_space<semaphore_mem>>) src(%dma_wait3A_646 : memref<128x128xf32, #tpu.memory_space<vmem>>) dst(%dma_wait3A_652 : memref<10240x128xf32, #tpu.memory_space<vmem_shared>>)
      } else {
      }
      %lt3A = arith.constant 79 : i32
      %lt3A_626 = arith.cmpi slt, %scan3A_611, %lt3A : i32
      %convert_element_type3A_627 = arith.extui %lt3A_626 : i1 to i32
      %cond3A_628 = arith.constant 0 : i32
      %cond3A_629 = arith.cmpi ne, %convert_element_type3A_627, %cond3A_628 : i32
      scf.if %cond3A_629 {
        %add3A_641 = arith.constant 1 : i32
        %add3A_642 = arith.addi %scan3A_611, %add3A_641 : i32
        %sub3A = arith.constant 1 : i32
        %sub3A_643 = arith.subi %sub3A, %rem3A_613 : i32
        %get3A_644 = arith.index_cast %add3A_642 : i32 to index
        %get3A_645 = arith.constant 0 : index
        %get3A_646 = tpu.vector_load %arg5[%get3A_644, %get3A_645] {strides = array<i32>} : memref<80x128xi32, #tpu.memory_space<vmem>>, vector<1x16xi32>,
        %get3A_647 = vector.shape_cast %get3A_646 : vector<1x16xi32> to vector<16xi32>
        %and3A_648 = arith.constant 16383 : i32
        %and3A_649 = vector.broadcast %and3A_648 : i32 to vector<16xi32>
        %and3A_650 = arith.andi %get3A_647, %and3A_649 : vector<16xi32>
        %swap3A_651 = arith.index_cast %sub3A_643 : i32 to index
        %swap3A_652 = arith.constant 0 : index
        %swap3A_653 = tpu.vector_load %arg6[%swap3A_651, %swap3A_652] {strides = array<i32>} : memref<2x128xi32, #tpu.memory_space<vmem>>, vector<1x16xi32>,
        %swap3A_654 = vector.shape_cast %swap3A_653 : vector<1x16xi32> to vector<16xi32>
        %swap3A_655 = vector.shape_cast %and3A_650 : vector<16xi32> to vector<1x16xi32>
        tpu.vector_store %arg6[%swap3A_651, %swap3A_652], %swap3A_655 {strides = array<i32>} : memref<2x128xi32, #tpu.memory_space<vmem>>, vector<1x16xi32>,
        %shift_right_logical3A_656 = arith.constant 14 : i32
        %shift_right_logical3A_657 = vector.broadcast %shift_right_logical3A_656 : i32 to vector<16xi32>
        %shift_right_logical3A_658 = arith.shrui %get3A_647, %shift_right_logical3A_657 : vector<16xi32>
        %swap3A_659 = arith.index_cast %sub3A_643 : i32 to index
        %swap3A_660 = arith.constant 0 : index
        %swap3A_661 = tpu.vector_load %arg7[%swap3A_659, %swap3A_660] {strides = array<i32>} : memref<2x128xi32, #tpu.memory_space<vmem>>, vector<1x16xi32>,
        %swap3A_662 = vector.shape_cast %swap3A_661 : vector<1x16xi32> to vector<16xi32>
        %swap3A_663 = vector.shape_cast %shift_right_logical3A_658 : vector<16xi32> to vector<1x16xi32>
        tpu.vector_store %arg7[%swap3A_659, %swap3A_660], %swap3A_663 {strides = array<i32>} : memref<2x128xi32, #tpu.memory_space<vmem>>, vector<1x16xi32>,
        %get3A_664 = arith.index_cast %add3A_642 : i32 to index
        %get3A_665 = arith.constant 16 : index
        %get3A_666 = tpu.vector_load %arg5[%get3A_664, %get3A_665] {strides = array<i32>} : memref<80x128xi32, #tpu.memory_space<vmem>>, vector<1x16xi32>,
        %get3A_667 = vector.shape_cast %get3A_666 : vector<1x16xi32> to vector<16xi32>
        %and3A_668 = arith.constant 16383 : i32
        %and3A_669 = vector.broadcast %and3A_668 : i32 to vector<16xi32>
        %and3A_670 = arith.andi %get3A_667, %and3A_669 : vector<16xi32>
        %swap3A_671 = arith.index_cast %sub3A_643 : i32 to index
        %swap3A_672 = arith.constant 16 : index
        %swap3A_673 = tpu.vector_load %arg6[%swap3A_671, %swap3A_672] {strides = array<i32>} : memref<2x128xi32, #tpu.memory_space<vmem>>, vector<1x16xi32>,
        %swap3A_674 = vector.shape_cast %swap3A_673 : vector<1x16xi32> to vector<16xi32>
        %swap3A_675 = vector.shape_cast %and3A_670 : vector<16xi32> to vector<1x16xi32>
        tpu.vector_store %arg6[%swap3A_671, %swap3A_672], %swap3A_675 {strides = array<i32>} : memref<2x128xi32, #tpu.memory_space<vmem>>, vector<1x16xi32>,
        %shift_right_logical3A_676 = arith.constant 14 : i32
        %shift_right_logical3A_677 = vector.broadcast %shift_right_logical3A_676 : i32 to vector<16xi32>
        %shift_right_logical3A_678 = arith.shrui %get3A_667, %shift_right_logical3A_677 : vector<16xi32>
        %swap3A_679 = arith.index_cast %sub3A_643 : i32 to index
        %swap3A_680 = arith.constant 16 : index
        %swap3A_681 = tpu.vector_load %arg7[%swap3A_679, %swap3A_680] {strides = array<i32>} : memref<2x128xi32, #tpu.memory_space<vmem>>, vector<1x16xi32>,
        %swap3A_682 = vector.shape_cast %swap3A_681 : vector<1x16xi32> to vector<16xi32>
        %swap3A_683 = vector.shape_cast %shift_right_logical3A_678 : vector<16xi32> to vector<1x16xi32>
        tpu.vector_store %arg7[%swap3A_679, %swap3A_680], %swap3A_683 {strides = array<i32>} : memref<2x128xi32, #tpu.memory_space<vmem>>, vector<1x16xi32>,
        %get3A_684 = arith.index_cast %add3A_642 : i32 to index
        %get3A_685 = arith.constant 32 : index
        %get3A_686 = tpu.vector_load %arg5[%get3A_684, %get3A_685] {strides = array<i32>} : memref<80x128xi32, #tpu.memory_space<vmem>>, vector<1x16xi32>,
        %get3A_687 = vector.shape_cast %get3A_686 : vector<1x16xi32> to vector<16xi32>
        %and3A_688 = arith.constant 16383 : i32
        %and3A_689 = vector.broadcast %and3A_688 : i32 to vector<16xi32>
        %and3A_690 = arith.andi %get3A_687, %and3A_689 : vector<16xi32>
        %swap3A_691 = arith.index_cast %sub3A_643 : i32 to index
        %swap3A_692 = arith.constant 32 : index
        %swap3A_693 = tpu.vector_load %arg6[%swap3A_691, %swap3A_692] {strides = array<i32>} : memref<2x128xi32, #tpu.memory_space<vmem>>, vector<1x16xi32>,
        %swap3A_694 = vector.shape_cast %swap3A_693 : vector<1x16xi32> to vector<16xi32>
        %swap3A_695 = vector.shape_cast %and3A_690 : vector<16xi32> to vector<1x16xi32>
        tpu.vector_store %arg6[%swap3A_691, %swap3A_692], %swap3A_695 {strides = array<i32>} : memref<2x128xi32, #tpu.memory_space<vmem>>, vector<1x16xi32>,
        %shift_right_logical3A_696 = arith.constant 14 : i32
        %shift_right_logical3A_697 = vector.broadcast %shift_right_logical3A_696 : i32 to vector<16xi32>
        %shift_right_logical3A_698 = arith.shrui %get3A_687, %shift_right_logical3A_697 : vector<16xi32>
        %swap3A_699 = arith.index_cast %sub3A_643 : i32 to index
        %swap3A_700 = arith.constant 32 : index
        %swap3A_701 = tpu.vector_load %arg7[%swap3A_699, %swap3A_700] {strides = array<i32>} : memref<2x128xi32, #tpu.memory_space<vmem>>, vector<1x16xi32>,
        %swap3A_702 = vector.shape_cast %swap3A_701 : vector<1x16xi32> to vector<16xi32>
        %swap3A_703 = vector.shape_cast %shift_right_logical3A_698 : vector<16xi32> to vector<1x16xi32>
        tpu.vector_store %arg7[%swap3A_699, %swap3A_700], %swap3A_703 {strides = array<i32>} : memref<2x128xi32, #tpu.memory_space<vmem>>, vector<1x16xi32>,
        %get3A_704 = arith.index_cast %add3A_642 : i32 to index
        %get3A_705 = arith.constant 48 : index
        %get3A_706 = tpu.vector_load %arg5[%get3A_704, %get3A_705] {strides = array<i32>} : memref<80x128xi32, #tpu.memory_space<vmem>>, vector<1x16xi32>,
        %get3A_707 = vector.shape_cast %get3A_706 : vector<1x16xi32> to vector<16xi32>
        %and3A_708 = arith.constant 16383 : i32
        %and3A_709 = vector.broadcast %and3A_708 : i32 to vector<16xi32>
        %and3A_710 = arith.andi %get3A_707, %and3A_709 : vector<16xi32>
        %swap3A_711 = arith.index_cast %sub3A_643 : i32 to index
        %swap3A_712 = arith.constant 48 : index
        %swap3A_713 = tpu.vector_load %arg6[%swap3A_711, %swap3A_712] {strides = array<i32>} : memref<2x128xi32, #tpu.memory_space<vmem>>, vector<1x16xi32>,
        %swap3A_714 = vector.shape_cast %swap3A_713 : vector<1x16xi32> to vector<16xi32>
        %swap3A_715 = vector.shape_cast %and3A_710 : vector<16xi32> to vector<1x16xi32>
        tpu.vector_store %arg6[%swap3A_711, %swap3A_712], %swap3A_715 {strides = array<i32>} : memref<2x128xi32, #tpu.memory_space<vmem>>, vector<1x16xi32>,
        %shift_right_logical3A_716 = arith.constant 14 : i32
        %shift_right_logical3A_717 = vector.broadcast %shift_right_logical3A_716 : i32 to vector<16xi32>
        %shift_right_logical3A_718 = arith.shrui %get3A_707, %shift_right_logical3A_717 : vector<16xi32>
        %swap3A_719 = arith.index_cast %sub3A_643 : i32 to index
        %swap3A_720 = arith.constant 48 : index
        %swap3A_721 = tpu.vector_load %arg7[%swap3A_719, %swap3A_720] {strides = array<i32>} : memref<2x128xi32, #tpu.memory_space<vmem>>, vector<1x16xi32>,
        %swap3A_722 = vector.shape_cast %swap3A_721 : vector<1x16xi32> to vector<16xi32>
        %swap3A_723 = vector.shape_cast %shift_right_logical3A_718 : vector<16xi32> to vector<1x16xi32>
        tpu.vector_store %arg7[%swap3A_719, %swap3A_720], %swap3A_723 {strides = array<i32>} : memref<2x128xi32, #tpu.memory_space<vmem>>, vector<1x16xi32>,
        %get3A_724 = arith.index_cast %add3A_642 : i32 to index
        %get3A_725 = arith.constant 64 : index
        %get3A_726 = tpu.vector_load %arg5[%get3A_724, %get3A_725] {strides = array<i32>} : memref<80x128xi32, #tpu.memory_space<vmem>>, vector<1x16xi32>,
        %get3A_727 = vector.shape_cast %get3A_726 : vector<1x16xi32> to vector<16xi32>
        %and3A_728 = arith.constant 16383 : i32
        %and3A_729 = vector.broadcast %and3A_728 : i32 to vector<16xi32>
        %and3A_730 = arith.andi %get3A_727, %and3A_729 : vector<16xi32>
        %swap3A_731 = arith.index_cast %sub3A_643 : i32 to index
        %swap3A_732 = arith.constant 64 : index
        %swap3A_733 = tpu.vector_load %arg6[%swap3A_731, %swap3A_732] {strides = array<i32>} : memref<2x128xi32, #tpu.memory_space<vmem>>, vector<1x16xi32>,
        %swap3A_734 = vector.shape_cast %swap3A_733 : vector<1x16xi32> to vector<16xi32>
        %swap3A_735 = vector.shape_cast %and3A_730 : vector<16xi32> to vector<1x16xi32>
        tpu.vector_store %arg6[%swap3A_731, %swap3A_732], %swap3A_735 {strides = array<i32>} : memref<2x128xi32, #tpu.memory_space<vmem>>, vector<1x16xi32>,
        %shift_right_logical3A_736 = arith.constant 14 : i32
        %shift_right_logical3A_737 = vector.broadcast %shift_right_logical3A_736 : i32 to vector<16xi32>
        %shift_right_logical3A_738 = arith.shrui %get3A_727, %shift_right_logical3A_737 : vector<16xi32>
        %swap3A_739 = arith.index_cast %sub3A_643 : i32 to index
        %swap3A_740 = arith.constant 64 : index
        %swap3A_741 = tpu.vector_load %arg7[%swap3A_739, %swap3A_740] {strides = array<i32>} : memref<2x128xi32, #tpu.memory_space<vmem>>, vector<1x16xi32>,
        %swap3A_742 = vector.shape_cast %swap3A_741 : vector<1x16xi32> to vector<16xi32>
        %swap3A_743 = vector.shape_cast %shift_right_logical3A_738 : vector<16xi32> to vector<1x16xi32>
        tpu.vector_store %arg7[%swap3A_739, %swap3A_740], %swap3A_743 {strides = array<i32>} : memref<2x128xi32, #tpu.memory_space<vmem>>, vector<1x16xi32>,
        %get3A_744 = arith.index_cast %add3A_642 : i32 to index
        %get3A_745 = arith.constant 80 : index
        %get3A_746 = tpu.vector_load %arg5[%get3A_744, %get3A_745] {strides = array<i32>} : memref<80x128xi32, #tpu.memory_space<vmem>>, vector<1x16xi32>,
        %get3A_747 = vector.shape_cast %get3A_746 : vector<1x16xi32> to vector<16xi32>
        %and3A_748 = arith.constant 16383 : i32
        %and3A_749 = vector.broadcast %and3A_748 : i32 to vector<16xi32>
        %and3A_750 = arith.andi %get3A_747, %and3A_749 : vector<16xi32>
        %swap3A_751 = arith.index_cast %sub3A_643 : i32 to index
        %swap3A_752 = arith.constant 80 : index
        %swap3A_753 = tpu.vector_load %arg6[%swap3A_751, %swap3A_752] {strides = array<i32>} : memref<2x128xi32, #tpu.memory_space<vmem>>, vector<1x16xi32>,
        %swap3A_754 = vector.shape_cast %swap3A_753 : vector<1x16xi32> to vector<16xi32>
        %swap3A_755 = vector.shape_cast %and3A_750 : vector<16xi32> to vector<1x16xi32>
        tpu.vector_store %arg6[%swap3A_751, %swap3A_752], %swap3A_755 {strides = array<i32>} : memref<2x128xi32, #tpu.memory_space<vmem>>, vector<1x16xi32>,
        %shift_right_logical3A_756 = arith.constant 14 : i32
        %shift_right_logical3A_757 = vector.broadcast %shift_right_logical3A_756 : i32 to vector<16xi32>
        %shift_right_logical3A_758 = arith.shrui %get3A_747, %shift_right_logical3A_757 : vector<16xi32>
        %swap3A_759 = arith.index_cast %sub3A_643 : i32 to index
        %swap3A_760 = arith.constant 80 : index
        %swap3A_761 = tpu.vector_load %arg7[%swap3A_759, %swap3A_760] {strides = array<i32>} : memref<2x128xi32, #tpu.memory_space<vmem>>, vector<1x16xi32>,
        %swap3A_762 = vector.shape_cast %swap3A_761 : vector<1x16xi32> to vector<16xi32>
        %swap3A_763 = vector.shape_cast %shift_right_logical3A_758 : vector<16xi32> to vector<1x16xi32>
        tpu.vector_store %arg7[%swap3A_759, %swap3A_760], %swap3A_763 {strides = array<i32>} : memref<2x128xi32, #tpu.memory_space<vmem>>, vector<1x16xi32>,
        %get3A_764 = arith.index_cast %add3A_642 : i32 to index
        %get3A_765 = arith.constant 96 : index
        %get3A_766 = tpu.vector_load %arg5[%get3A_764, %get3A_765] {strides = array<i32>} : memref<80x128xi32, #tpu.memory_space<vmem>>, vector<1x16xi32>,
        %get3A_767 = vector.shape_cast %get3A_766 : vector<1x16xi32> to vector<16xi32>
        %and3A_768 = arith.constant 16383 : i32
        %and3A_769 = vector.broadcast %and3A_768 : i32 to vector<16xi32>
        %and3A_770 = arith.andi %get3A_767, %and3A_769 : vector<16xi32>
        %swap3A_771 = arith.index_cast %sub3A_643 : i32 to index
        %swap3A_772 = arith.constant 96 : index
        %swap3A_773 = tpu.vector_load %arg6[%swap3A_771, %swap3A_772] {strides = array<i32>} : memref<2x128xi32, #tpu.memory_space<vmem>>, vector<1x16xi32>,
        %swap3A_774 = vector.shape_cast %swap3A_773 : vector<1x16xi32> to vector<16xi32>
        %swap3A_775 = vector.shape_cast %and3A_770 : vector<16xi32> to vector<1x16xi32>
        tpu.vector_store %arg6[%swap3A_771, %swap3A_772], %swap3A_775 {strides = array<i32>} : memref<2x128xi32, #tpu.memory_space<vmem>>, vector<1x16xi32>,
        %shift_right_logical3A_776 = arith.constant 14 : i32
        %shift_right_logical3A_777 = vector.broadcast %shift_right_logical3A_776 : i32 to vector<16xi32>
        %shift_right_logical3A_778 = arith.shrui %get3A_767, %shift_right_logical3A_777 : vector<16xi32>
        %swap3A_779 = arith.index_cast %sub3A_643 : i32 to index
        %swap3A_780 = arith.constant 96 : index
        %swap3A_781 = tpu.vector_load %arg7[%swap3A_779, %swap3A_780] {strides = array<i32>} : memref<2x128xi32, #tpu.memory_space<vmem>>, vector<1x16xi32>,
        %swap3A_782 = vector.shape_cast %swap3A_781 : vector<1x16xi32> to vector<16xi32>
        %swap3A_783 = vector.shape_cast %shift_right_logical3A_778 : vector<16xi32> to vector<1x16xi32>
        tpu.vector_store %arg7[%swap3A_779, %swap3A_780], %swap3A_783 {strides = array<i32>} : memref<2x128xi32, #tpu.memory_space<vmem>>, vector<1x16xi32>,
        %get3A_784 = arith.index_cast %add3A_642 : i32 to index
        %get3A_785 = arith.constant 112 : index
        %get3A_786 = tpu.vector_load %arg5[%get3A_784, %get3A_785] {strides = array<i32>} : memref<80x128xi32, #tpu.memory_space<vmem>>, vector<1x16xi32>,
        %get3A_787 = vector.shape_cast %get3A_786 : vector<1x16xi32> to vector<16xi32>
        %and3A_788 = arith.constant 16383 : i32
        %and3A_789 = vector.broadcast %and3A_788 : i32 to vector<16xi32>
        %and3A_790 = arith.andi %get3A_787, %and3A_789 : vector<16xi32>
        %swap3A_791 = arith.index_cast %sub3A_643 : i32 to index
        %swap3A_792 = arith.constant 112 : index
        %swap3A_793 = tpu.vector_load %arg6[%swap3A_791, %swap3A_792] {strides = array<i32>} : memref<2x128xi32, #tpu.memory_space<vmem>>, vector<1x16xi32>,
        %swap3A_794 = vector.shape_cast %swap3A_793 : vector<1x16xi32> to vector<16xi32>
        %swap3A_795 = vector.shape_cast %and3A_790 : vector<16xi32> to vector<1x16xi32>
        tpu.vector_store %arg6[%swap3A_791, %swap3A_792], %swap3A_795 {strides = array<i32>} : memref<2x128xi32, #tpu.memory_space<vmem>>, vector<1x16xi32>,
        %shift_right_logical3A_796 = arith.constant 14 : i32
        %shift_right_logical3A_797 = vector.broadcast %shift_right_logical3A_796 : i32 to vector<16xi32>
        %shift_right_logical3A_798 = arith.shrui %get3A_787, %shift_right_logical3A_797 : vector<16xi32>
        %swap3A_799 = arith.index_cast %sub3A_643 : i32 to index
        %swap3A_800 = arith.constant 112 : index
        %swap3A_801 = tpu.vector_load %arg7[%swap3A_799, %swap3A_800] {strides = array<i32>} : memref<2x128xi32, #tpu.memory_space<vmem>>, vector<1x16xi32>,
        %swap3A_802 = vector.shape_cast %swap3A_801 : vector<1x16xi32> to vector<16xi32>
        %swap3A_803 = vector.shape_cast %shift_right_logical3A_798 : vector<16xi32> to vector<1x16xi32>
        tpu.vector_store %arg7[%swap3A_799, %swap3A_800], %swap3A_803 {strides = array<i32>} : memref<2x128xi32, #tpu.memory_space<vmem>>, vector<1x16xi32>,
        %sub3A_804 = arith.constant 1 : i32
        %sub3A_805 = arith.subi %sub3A_804, %rem3A_613 : i32
        %sub3A_806 = arith.constant 1 : i32
        %sub3A_807 = arith.subi %sub3A_806, %rem3A_613 : i32
        %dma_start3A_808 = arith.constant 0 : i32
        %dma_start3A_809 = arith.constant 0 : i32
        %dma_start3A_810 = tpu.memref_slice %arg8[%sub3A_807, %dma_start3A_808, %dma_start3A_809] : memref<2x128x128xf32, #tpu.memory_space<vmem>> -> memref<1x128x128xf32, #tpu.memory_space<vmem>>
        %dma_start3A_811 = tpu.memref_squeeze %dma_start3A_810 : memref<1x128x128xf32, #tpu.memory_space<vmem>> -> memref<128x128xf32, #tpu.memory_space<vmem>>
        %dma_start3A_812 = arith.constant 0 : i32
        %dma_start3A_813 = tpu.memref_slice %arg6[%sub3A_805, %dma_start3A_812] : memref<2x128xi32, #tpu.memory_space<vmem>> -> memref<1x128xi32, #tpu.memory_space<vmem>>
        %dma_start3A_814 = tpu.memref_squeeze %dma_start3A_813 : memref<1x128xi32, #tpu.memory_space<vmem>> -> memref<128xi32, #tpu.memory_space<vmem>>
        %dma_start3A_815 = arith.constant 0 : i32
        %dma_start3A_816 = arith.constant 0 : i32
        %dma_start3A_817 = tpu.memref_slice %arg2[%dma_start3A_815, %dma_start3A_816] : memref<10240x128xf32, #tpu.memory_space<hbm>> -> memref<10240x128xf32, #tpu.memory_space<hbm>>
        tpu.enqueue_indirect_dma source(%dma_start3A_817 : memref<10240x128xf32, #tpu.memory_space<hbm>>) target(%dma_start3A_811 : memref<128x128xf32, #tpu.memory_space<vmem>>) offsets(%dma_start3A_814 : memref<128xi32, #tpu.memory_space<vmem>>) semaphore(%arg11 : memref<!tpu.dma_semaphore, #tpu.memory_space<semaphore_mem>>)
      } else {
      }
      %dma_start3A_630 = arith.constant 0 : i32
      %dma_start3A_631 = arith.constant 0 : i32
      %dma_start3A_632 = tpu.memref_slice %arg8[%rem3A_613, %dma_start3A_630, %dma_start3A_631] : memref<2x128x128xf32, #tpu.memory_space<vmem>> -> memref<1x128x128xf32, #tpu.memory_space<vmem>>
      %dma_start3A_633 = tpu.memref_squeeze %dma_start3A_632 : memref<1x128x128xf32, #tpu.memory_space<vmem>> -> memref<128x128xf32, #tpu.memory_space<vmem>>
      %dma_start3A_634 = arith.constant 0 : i32
      %dma_start3A_635 = tpu.memref_slice %arg7[%rem3A_613, %dma_start3A_634] : memref<2x128xi32, #tpu.memory_space<vmem>> -> memref<1x128xi32, #tpu.memory_space<vmem>>
      %dma_start3A_636 = tpu.memref_squeeze %dma_start3A_635 : memref<1x128xi32, #tpu.memory_space<vmem>> -> memref<128xi32, #tpu.memory_space<vmem>>
      %dma_start3A_637 = arith.constant 0 : i32
      %dma_start3A_638 = arith.constant 0 : i32
      %dma_start3A_639 = tpu.memref_slice %arg10[%dma_start3A_637, %dma_start3A_638] : memref<10240x128xf32, #tpu.memory_space<vmem_shared>> -> memref<10240x128xf32, #tpu.memory_space<vmem_shared>>
      tpu.enqueue_indirect_dma source(%dma_start3A_633 : memref<128x128xf32, #tpu.memory_space<vmem>>) target(%dma_start3A_639 : memref<10240x128xf32, #tpu.memory_space<vmem_shared>>) offsets(%dma_start3A_636 : memref<128xi32, #tpu.memory_space<vmem>>) semaphore(%arg12 : memref<!tpu.dma_semaphore, #tpu.memory_space<semaphore_mem>>) {add = true}
      %scan3A_640 = arith.constant 0 : i32
      scf.yield %scan3A_640 : i32
    }
    %scan3A_596 = arith.constant 80 : i32
    %dma_wait3A = arith.constant 0 : i32
    %dma_wait3A_597 = arith.constant 0 : i32
    %dma_wait3A_598 = arith.constant 0 : i32
    %dma_wait3A_599 = arith.constant 0 : i32
    %dma_wait3A_600 = tpu.memref_slice %arg8[%dma_wait3A, %dma_wait3A_598, %dma_wait3A_599] : memref<2x128x128xf32, #tpu.memory_space<vmem>> -> memref<1x128x128xf32, #tpu.memory_space<vmem>>
    %dma_wait3A_601 = tpu.memref_squeeze %dma_wait3A_600 : memref<1x128x128xf32, #tpu.memory_space<vmem>> -> memref<128x128xf32, #tpu.memory_space<vmem>>
    %dma_wait3A_602 = arith.constant 0 : i32
    %dma_wait3A_603 = tpu.memref_slice %arg7[%dma_wait3A_597, %dma_wait3A_602] : memref<2x128xi32, #tpu.memory_space<vmem>> -> memref<1x128xi32, #tpu.memory_space<vmem>>
    %dma_wait3A_604 = tpu.memref_squeeze %dma_wait3A_603 : memref<1x128xi32, #tpu.memory_space<vmem>> -> memref<128xi32, #tpu.memory_space<vmem>>
    %dma_wait3A_605 = arith.constant 0 : i32
    %dma_wait3A_606 = arith.constant 0 : i32
    %dma_wait3A_607 = tpu.memref_slice %arg10[%dma_wait3A_605, %dma_wait3A_606] : memref<10240x128xf32, #tpu.memory_space<vmem_shared>> -> memref<10240x128xf32, #tpu.memory_space<vmem_shared>>
    tpu.wait_indirect_dma semaphore(%arg12 : memref<!tpu.dma_semaphore, #tpu.memory_space<semaphore_mem>>) src(%dma_wait3A_601 : memref<128x128xf32, #tpu.memory_space<vmem>>) dst(%dma_wait3A_607 : memref<10240x128xf32, #tpu.memory_space<vmem_shared>>)
    %barrier3A_608 = arith.constant 0 : index
    tpu.barrier barrier_id(%barrier3A_608)
    %mul3A_609 = arith.constant 640 : i32
    %mul3A_610 = arith.muli %arg1, %mul3A_609 : i32
    "tpu.region"() ({
      %run_scoped3A = tpu.sem_alloc : memref<!tpu.dma_semaphore, #tpu.memory_space<semaphore_mem>>
      %dma_start3A_611 = arith.constant 0 : i32
      %dma_start3A_612 = tpu.memref_slice %arg4[%arg0, %mul3A_610, %dma_start3A_611] : memref<2x10240x128xf32, #tpu.memory_space<hbm>> -> memref<1x640x128xf32, #tpu.memory_space<hbm>>
      %dma_start3A_613 = tpu.memref_squeeze %dma_start3A_612 : memref<1x640x128xf32, #tpu.memory_space<hbm>> -> memref<640x128xf32, #tpu.memory_space<hbm>>
      %dma_start3A_614 = arith.constant 0 : i32
      %dma_start3A_615 = tpu.memref_slice %arg10[%mul3A_610, %dma_start3A_614] : memref<10240x128xf32, #tpu.memory_space<vmem_shared>> -> memref<640x128xf32, #tpu.memory_space<vmem_shared>>
      tpu.enqueue_dma source(%dma_start3A_615 : memref<640x128xf32, #tpu.memory_space<vmem_shared>>) target(%dma_start3A_613 : memref<640x128xf32, #tpu.memory_space<hbm>>) target_semaphore(%run_scoped3A : memref<!tpu.dma_semaphore, #tpu.memory_space<semaphore_mem>>)
      %dma_wait3A_616 = arith.constant 0 : i32
      %dma_wait3A_617 = tpu.memref_slice %arg4[%arg0, %mul3A_610, %dma_wait3A_616] : memref<2x10240x128xf32, #tpu.memory_space<hbm>> -> memref<1x640x128xf32, #tpu.memory_space<hbm>>
      %dma_wait3A_618 = tpu.memref_squeeze %dma_wait3A_617 : memref<1x640x128xf32, #tpu.memory_space<hbm>> -> memref<640x128xf32, #tpu.memory_space<hbm>>
      %dma_wait3A_619 = arith.constant 0 : i32
      %dma_wait3A_620 = tpu.memref_slice %arg10[%mul3A_610, %dma_wait3A_619] : memref<10240x128xf32, #tpu.memory_space<vmem_shared>> -> memref<640x128xf32, #tpu.memory_space<vmem_shared>>
      tpu.wait_dma2 semaphore(%run_scoped3A : memref<!tpu.dma_semaphore, #tpu.memory_space<semaphore_mem>>) src(%dma_wait3A_620 : memref<640x128xf32, #tpu.memory_space<vmem_shared>>) dst(%dma_wait3A_618 : memref<640x128xf32, #tpu.memory_space<hbm>>)
      tpu.yield
    }) : () -> ()
    return
  }
}

module attributes {stable_mosaic.version = 14 : i64} {
  func.func @_tc_body(%arg0: i32, %arg1: memref<1024x128xf32, #tpu.memory_space<vmem>>, %arg2: memref<2x1024x128xf32, #tpu.memory_space<vmem>>, %arg3: memref<2x1024x16xf32, #tpu.memory_space<vmem>>, %arg4: memref<128x128xf32, #tpu.memory_space<vmem>>, %arg5: memref<128x128xf32, #tpu.memory_space<vmem>>, %arg6: memref<1x128xf32, #tpu.memory_space<vmem>>, %arg7: memref<1024x128xf32, #tpu.memory_space<vmem>>) attributes {dimension_semantics = [#tpu.dimension_semantics<arbitrary>], iteration_bounds = array<i64: 10>, scalar_prefetch = 0 : i64, scratch_operands = 0 : i64, tpu.core_type = #tpu.core_type<tc>, window_params = [{transform_indices = @transform_0, window_bounds = array<i64: 1024, 128>}, {transform_indices = @transform_1, window_bounds = array<i64: 2, 1024, 128>}, {transform_indices = @transform_2, window_bounds = array<i64: 2, 1024, 16>}, {pipeline_mode = #tpu.pipeline_mode<synchronous>, transform_indices = @transform_3, window_bounds = array<i64: 128, 128>}, {pipeline_mode = #tpu.pipeline_mode<synchronous>, transform_indices = @transform_4, window_bounds = array<i64: 128, 128>}, {pipeline_mode = #tpu.pipeline_mode<synchronous>, transform_indices = @transform_5, window_bounds = array<i64: 1, 128>}, {transform_indices = @transform_6, window_bounds = array<i64: 1024, 128>}]} {
    %get3A = arith.constant 0 : index
    %get3A_0 = arith.constant 0 : index
    %get3A_1 = arith.constant 0 : index
    %get3A_2 = vector.load %arg2[%get3A, %get3A_0, %get3A_1] : memref<2x1024x128xf32, #tpu.memory_space<vmem>>, vector<1x1024x128xf32>
    %get3A_3 = vector.shape_cast %get3A_2 : vector<1x1024x128xf32> to vector<1024x128xf32>
    %get3A_4 = arith.constant 1 : index
    %get3A_5 = arith.constant 0 : index
    %get3A_6 = arith.constant 0 : index
    %get3A_7 = vector.load %arg2[%get3A_4, %get3A_5, %get3A_6] : memref<2x1024x128xf32, #tpu.memory_space<vmem>>, vector<1x1024x128xf32>
    %get3A_8 = vector.shape_cast %get3A_7 : vector<1x1024x128xf32> to vector<1024x128xf32>
    %add3A = arith.addf %get3A_3, %get3A_8 : vector<1024x128xf32>
    %get3A_9 = arith.constant 0 : index
    %get3A_10 = arith.constant 0 : index
    %get3A_11 = arith.constant 0 : index
    %get3A_12 = vector.load %arg3[%get3A_9, %get3A_10, %get3A_11] : memref<2x1024x16xf32, #tpu.memory_space<vmem>>, vector<1x1024x1xf32>
    %get3A_13 = vector.shape_cast %get3A_12 : vector<1x1024x1xf32> to vector<1024x1xf32>
    %get3A_14 = arith.constant 1 : index
    %get3A_15 = arith.constant 0 : index
    %get3A_16 = arith.constant 0 : index
    %get3A_17 = vector.load %arg3[%get3A_14, %get3A_15, %get3A_16] : memref<2x1024x16xf32, #tpu.memory_space<vmem>>, vector<1x1024x1xf32>
    %get3A_18 = vector.shape_cast %get3A_17 : vector<1x1024x1xf32> to vector<1024x1xf32>
    %add3A_19 = arith.addf %get3A_13, %get3A_18 : vector<1024x1xf32>
    %max3A = arith.constant 1.000000e+00 : f32
    %max3A_20 = vector.broadcast %max3A : f32 to vector<1024x1xf32>
    %max3A_21 = arith.maximumf %add3A_19, %max3A_20 : vector<1024x1xf32>
    %div3A = vector.broadcast %max3A_21 : vector<1024x1xf32> to vector<1024x128xf32>
    %div3A_22 = arith.divf %add3A, %div3A : vector<1024x128xf32>
    %get3A_23 = arith.constant 0 : index
    %get3A_24 = arith.constant 0 : index
    %get3A_25 = vector.load %arg1[%get3A_23, %get3A_24] : memref<1024x128xf32, #tpu.memory_space<vmem>>, vector<1024x128xf32>
    %get3A_26 = arith.constant 0 : index
    %get3A_27 = arith.constant 0 : index
    %get3A_28 = vector.load %arg4[%get3A_26, %get3A_27] : memref<128x128xf32, #tpu.memory_space<vmem>>, vector<128x128xf32>
    %dot_general3A = arith.constant dense<0.000000e+00> : vector<1024x128xf32>
    %dot_general3A_29 = tpu.matmul %get3A_25, %get3A_28, %dot_general3A {dimension_numbers = #tpu.dot_dimension_numbers<[1], [0], [0], [1], [0, 0, 1, 1], [], []>, transpose_lhs_hint = false} : vector<1024x128xf32>, vector<128x128xf32>, vector<1024x128xf32> -> vector<1024x128xf32>
    %get3A_30 = arith.constant 0 : index
    %get3A_31 = arith.constant 0 : index
    %get3A_32 = vector.load %arg5[%get3A_30, %get3A_31] : memref<128x128xf32, #tpu.memory_space<vmem>>, vector<128x128xf32>
    %dot_general3A_33 = arith.constant dense<0.000000e+00> : vector<1024x128xf32>
    %dot_general3A_34 = tpu.matmul %div3A_22, %get3A_32, %dot_general3A_33 {dimension_numbers = #tpu.dot_dimension_numbers<[1], [0], [0], [1], [0, 0, 1, 1], [], []>, transpose_lhs_hint = false} : vector<1024x128xf32>, vector<128x128xf32>, vector<1024x128xf32> -> vector<1024x128xf32>
    %add3A_35 = arith.addf %dot_general3A_29, %dot_general3A_34 : vector<1024x128xf32>
    %get3A_36 = arith.constant 0 : index
    %get3A_37 = arith.constant 0 : index
    %get3A_38 = vector.load %arg6[%get3A_36, %get3A_37] : memref<1x128xf32, #tpu.memory_space<vmem>>, vector<1x128xf32>
    %add3A_39 = vector.broadcast %get3A_38 : vector<1x128xf32> to vector<1024x128xf32>
    %add3A_40 = arith.addf %add3A_35, %add3A_39 : vector<1024x128xf32>
    %max3A_41 = arith.constant 0.000000e+00 : f32
    %max3A_42 = vector.broadcast %max3A_41 : f32 to vector<1024x128xf32>
    %max3A_43 = arith.maximumf %add3A_40, %max3A_42 : vector<1024x128xf32>
    %swap3A = arith.constant 0 : index
    %swap3A_44 = arith.constant 0 : index
    %swap3A_45 = vector.load %arg7[%swap3A, %swap3A_44] : memref<1024x128xf32, #tpu.memory_space<vmem>>, vector<1024x128xf32>
    tpu.vector_store %arg7[%swap3A, %swap3A_44], %max3A_43 {strides = array<i32>} : memref<1024x128xf32, #tpu.memory_space<vmem>>, vector<1024x128xf32>,
    return
  }
  func.func @transform_0(%arg0: i32) -> (i32, i32) {
    %c0_i32 = arith.constant 0 : i32
    %c0_i32_0 = arith.constant 0 : i32
    return %arg0, %c0_i32 : i32, i32
  }
  func.func @transform_1(%arg0: i32) -> (i32, i32, i32) {
    %c0_i32 = arith.constant 0 : i32
    %c0_i32_0 = arith.constant 0 : i32
    %c0_i32_1 = arith.constant 0 : i32
    return %c0_i32, %arg0, %c0_i32_0 : i32, i32, i32
  }
  func.func @transform_2(%arg0: i32) -> (i32, i32, i32) {
    %c0_i32 = arith.constant 0 : i32
    %c0_i32_0 = arith.constant 0 : i32
    %c0_i32_1 = arith.constant 0 : i32
    return %c0_i32, %arg0, %c0_i32_0 : i32, i32, i32
  }
  func.func @transform_3(%arg0: i32) -> (i32, i32) {
    %c0_i32 = arith.constant 0 : i32
    %c0_i32_0 = arith.constant 0 : i32
    %c0_i32_1 = arith.constant 0 : i32
    return %c0_i32, %c0_i32_0 : i32, i32
  }
  func.func @transform_4(%arg0: i32) -> (i32, i32) {
    %c0_i32 = arith.constant 0 : i32
    %c0_i32_0 = arith.constant 0 : i32
    %c0_i32_1 = arith.constant 0 : i32
    return %c0_i32, %c0_i32_0 : i32, i32
  }
  func.func @transform_5(%arg0: i32) -> (i32, i32) {
    %c0_i32 = arith.constant 0 : i32
    %c0_i32_0 = arith.constant 0 : i32
    %c0_i32_1 = arith.constant 0 : i32
    return %c0_i32, %c0_i32_0 : i32, i32
  }
  func.func @transform_6(%arg0: i32) -> (i32, i32) {
    %c0_i32 = arith.constant 0 : i32
    %c0_i32_0 = arith.constant 0 : i32
    return %arg0, %c0_i32 : i32, i32
  }
}

module attributes {stable_mosaic.version = 14 : i64} {
  func.func @_tc_body(%arg0: i32, %arg1: memref<1024x128xf32, #tpu.memory_space<vmem>>, %arg2: memref<2x1024x128xf32, #tpu.memory_space<vmem>>, %arg3: memref<2x1024x16xf32, #tpu.memory_space<vmem>>, %arg4: memref<128x128xf32, #tpu.memory_space<vmem>>, %arg5: memref<128x128xf32, #tpu.memory_space<vmem>>, %arg6: memref<1x128xf32, #tpu.memory_space<vmem>>, %arg7: memref<1024x128xf32, #tpu.memory_space<vmem>>) attributes {dimension_semantics = [#tpu.dimension_semantics<arbitrary>], iteration_bounds = array<i64: 10>, scalar_prefetch = 0 : i64, scratch_operands = 0 : i64, tpu.core_type = #tpu.core_type<tc>, window_params = [{transform_indices = @transform_0, window_bounds = array<i64: 1024, 128>}, {transform_indices = @transform_1, window_bounds = array<i64: 2, 1024, 128>}, {transform_indices = @transform_2, window_bounds = array<i64: 2, 1024, 16>}, {pipeline_mode = #tpu.pipeline_mode<synchronous>, transform_indices = @transform_3, window_bounds = array<i64: 128, 128>}, {pipeline_mode = #tpu.pipeline_mode<synchronous>, transform_indices = @transform_4, window_bounds = array<i64: 128, 128>}, {pipeline_mode = #tpu.pipeline_mode<synchronous>, transform_indices = @transform_5, window_bounds = array<i64: 1, 128>}, {transform_indices = @transform_6, window_bounds = array<i64: 1024, 128>}]} {
    %get3A = arith.constant 0 : index
    %get3A_0 = arith.constant 0 : index
    %get3A_1 = arith.constant 0 : index
    %get3A_2 = vector.load %arg2[%get3A, %get3A_0, %get3A_1] : memref<2x1024x128xf32, #tpu.memory_space<vmem>>, vector<1x1024x128xf32>
    %get3A_3 = vector.shape_cast %get3A_2 : vector<1x1024x128xf32> to vector<1024x128xf32>
    %get3A_4 = arith.constant 1 : index
    %get3A_5 = arith.constant 0 : index
    %get3A_6 = arith.constant 0 : index
    %get3A_7 = vector.load %arg2[%get3A_4, %get3A_5, %get3A_6] : memref<2x1024x128xf32, #tpu.memory_space<vmem>>, vector<1x1024x128xf32>
    %get3A_8 = vector.shape_cast %get3A_7 : vector<1x1024x128xf32> to vector<1024x128xf32>
    %add3A = arith.addf %get3A_3, %get3A_8 : vector<1024x128xf32>
    %get3A_9 = arith.constant 0 : index
    %get3A_10 = arith.constant 0 : index
    %get3A_11 = arith.constant 0 : index
    %get3A_12 = vector.load %arg3[%get3A_9, %get3A_10, %get3A_11] : memref<2x1024x16xf32, #tpu.memory_space<vmem>>, vector<1x1024x1xf32>
    %get3A_13 = vector.shape_cast %get3A_12 : vector<1x1024x1xf32> to vector<1024x1xf32>
    %get3A_14 = arith.constant 1 : index
    %get3A_15 = arith.constant 0 : index
    %get3A_16 = arith.constant 0 : index
    %get3A_17 = vector.load %arg3[%get3A_14, %get3A_15, %get3A_16] : memref<2x1024x16xf32, #tpu.memory_space<vmem>>, vector<1x1024x1xf32>
    %get3A_18 = vector.shape_cast %get3A_17 : vector<1x1024x1xf32> to vector<1024x1xf32>
    %add3A_19 = arith.addf %get3A_13, %get3A_18 : vector<1024x1xf32>
    %max3A = arith.constant 1.000000e+00 : f32
    %max3A_20 = vector.broadcast %max3A : f32 to vector<1024x1xf32>
    %max3A_21 = arith.maximumf %add3A_19, %max3A_20 : vector<1024x1xf32>
    %div3A = vector.broadcast %max3A_21 : vector<1024x1xf32> to vector<1024x128xf32>
    %div3A_22 = arith.divf %add3A, %div3A : vector<1024x128xf32>
    %get3A_23 = arith.constant 0 : index
    %get3A_24 = arith.constant 0 : index
    %get3A_25 = vector.load %arg1[%get3A_23, %get3A_24] : memref<1024x128xf32, #tpu.memory_space<vmem>>, vector<1024x128xf32>
    %get3A_26 = arith.constant 0 : index
    %get3A_27 = arith.constant 0 : index
    %get3A_28 = vector.load %arg4[%get3A_26, %get3A_27] : memref<128x128xf32, #tpu.memory_space<vmem>>, vector<128x128xf32>
    %dot_general3A = arith.constant dense<0.000000e+00> : vector<1024x128xf32>
    %dot_general3A_29 = tpu.matmul %get3A_25, %get3A_28, %dot_general3A {dimension_numbers = #tpu.dot_dimension_numbers<[1], [0], [0], [1], [0, 0, 1, 1], [], []>, transpose_lhs_hint = false} : vector<1024x128xf32>, vector<128x128xf32>, vector<1024x128xf32> -> vector<1024x128xf32>
    %get3A_30 = arith.constant 0 : index
    %get3A_31 = arith.constant 0 : index
    %get3A_32 = vector.load %arg5[%get3A_30, %get3A_31] : memref<128x128xf32, #tpu.memory_space<vmem>>, vector<128x128xf32>
    %dot_general3A_33 = arith.constant dense<0.000000e+00> : vector<1024x128xf32>
    %dot_general3A_34 = tpu.matmul %div3A_22, %get3A_32, %dot_general3A_33 {dimension_numbers = #tpu.dot_dimension_numbers<[1], [0], [0], [1], [0, 0, 1, 1], [], []>, transpose_lhs_hint = false} : vector<1024x128xf32>, vector<128x128xf32>, vector<1024x128xf32> -> vector<1024x128xf32>
    %add3A_35 = arith.addf %dot_general3A_29, %dot_general3A_34 : vector<1024x128xf32>
    %get3A_36 = arith.constant 0 : index
    %get3A_37 = arith.constant 0 : index
    %get3A_38 = vector.load %arg6[%get3A_36, %get3A_37] : memref<1x128xf32, #tpu.memory_space<vmem>>, vector<1x128xf32>
    %add3A_39 = vector.broadcast %get3A_38 : vector<1x128xf32> to vector<1024x128xf32>
    %add3A_40 = arith.addf %add3A_35, %add3A_39 : vector<1024x128xf32>
    %swap3A = arith.constant 0 : index
    %swap3A_41 = arith.constant 0 : index
    %swap3A_42 = vector.load %arg7[%swap3A, %swap3A_41] : memref<1024x128xf32, #tpu.memory_space<vmem>>, vector<1024x128xf32>
    tpu.vector_store %arg7[%swap3A, %swap3A_41], %add3A_40 {strides = array<i32>} : memref<1024x128xf32, #tpu.memory_space<vmem>>, vector<1024x128xf32>,
    return
  }
  func.func @transform_0(%arg0: i32) -> (i32, i32) {
    %c0_i32 = arith.constant 0 : i32
    %c0_i32_0 = arith.constant 0 : i32
    return %arg0, %c0_i32 : i32, i32
  }
  func.func @transform_1(%arg0: i32) -> (i32, i32, i32) {
    %c0_i32 = arith.constant 0 : i32
    %c0_i32_0 = arith.constant 0 : i32
    %c0_i32_1 = arith.constant 0 : i32
    return %c0_i32, %arg0, %c0_i32_0 : i32, i32, i32
  }
  func.func @transform_2(%arg0: i32) -> (i32, i32, i32) {
    %c0_i32 = arith.constant 0 : i32
    %c0_i32_0 = arith.constant 0 : i32
    %c0_i32_1 = arith.constant 0 : i32
    return %c0_i32, %arg0, %c0_i32_0 : i32, i32, i32
  }
  func.func @transform_3(%arg0: i32) -> (i32, i32) {
    %c0_i32 = arith.constant 0 : i32
    %c0_i32_0 = arith.constant 0 : i32
    %c0_i32_1 = arith.constant 0 : i32
    return %c0_i32, %c0_i32_0 : i32, i32
  }
  func.func @transform_4(%arg0: i32) -> (i32, i32) {
    %c0_i32 = arith.constant 0 : i32
    %c0_i32_0 = arith.constant 0 : i32
    %c0_i32_1 = arith.constant 0 : i32
    return %c0_i32, %c0_i32_0 : i32, i32
  }
  func.func @transform_5(%arg0: i32) -> (i32, i32) {
    %c0_i32 = arith.constant 0 : i32
    %c0_i32_0 = arith.constant 0 : i32
    %c0_i32_1 = arith.constant 0 : i32
    return %c0_i32, %c0_i32_0 : i32, i32
  }
  func.func @transform_6(%arg0: i32) -> (i32, i32) {
    %c0_i32 = arith.constant 0 : i32
    %c0_i32_0 = arith.constant 0 : i32
    return %arg0, %c0_i32 : i32, i32
  }
}

</mosaic_0001>

<sc_bundles>
// kernel: kernel.6.cloned.1.call-start
scs
__scs_entry_jumppad:
0x0: {  	(pc) =	sbr.rel $0x88, $3  }
0x1: {  	(tag) =	ssettag $0x0;
	lr =	simm.s32 $0x1  }
0x2: {  	[smem:$0x3F99] =	sst lr;
	_ =	strace $0xD0000000  }
0x3: {  	_ = 	snop  }
0x4: {  	_ = 	snop  }
0x5: {  	_ = 	snop  }
0x6: {  	_ = 	snop  }
0x7: {  	_ = 	snop  }
__scs_overlays_trampoline_lowered:
0x8: {  	[smem:$0x3FA8] =	sst s0  }
0x9: {  	[smem:$0x3FA9] =	sst s1  }
0xa: {  	[smem:$0x3FAA] =	sst s2  }
0xb: {  	[smem:$0x3FAB] =	sst s3  }
0xc: {  	[smem:$0x3FAC] =	sst s4  }
0xd: {  	[smem:$0x3FAD] =	sst s5  }
0xe: {  	[smem:$0x3FAE] =	sst s6  }
0xf: {  	[smem:$0x3FAF] =	sst s7  }
0x10: {  	[smem:$0x3FB0] =	sst s8  }
0x11: {  	[smem:$0x3FB1] =	sst s9;
	s0 =	simm.s32 @!p0 $0x0  }
0x12: {  	s1 =	sld [smem:$0x3F97];
	s0 =	simm.s32 @p0 $0x1  }
0x13: {  	[smem:$0x3FB2] =	sst s0;
	s0 =	simm.s32 @!p1 $0x0  }
0x14: {  	s2 =	sld [smem:$0x3F96];
	s0 =	simm.s32 @p1 $0x1  }
0x15: {  	[smem:$0x3FB3] =	sst s0;
	s0 =	simm.s32 @!p2 $0x0  }
0x16: {  	s3 =	sld [smem:$0x3FDB];
	s0 =	simm.s32 @p2 $0x1  }
0x17: {  	s4 =	simm.s32 $0x1BF5;
	[smem:$0x3FB5] =	sst s0  }
0x18: {  	s0 =	sld [smem:$0x3F98];
	_ =	swait.ge [sflag:s4], $0x0  }
0x19: {  	s7 =	sld [smem:$0x3F99]  }
0x1a: {  	s8 =	sadd.s32 $0xFFFFE003, lr  }
0x1b: {  	s9 =	sadd.s32 $0xFFFFFEF7, lr;
	s5 =	simm.s32 $0xFFFFFFFF;
	p2 =	slt.u32 s8, $0xFFFFF086  }
0x1c: {  	p1 =	slt.u32 s9, $0xF7A;
	s5 =	simm.s32 @!p2 $0x0  }
0x1d: {  	s5 =	simm.s32 @p1 $0x1;
	p0 =	seq.s32 s7, s2  }
0x1e: {  	s7 =	smul.u32 @!p0 $0xF7A, s2;
	p2 =	seq.s32 @!p0 s5, $0x0  }
0x1f: {  	s9 =	smul.u32 $0xF7A, s1;
	s8 =	simm.s32 @!p0 $0x1BF5;
	p2 =	por !p2, p0  }
0x20: {  	[sflag:s8] =	ssyncset.s32 @!p0 $0xFFFFF086;
	s6 =	sadd.s32 @!p0 s3, s7;
	s7 =	simm.s32 @!p0 $0x108  }
0x21: {  	s3 =	sadd.s32 s3, s9;
	s6 =	sadd.s32 @!p0 $0x88, s6;
	s7 =	simm.s32 @p2 $0x1082  }
0x22: {  	[simem:s7], [sflag:s8] =	dma.local @!p0 [hbm:s6], $0xF7A  }
0x23: {  	s9 =	sor.u32 $0xD0000000, s2;
	s6 =	simm.s32 $0x108;
	_ =	swait.ge @!p0 [sflag:s8], $0x0  }
0x24: {  	s3 =	sadd.s32 $0x88, s3;
	s6 =	simm.s32 @!p1 $0x1082;
	[sflag:s4] =	ssyncset.s32 $0xFFFFF086  }
0x25: {  	[simem:s6], [sflag:s4] =	dma.local [hbm:s3], $0xF7A  }
0x26: {  	[smem:$0x3F99] =	sst s1;
	(tag) =	ssettag s2;
	_ =	strace s9  }
0x27: {  	s1 =	sld [smem:$0x3FA9]  }
0x28: {  	s2 =	sld [smem:$0x3FAA]  }
0x29: {  	s4 =	sld [smem:$0x3FAC]  }
0x2a: {  	p0 =	seq.s32 s5, $0x0;
	s5 =	sld [smem:$0x3FAD]  }
0x2b: {  	s6 =	sld [smem:$0x3FAE]  }
0x2c: {  	s7 =	sld [smem:$0x3FAF]  }
0x2d: {  	s3 =	simm.s32 $0x108;
	s8 =	sld [smem:$0x3FB0]  }
0x2e: {  	s3 =	simm.s32 @!p0 $0x1082;
	s9 =	sld [smem:$0x3FB1]  }
0x2f: {  	lr =	sadd.s32 s0, s3;
	s0 =	sld [smem:$0x3FA8]  }
0x30: {  	s3 =	sld [smem:$0x3FAB]  }
0x31: {  	[smem:$0x3FB4] =	sst s10  }
0x32: {  	s10 =	sld [smem:$0x3FB2];
	_ =	sdelay $0x3  }
0x33: {  	p0 =	seq.s32 s10, $0x1;
	s10 =	sld [smem:$0x3FB4];
	_ =	sdelay $0x3  }
0x34: {  	[smem:$0x3FB4] =	sst s10  }
0x35: {  	s10 =	sld [smem:$0x3FB3];
	_ =	sdelay $0x3  }
0x36: {  	p1 =	seq.s32 s10, $0x1;
	s10 =	sld [smem:$0x3FB4];
	_ =	sdelay $0x3  }
0x37: {  	[smem:$0x3FB4] =	sst s10  }
0x38: {  	s10 =	sld [smem:$0x3FB5]  }
0x39: {  	_ = 	snop;
	(pc) =	sbr.ind lr, $3  }
0x3a: {  	_ = 	snop  }
0x3b: {  	_ = 	snop  }
0x3c: {  	p2 =	seq.s32 s10, $0x1;
	s10 =	sld [smem:$0x3FB4]  }
0x3d: {  	_ =	shalt  }
0x3e: {  	_ =	shalt  }
0x3f: {  	_ =	shalt  }
0x40: {  	_ =	shalt  }
0x41: {  	_ =	shalt  }
0x42: {  	_ =	shalt  }
0x43: {  	_ =	shalt  }
0x44: {  	_ =	shalt  }
0x45: {  	_ =	shalt  }
0x46: {  	_ =	shalt  }
0x47: {  	_ =	shalt  }
0x48: {  	_ =	shalt  }
0x49: {  	_ =	shalt  }
0x4a: {  	_ =	shalt  }
0x4b: {  	_ =	shalt  }
0x4c: {  	_ =	shalt  }
0x4d: {  	_ =	shalt  }
0x4e: {  	_ =	shalt  }
0x4f: {  	_ =	shalt  }
0x50: {  	_ =	shalt  }
0x51: {  	_ =	shalt  }
0x52: {  	_ =	shalt  }
0x53: {  	_ =	shalt  }
0x54: {  	_ =	shalt  }
0x55: {  	_ =	shalt  }
0x56: {  	_ =	shalt  }
0x57: {  	_ =	shalt  }
0x58: {  	_ =	shalt  }
0x59: {  	_ =	shalt  }
0x5a: {  	_ =	shalt  }
0x5b: {  	_ =	shalt  }
0x5c: {  	_ =	shalt  }
0x5d: {  	_ =	shalt  }
0x5e: {  	_ =	shalt  }
0x5f: {  	_ =	shalt  }
0x60: {  	_ =	shalt  }
0x61: {  	_ =	shalt  }
0x62: {  	_ =	shalt  }
0x63: {  	_ =	shalt  }
0x64: {  	_ =	shalt  }
0x65: {  	_ =	shalt  }
0x66: {  	_ =	shalt  }
0x67: {  	_ =	shalt  }
0x68: {  	_ =	shalt  }
0x69: {  	_ =	shalt  }
0x6a: {  	_ =	shalt  }
0x6b: {  	_ =	shalt  }
0x6c: {  	_ =	shalt  }
0x6d: {  	_ =	shalt  }
0x6e: {  	_ =	shalt  }
0x6f: {  	_ =	shalt  }
0x70: {  	_ =	shalt  }
0x71: {  	_ =	shalt  }
0x72: {  	_ =	shalt  }
0x73: {  	_ =	shalt  }
0x74: {  	_ =	shalt  }
0x75: {  	_ =	shalt  }
0x76: {  	_ =	shalt  }
0x77: {  	_ =	shalt  }
0x78: {  	_ =	shalt  }
0x79: {  	_ =	shalt  }
0x7a: {  	_ =	shalt  }
0x7b: {  	_ =	shalt  }
0x7c: {  	_ =	shalt  }
0x7d: {  	_ =	shalt  }
0x7e: {  	_ =	shalt  }
0x7f: {  	_ =	shalt  }
0x80: {  	_ =	shalt  }
0x81: {  	_ =	shalt  }
0x82: {  	_ =	shalt  }
0x83: {  	_ =	shalt  }
0x84: {  	_ =	shalt  }
0x85: {  	_ =	shalt  }
0x86: {  	_ =	shalt  }
0x87: {  	_ =	shalt  }
.Lfunc_end0:
.L_simem_size_0:
called_computation_lowered:
.L_overlay_start_0:
0x88: {  	s2 =	sld [smem:$0x3FD9]  }
0x89: {  	s3 =	sld [smem:$0x3FFE];
	_ =	sdelay $0x1  }
0x8a: {  	s1 =	srdreg.scid  }
0x8b: {  	s0 =	sand.u32 $0x1, s1  }
0x8c: {  	s17 =	sshll.u32 s0, $0xA;
	s2 =	sadd.s32 s3, s2  }
0x8d: {  	s2 =	sadd.s32 s2, s17  }
0x8e: {  	[smem:$0x3FC0] =	sst s2  }
0x8f: {  	_ = 	snop  }
0x90: {  	s2 =	sld [smem:$0x3FD0];
	(tm) =	ssettm $0x1  }
0x91: {  	s18 =	sld [smem:$0x3FFB];
	_ =	sdelay $0x3  }
0x92: {  	_ =	strace s18  }
0x93: {  	s3 =	sld [smem:$0x3FFC];
	_ =	sdelay $0x3  }
0x94: {  	_ =	strace s3  }
0x95: {  	s3 =	sld [smem:$0x3FFD];
	_ =	sdelay $0x3  }
0x96: {  	_ =	strace s3  }
0x97: {  	_ =	strace $0x8FFFFFFF  }
0x98: {  	s19 =	sld [smem:$0x3FDB];
	_ =	sdelay $0x1  }
0x99: {  	s4 =	simm.s32 $_scs_section_size  }
0x9a: {  	s5 =	simm.s32 $_size__tile_overlayer_lowered;
	s6 =	simm.s32 $_tile_overlayer_lowered  }
0x9b: {  	s22 =	simm.s32 $0x1BFF;
	s21 =	sshll.u32 s6, $0x1;
	s3 =	sadd.s32 s4, s19  }
0x9c: {  	s7 =	simm.s32 $0x0;
	s20 =	sshll.u32 s5, $0x1;
	s5 =	sadd.s32 s21, s3  }
0x9d: {  	[timem:s7], [sflag:s22] =	dma.local [hbm:s5], s20  }
0x9e: {  	_ =	swait.ge [sflag:s22], s20  }
0x9f: {  	s4 =	ssub.s32 $0x0, s20;
	[sflag:s22] =	ssyncset.done $0x0  }
0xa0: {  	[sflag:s22] =	ssyncadd.s32 s4;
	_ =	sdelay $0x1  }
0xa1: {  	s23 =	simm.s32 $0x1B8B  }
0xa2: {  	_ =	swait.ge [sflag:s23], $0x1  }
0xa3: {  	[sflag:s23] =	ssyncset.done $0x0  }
0xa4: {  	s25 =	simm.s32 $0x1B8E;
	s24 =	sld [smem:$0x3FFE];
	[sflag:s23] =	ssyncadd.s32 $0xFFFFFFFF  }
0xa5: {  	s26 =	simm.s32 $execute0_lowered;
	[smem:$0x3FD2] =	sst s25  }
0xa6: {  	s5 =	sshll.u32 s26, $0x1;
	_ =	strace $0x80000046;
	[dreg:$0x1] =	wrdreg $0xFFFFFFFF  }
0xa7: {  	s28 =	simm.s32 $_size_execute0_lowered;
	s3 =	sadd.s32 s3, s5;
	[dreg:$0x0] =	wrdreg $0x0  }
0xa8: {  	s5 =	sshll.u32 s28, $0x1;
	[dreg:$0x2] =	wrdreg s3  }
0xa9: {  	[dreg:$0x3] =	wrdreg s5  }
0xaa: {  	[dreg:$0x4] =	wrdreg $0xC0  }
0xab: {  	_ =	task [dreg:s7], $0x5FFFF  }
0xac: {  	[dreg:$0x1] =	wrdreg $0xFFFFFFFF  }
0xad: {  	[dreg:$0x0] =	wrdreg $0x60  }
0xae: {  	[dreg:$0x2] =	wrdreg s24  }
0xaf: {  	[dreg:$0x3] =	wrdreg s2  }
0xb0: {  	[dreg:$0x4] =	wrdreg $0xAE000  }
0xb1: {  	[dreg:$0x5] =	wrdreg $0x9  }
0xb2: {  	_ =	task.clear_ibuf [dreg:s7], $0x6FFFF;
	_ =	strace $0x90000046  }
0xb3: {  	s29 =	simm.s32 $0x9;
	_ =	strace $0x80000048  }
0xb4: {  	_ =	swait.ge [sflag:s29], $0x1  }
0xb5: {  	[sflag:s29] =	ssyncadd.s32 $0xFFFFFFFF  }
0xb6: {  	_ =	strace $0x90000048  }
0xb7: {  	_ =	sfence  }
0xb8: {  	s30 =	sld [smem:$0x0];
	_ =	sdelay $0x2  }
0xb9: {  	s31 =	sshll.u32 s1, $0xD;
	s1 =	sshrl.u32 s1, $0x2  }
0xba: {  	s3 =	sand.u32 $0x4000, s31;
	s1 =	sadd.s32 s1, s30  }
0xbb: {  	s0 =	sor.u32 s3, s0;
	s1 =	sshll.u32 s1, $0x11  }
0xbc: {  	s0 =	sor.u32 s1, s0  }
0xbd: {  	s0 =	sadd.s32 $0x8F2B, s0  }
0xbe: {  	[sflag:s0] =	ssyncadd.remote.s32 $0x1  }
0xbf: {  	_ =	sfence.sel $0xFFFF  }
0xc0: {  	[dreg:$0x0] =	wrdreg $0xFFFFFFFF;
	(pc) =	sbr.abs _section_cstart, $3  }
0xc1: {  	[dreg:$0x1] =	wrdreg $0xFFFFFFFF  }
0xc2: {  	_ =	task.clear_ibuf [dreg:s7], $0x2FFFF;
	_ =	strace $0x9FFFFFFF  }
0xc3: {  	(tm) =	ssettm $0x7FFFFFFF  }
tec
execute0_lowered:
.L_overlay_start_1:
0x0: {  	(tag) =	ssettag $0x1  }
0x1: {  	s5 =	rddreg [dreg:$0x0]  }
0x2: {  	s6 =	rddreg [dreg:$0x1]  }
0x3: {  	s1 =	rddreg [dreg:$0x2]  }
0x4: {  	s2 =	srdreg.scid;
	s0 =	rddreg [dreg:$0x3]  }
0x5: {  	s3 =	simm.s32 $0x0;
	s13 =	simm.s32 $0xAA00;
	s14 =	simm.s32 $0x2  }
0x6: {  	s15 =	simm.s32 $0x3;
	s16 =	simm.s32 $0x80;
	s17 =	simm.s32 $0x2A00  }
0x7: {  	s18 =	simm.s32 $0x2800;
	s19 =	simm.s32 $0x1;
	s7 =	sand.u32 $0x1, s2  }
0x8: {  	s20 =	simm.s32 $0x2980;
	s2 =	stileid.u32;
	s8 =	smul.u32 $0x140000, s7  }
0x9: {  	[smem:$0x7FF] =	sst s3;
	s4 =	sadd.s32 $0x2200, s5;
	s9 =	smul.u32 $0x14000, s2  }
0xa: {  	s30 =	sshll.u32 s2, $0x1;
	s10 =	smul.u32 $0x50000, s2;
	s11 =	ssub.s32 $0x2, s7  }
0xb: {  	_ =	strace $0x80000047;
	s7 =	sor.u32 s7, s30;
	s31 =	sshrl.u32 s11, $0x1  }
.Ltmp0:
0xc: {  	s8 =	sadd.s32 s9, s8;
	s10 =	sshrl.u32 s10, $0x2;
	(pc) =	sbr.rel .LBB2_1-.Ltmp0, $4  }
0xd: {  	s7 =	smul.u32 $0x500, s7;
	s9 =	ssub.s32 s11, s31;
	s8 =	sshrl.u32 s8, $0x3  }
0xe: {  	s9 =	smax.u32 s9, $0x1;
	s8 =	sadd.s32 s8, s5;
	s5 =	sadd.s32 s10, s1  }
0xf: {  	s6 =	sadd.s32 s6, s7;
	s7 =	sadd.s32 $0x7A200, s8;
	s8 =	sadd.s32 $0x2A200, s8  }
0x10: {  	v0 =	vimm.f32 $0.0e+00;
	v1 =	vimm.f32 $1.000000000e+00;
	s10 =	sadd.s32 $0x400, s5;
	s11 =	sadd.s32 $0x800, s5;
	s12 =	sadd.s32 $0xC00, s5  }
.LBB2_12:
0x11: {  	[spmem:s1] =	stream.indirect.scatter.add.f32 [tilespmem:s26], [sflag:$0x2], $0x80, s20, s16, $0xb8;
	[tilespmem:$0x1EE00] =	vst v63  }
0x12: {  	_ =	swait.ge [sflag:s14], $0x4000  }
0x13: {  	s3 =	sadd.s32 $0x1, s3;
	[sflag:s14] =	ssyncset.done $0x0  }
0x14: {  	p0 =	sne.s32 s3, s9;
	[sflag:s14] =	ssyncadd.s32 $0xFFFFC000  }
.Ltmp1:
0x15: {  	[bflag:$0x0] =	sbarrier.arrive $0xFFFF;
	(pc) =	sbr.rel @!p0 .LBB2_13-.Ltmp1, $4  }
0x16: {  	[hbm:s8], [sflag:s21] =	dma.local [spmem:s22], $0x2800  }
0x17: {  	_ =	swait.ge [sflag:s15], $0x2800  }
0x18: {  	[sflag:s15] =	ssyncset.done $0x0  }
0x19: {  	[sflag:s15] =	ssyncadd.s32 $0xFFFFD800  }
.LBB2_1:
0x1a: {  	[tilespmem:$0xAA00] =	vst v0  }
0x1b: {  	[tilespmem:$0xAA10] =	vst v0  }
0x1c: {  	[tilespmem:$0xAA20] =	vst v0  }
0x1d: {  	[tilespmem:$0xAA30] =	vst v0  }
0x1e: {  	[tilespmem:$0xAA40] =	vst v0  }
0x1f: {  	[tilespmem:$0xAA50] =	vst v0  }
0x20: {  	[tilespmem:$0xAA60] =	vst v0  }
0x21: {  	[tilespmem:$0xAA70] =	vst v0  }
0x22: {  	[tilespmem:$0xAA80] =	vst v0  }
0x23: {  	[tilespmem:$0xAA90] =	vst v0  }
0x24: {  	[tilespmem:$0xAAA0] =	vst v0  }
0x25: {  	[tilespmem:$0xAAB0] =	vst v0  }
0x26: {  	[tilespmem:$0xAAC0] =	vst v0  }
0x27: {  	[tilespmem:$0xAAD0] =	vst v0  }
0x28: {  	[tilespmem:$0xAAE0] =	vst v0  }
0x29: {  	[tilespmem:$0xAAF0] =	vst v0  }
0x2a: {  	[tilespmem:$0xAB00] =	vst v0  }
0x2b: {  	[tilespmem:$0xAB10] =	vst v0  }
0x2c: {  	[tilespmem:$0xAB20] =	vst v0  }
0x2d: {  	[tilespmem:$0xAB30] =	vst v0  }
0x2e: {  	[tilespmem:$0xAB40] =	vst v0  }
0x2f: {  	[tilespmem:$0xAB50] =	vst v0  }
0x30: {  	[tilespmem:$0xAB60] =	vst v0  }
0x31: {  	[tilespmem:$0xAB70] =	vst v0  }
0x32: {  	[tilespmem:$0xAB80] =	vst v0  }
0x33: {  	[tilespmem:$0xAB90] =	vst v0  }
0x34: {  	[tilespmem:$0xABA0] =	vst v0  }
0x35: {  	[tilespmem:$0xABB0] =	vst v0  }
0x36: {  	[tilespmem:$0xABC0] =	vst v0  }
0x37: {  	[tilespmem:$0xABD0] =	vst v0  }
0x38: {  	[tilespmem:$0xABE0] =	vst v0  }
0x39: {  	[tilespmem:$0xABF0] =	vst v0  }
0x3a: {  	[tilespmem:$0xAC00] =	vst v0  }
0x3b: {  	[tilespmem:$0xAC10] =	vst v0  }
0x3c: {  	[tilespmem:$0xAC20] =	vst v0  }
0x3d: {  	[tilespmem:$0xAC30] =	vst v0  }
0x3e: {  	[tilespmem:$0xAC40] =	vst v0  }
0x3f: {  	[tilespmem:$0xAC50] =	vst v0  }
0x40: {  	[tilespmem:$0xAC60] =	vst v0  }
0x41: {  	[tilespmem:$0xAC70] =	vst v0  }
0x42: {  	[tilespmem:$0xAC80] =	vst v0  }
0x43: {  	[tilespmem:$0xAC90] =	vst v0  }
0x44: {  	[tilespmem:$0xACA0] =	vst v0  }
0x45: {  	[tilespmem:$0xACB0] =	vst v0  }
0x46: {  	[tilespmem:$0xACC0] =	vst v0  }
0x47: {  	[tilespmem:$0xACD0] =	vst v0  }
0x48: {  	[tilespmem:$0xACE0] =	vst v0  }
0x49: {  	[tilespmem:$0xACF0] =	vst v0  }
0x4a: {  	[tilespmem:$0xAD00] =	vst v0  }
0x4b: {  	[tilespmem:$0xAD10] =	vst v0  }
0x4c: {  	[tilespmem:$0xAD20] =	vst v0  }
0x4d: {  	[tilespmem:$0xAD30] =	vst v0  }
0x4e: {  	[tilespmem:$0xAD40] =	vst v0  }
0x4f: {  	[tilespmem:$0xAD50] =	vst v0  }
0x50: {  	[tilespmem:$0xAD60] =	vst v0  }
0x51: {  	[tilespmem:$0xAD70] =	vst v0  }
0x52: {  	[tilespmem:$0xAD80] =	vst v0  }
0x53: {  	[tilespmem:$0xAD90] =	vst v0  }
0x54: {  	[tilespmem:$0xADA0] =	vst v0  }
0x55: {  	[tilespmem:$0xADB0] =	vst v0  }
0x56: {  	[tilespmem:$0xADC0] =	vst v0  }
0x57: {  	[tilespmem:$0xADD0] =	vst v0  }
0x58: {  	[tilespmem:$0xADE0] =	vst v0  }
0x59: {  	[tilespmem:$0xADF0] =	vst v0  }
0x5a: {  	[spmem:s5] =	stream.linear.scatter [tilespmem:s13], [sflag:$0x2], $0x400, $0x38;
	[tilespmem:$0x1EE00] =	vst v63  }
0x5b: {  	_ = 	snop  }
0x5c: {  	[spmem:s10] =	stream.linear.scatter [tilespmem:s13], [sflag:$0x2], $0x400, $0x38;
	[tilespmem:$0x1EE00] =	vst v63  }
0x5d: {  	_ = 	snop  }
0x5e: {  	[spmem:s11] =	stream.linear.scatter [tilespmem:s13], [sflag:$0x2], $0x400, $0x38;
	[tilespmem:$0x1EE00] =	vst v63  }
0x5f: {  	_ = 	snop  }
0x60: {  	[spmem:s12] =	stream.linear.scatter [tilespmem:s13], [sflag:$0x2], $0x400, $0x38;
	[tilespmem:$0x1EE00] =	vst v63  }
0x61: {  	_ =	swait.ge [sflag:s14], $0x400  }
0x62: {  	[sflag:s14] =	ssyncset.done $0x0  }
0x63: {  	s21 =	simm.s32 $0x5000;
	s22 =	sadd.s32 $0x1000, s5;
	[sflag:s14] =	ssyncadd.s32 $0xFFFFFC00  }
.LBB2_2:
0x64: {  	[spmem:s22] =	stream.linear.scatter [tilespmem:s13], [sflag:$0x2], $0x400, $0x38;
	[tilespmem:$0x1EE00] =	vst v63  }
0x65: {  	s22 =	smov.u32 s21;
	p0 =	sne.s32 s21, $0x4F000  }
.Ltmp2:
0x66: {  	s21 =	sadd.s32 $0x1000, s21;
	(pc) =	sbr.rel @p0 .LBB2_2-.Ltmp2, $4  }
0x67: {  	_ = 	snop  }
0x68: {  	_ =	swait.ge [sflag:s14], $0x400  }
0x69: {  	s22 =	sshra.s32 s22, $0x2;
	[sflag:s14] =	ssyncset.done $0x0  }
0x6a: {  	s22 =	sadd.s32 s22, s5;
	[sflag:s14] =	ssyncadd.s32 $0xFFFFFC00  }
0x6b: {  	[spmem:s22] =	stream.linear.scatter [tilespmem:s13], [sflag:$0x2], $0x400, $0x38;
	[tilespmem:$0x1EE00] =	vst v63  }
0x6c: {  	s21 =	simm.s32 $0x0  }
0x6d: {  	[tilespmem:s21], [sflag:$0x3] =	stream.linear.gather [hbm4b:s6+s21], $0x2800, $0x38;
	[tilespmem:$0x1EE00] =	vst v63  }
0x6e: {  	_ =	swait.ge [sflag:s15], $0x2800  }
0x6f: {  	[sflag:s15] =	ssyncset.done $0x0  }
0x70: {  	[sflag:s15] =	ssyncadd.s32 $0xFFFFD800  }
0x71: {  	_ =	swait.ge [sflag:s14], $0x400  }
0x72: {  	[sflag:s14] =	ssyncset.done $0x0  }
0x73: {  	[sflag:s14] =	ssyncadd.s32 $0xFFFFFC00  }
0x74: {  	_ =	swait.ge [sflag:s14], $0x400  }
0x75: {  	[sflag:s14] =	ssyncset.done $0x0  }
0x76: {  	[sflag:s14] =	ssyncadd.s32 $0xFFFFFC00  }
0x77: {  	_ =	swait.ge [sflag:s14], $0x400  }
0x78: {  	[sflag:s14] =	ssyncset.done $0x0  }
0x79: {  	[sflag:s14] =	ssyncadd.s32 $0xFFFFFC00  }
0x7a: {  	_ =	swait.ge [sflag:s14], $0x400  }
0x7b: {  	[sflag:s14] =	ssyncset.done $0x0  }
0x7c: {  	s22 =	simm.s32 $0x200;
	s21 =	simm.s32 $0x0;
	[sflag:s14] =	ssyncadd.s32 $0xFFFFFC00  }
.LBB2_4:
0x7d: {  	p0 =	sne.s32 s22, $0xFE00;
	[tilespmem:s21+$0x2A70] =	vst v1  }
0x7e: {  	[tilespmem:s21+$0x2A00] =	vst v1  }
0x7f: {  	[tilespmem:s21+$0x2A10] =	vst v1  }
.Ltmp3:
0x80: {  	[tilespmem:s21+$0x2A20] =	vst v1;
	(pc) =	sbr.rel @p0 .LBB2_4-.Ltmp3, $4  }
0x81: {  	[tilespmem:s21+$0x2A30] =	vst v1  }
0x82: {  	[tilespmem:s21+$0x2A40] =	vst v1  }
0x83: {  	[tilespmem:s21+$0x2A50] =	vst v1  }
0x84: {  	[tilespmem:s21+$0x2A60] =	vst v1;
	s21 =	sshra.s32 s22, $0x2;
	s22 =	sadd.s32 $0x200, s22  }
0x85: {  	[tilespmem:s21+$0x2A70] =	vst v1  }
0x86: {  	[tilespmem:s21+$0x2A00] =	vst v1  }
0x87: {  	[tilespmem:s21+$0x2A10] =	vst v1  }
0x88: {  	[tilespmem:s21+$0x2A20] =	vst v1  }
0x89: {  	[tilespmem:s21+$0x2A30] =	vst v1  }
0x8a: {  	[tilespmem:s21+$0x2A40] =	vst v1  }
0x8b: {  	[tilespmem:s21+$0x2A50] =	vst v1  }
0x8c: {  	[tilespmem:s21+$0x2A60] =	vst v1  }
0x8d: {  	s21 =	simm.s32 $0x40;
	[bflag:$0x0] =	sbarrier.arrive $0xFFFF  }
0x8e: {  	v2 =	vld [tilespmem:s21+$0xFFFFFFC0];
	_ =	sdelay $0x3  }
0x8f: {  	s22 =	simm.s32 $0x0  }
0x90: {  	s22 =	sand.u32 $0x80, s22;
	v3 =	vand.u32 $0x3FFF, v2  }
0x91: {  	v2 =	vshrl.u32 v2, $0xE;
	[tilespmem:s22+$0x2800] =	vst v3  }
0x92: {  	[tilespmem:s22+$0x2900] =	vst v2  }
0x93: {  	v2 =	vld [tilespmem:s21+$0xFFFFFFD0];
	_ =	sdelay $0x4  }
0x94: {  	v3 =	vand.u32 $0x3FFF, v2  }
0x95: {  	v2 =	vshrl.u32 v2, $0xE;
	[tilespmem:s22+$0x2810] =	vst v3  }
0x96: {  	[tilespmem:s22+$0x2910] =	vst v2  }
0x97: {  	v2 =	vld [tilespmem:s21+$0xFFFFFFE0];
	_ =	sdelay $0x4  }
0x98: {  	v3 =	vand.u32 $0x3FFF, v2  }
0x99: {  	v2 =	vshrl.u32 v2, $0xE;
	[tilespmem:s22+$0x2820] =	vst v3  }
0x9a: {  	[tilespmem:s22+$0x2920] =	vst v2  }
0x9b: {  	v2 =	vld [tilespmem:s21+$0xFFFFFFF0];
	_ =	sdelay $0x4  }
0x9c: {  	v3 =	vand.u32 $0x3FFF, v2  }
0x9d: {  	v2 =	vshrl.u32 v2, $0xE;
	[tilespmem:s22+$0x2830] =	vst v3  }
0x9e: {  	[tilespmem:s22+$0x2930] =	vst v2  }
0x9f: {  	v2 =	vld [tilespmem:s21+$0x0];
	_ =	sdelay $0x4  }
0xa0: {  	v3 =	vand.u32 $0x3FFF, v2  }
0xa1: {  	v2 =	vshrl.u32 v2, $0xE;
	[tilespmem:s22+$0x2840] =	vst v3  }
0xa2: {  	[tilespmem:s22+$0x2940] =	vst v2  }
0xa3: {  	v2 =	vld [tilespmem:s21+$0x10];
	_ =	sdelay $0x4  }
0xa4: {  	v3 =	vand.u32 $0x3FFF, v2  }
0xa5: {  	v2 =	vshrl.u32 v2, $0xE;
	[tilespmem:s22+$0x2850] =	vst v3  }
0xa6: {  	[tilespmem:s22+$0x2950] =	vst v2  }
0xa7: {  	v2 =	vld [tilespmem:s21+$0x20];
	_ =	sdelay $0x4  }
0xa8: {  	v3 =	vand.u32 $0x3FFF, v2  }
0xa9: {  	v2 =	vshrl.u32 v2, $0xE;
	[tilespmem:s22+$0x2860] =	vst v3  }
0xaa: {  	[tilespmem:s22+$0x2960] =	vst v2  }
0xab: {  	v2 =	vld [tilespmem:s21+$0x30]  }
0xac: {  	p1 =	por $0x1, $0x1  }
0xad: {  	s23 =	simm.s32 $0x80;
	s25 =	simm.s32 @!p1 $0x2;
	s26 =	sor.u32 $0x2900, s22  }
.LBB2_6:
0xae: {  	s21 =	sadd.s32 $0x80, s21;
	s24 =	smov.u32 s23;
	s23 =	sadd.s32 $0x80, s23  }
0xaf: {  	p0 =	sne.s32 s23, $0x2800  }
0xb0: {  	v3 =	vand.u32 $0x3FFF, v2;
	v2 =	vshrl.u32 v2, $0xE  }
0xb1: {  	[tilespmem:s22+$0x2870] =	vst v3  }
0xb2: {  	[tilespmem:s22+$0x2970] =	vst v2  }
0xb3: {  	_ =	swait.ge @!p1 [sflag:s25], $0x4000  }
0xb4: {  	[sflag:s25] =	ssyncset.done @!p1 $0x0  }
0xb5: {  	[sflag:s25] =	ssyncadd.s32 @!p1 $0xFFFFC000  }
0xb6: {  	[spmem:s1] =	stream.indirect.scatter.add.f32 [tilespmem:s17], [sflag:$0x2], $0x80, s26, s16, $0xb8;
	[tilespmem:$0x1EE00] =	vst v63  }
0xb7: {  	v2 =	vld [tilespmem:s21+$0xFFFFFFC0];
	_ =	sdelay $0x4  }
0xb8: {  	s22 =	sand.u32 $0x80, s24;
	v3 =	vand.u32 $0x3FFF, v2;
	v2 =	vshrl.u32 v2, $0xE  }
0xb9: {  	[tilespmem:s22+$0x2800] =	vst v3  }
0xba: {  	[tilespmem:s22+$0x2900] =	vst v2  }
0xbb: {  	v2 =	vld [tilespmem:s21+$0xFFFFFFD0];
	_ =	sdelay $0x4  }
0xbc: {  	v3 =	vand.u32 $0x3FFF, v2;
	v2 =	vshrl.u32 v2, $0xE  }
0xbd: {  	[tilespmem:s22+$0x2810] =	vst v3  }
0xbe: {  	[tilespmem:s22+$0x2910] =	vst v2  }
0xbf: {  	v2 =	vld [tilespmem:s21+$0xFFFFFFE0];
	_ =	sdelay $0x4  }
0xc0: {  	v3 =	vand.u32 $0x3FFF, v2;
	v2 =	vshrl.u32 v2, $0xE  }
0xc1: {  	[tilespmem:s22+$0x2820] =	vst v3  }
0xc2: {  	[tilespmem:s22+$0x2920] =	vst v2  }
0xc3: {  	v2 =	vld [tilespmem:s21+$0xFFFFFFF0];
	_ =	sdelay $0x4  }
0xc4: {  	v3 =	vand.u32 $0x3FFF, v2;
	v2 =	vshrl.u32 v2, $0xE  }
0xc5: {  	[tilespmem:s22+$0x2830] =	vst v3  }
0xc6: {  	[tilespmem:s22+$0x2930] =	vst v2  }
0xc7: {  	v2 =	vld [tilespmem:s21+$0x0];
	_ =	sdelay $0x4  }
0xc8: {  	v3 =	vand.u32 $0x3FFF, v2;
	v2 =	vshrl.u32 v2, $0xE  }
0xc9: {  	[tilespmem:s22+$0x2840] =	vst v3  }
0xca: {  	[tilespmem:s22+$0x2940] =	vst v2  }
0xcb: {  	v2 =	vld [tilespmem:s21+$0x10];
	_ =	sdelay $0x4  }
0xcc: {  	v3 =	vand.u32 $0x3FFF, v2;
	v2 =	vshrl.u32 v2, $0xE  }
0xcd: {  	[tilespmem:s22+$0x2850] =	vst v3  }
0xce: {  	[tilespmem:s22+$0x2950] =	vst v2  }
0xcf: {  	v2 =	vld [tilespmem:s21+$0x20];
	_ =	sdelay $0x4  }
0xd0: {  	v3 =	vand.u32 $0x3FFF, v2;
	v2 =	vshrl.u32 v2, $0xE  }
.Ltmp4:
0xd1: {  	p1 =	seq.s32 s24, $0x0;
	[tilespmem:s22+$0x2860] =	vst v3;
	(pc) =	sbr.rel @p0 .LBB2_6-.Ltmp4, $3  }
0xd2: {  	s25 =	simm.s32 @!p1 $0x2;
	[tilespmem:s22+$0x2960] =	vst v2  }
0xd3: {  	v2 =	vld [tilespmem:s21+$0x30];
	_ =	sdelay $0x1  }
0xd4: {  	s26 =	sor.u32 $0x2900, s22  }
0xd5: {  	_ =	sdelay $0x1  }
0xd6: {  	v3 =	vand.u32 $0x3FFF, v2  }
0xd7: {  	v2 =	vshrl.u32 v2, $0xE;
	[tilespmem:s22+$0x2870] =	vst v3  }
0xd8: {  	[tilespmem:s22+$0x2970] =	vst v2  }
0xd9: {  	_ =	swait.ge @!p1 [sflag:s25], $0x4000  }
0xda: {  	[sflag:s25] =	ssyncset.done @!p1 $0x0  }
0xdb: {  	[sflag:s25] =	ssyncadd.s32 @!p1 $0xFFFFC000  }
0xdc: {  	[spmem:s1] =	stream.indirect.scatter.add.f32 [tilespmem:s17], [sflag:$0x2], $0x80, s26, s16, $0xb8;
	[tilespmem:$0x1EE00] =	vst v63  }
0xdd: {  	_ =	swait.ge [sflag:s14], $0x4000  }
0xde: {  	[sflag:s14] =	ssyncset.done $0x0  }
0xdf: {  	s21 =	sshll.u32 s2, $0x6;
	[sflag:s14] =	ssyncadd.s32 $0xFFFFC000  }
0xe0: {  	s21 =	sor.u32 $0x1C03, s21;
	s22 =	sshrl.u32 s5, $0x3;
	[bflag:$0x0] =	sbarrier.arrive $0xFFFF  }
0xe1: {  	[hbm:s7], [sflag:s21] =	dma.local [spmem:s22], $0x2800  }
0xe2: {  	_ =	swait.ge [sflag:s15], $0x2800  }
0xe3: {  	[sflag:s15] =	ssyncset.done $0x0  }
0xe4: {  	[sflag:s15] =	ssyncadd.s32 $0xFFFFD800  }
0xe5: {  	[bflag:$0x0] =	sbarrier.arrive $0xFFFF  }
0xe6: {  	[spmem:s5] =	stream.linear.scatter [tilespmem:s13], [sflag:$0x2], $0x400, $0x38;
	[tilespmem:$0x1EE00] =	vst v63  }
0xe7: {  	_ = 	snop  }
0xe8: {  	[spmem:s10] =	stream.linear.scatter [tilespmem:s13], [sflag:$0x2], $0x400, $0x38;
	[tilespmem:$0x1EE00] =	vst v63  }
0xe9: {  	_ = 	snop  }
0xea: {  	[spmem:s11] =	stream.linear.scatter [tilespmem:s13], [sflag:$0x2], $0x400, $0x38;
	[tilespmem:$0x1EE00] =	vst v63  }
0xeb: {  	_ = 	snop  }
0xec: {  	[spmem:s12] =	stream.linear.scatter [tilespmem:s13], [sflag:$0x2], $0x400, $0x38;
	[tilespmem:$0x1EE00] =	vst v63  }
0xed: {  	_ =	swait.ge [sflag:s14], $0x400  }
0xee: {  	[sflag:s14] =	ssyncset.done $0x0  }
0xef: {  	s23 =	simm.s32 $0x5000;
	s24 =	sadd.s32 $0x1000, s5;
	[sflag:s14] =	ssyncadd.s32 $0xFFFFFC00  }
.LBB2_8:
0xf0: {  	[spmem:s24] =	stream.linear.scatter [tilespmem:s13], [sflag:$0x2], $0x400, $0x38;
	[tilespmem:$0x1EE00] =	vst v63  }
0xf1: {  	s24 =	smov.u32 s23;
	p0 =	sne.s32 s23, $0x4F000  }
.Ltmp5:
0xf2: {  	s23 =	sadd.s32 $0x1000, s23;
	(pc) =	sbr.rel @p0 .LBB2_8-.Ltmp5, $4  }
0xf3: {  	_ = 	snop  }
0xf4: {  	_ =	swait.ge [sflag:s14], $0x400  }
0xf5: {  	s24 =	sshra.s32 s24, $0x2;
	[sflag:s14] =	ssyncset.done $0x0  }
0xf6: {  	s24 =	sadd.s32 s24, s5;
	[sflag:s14] =	ssyncadd.s32 $0xFFFFFC00  }
0xf7: {  	[spmem:s24] =	stream.linear.scatter [tilespmem:s13], [sflag:$0x2], $0x400, $0x38;
	[tilespmem:$0x1EE00] =	vst v63  }
0xf8: {  	_ =	swait.ge [sflag:s14], $0x400  }
0xf9: {  	[sflag:s14] =	ssyncset.done $0x0  }
0xfa: {  	[sflag:s14] =	ssyncadd.s32 $0xFFFFFC00  }
0xfb: {  	_ =	swait.ge [sflag:s14], $0x400  }
0xfc: {  	[sflag:s14] =	ssyncset.done $0x0  }
0xfd: {  	[sflag:s14] =	ssyncadd.s32 $0xFFFFFC00  }
0xfe: {  	_ =	swait.ge [sflag:s14], $0x400  }
0xff: {  	[sflag:s14] =	ssyncset.done $0x0  }
0x100: {  	[sflag:s14] =	ssyncadd.s32 $0xFFFFFC00  }
0x101: {  	_ =	swait.ge [sflag:s14], $0x400  }
0x102: {  	[sflag:s14] =	ssyncset.done $0x0  }
0x103: {  	[sflag:s14] =	ssyncadd.s32 $0xFFFFFC00  }
0x104: {  	[bflag:$0x0] =	sbarrier.arrive $0xFFFF  }
0x105: {  	v2 =	vld [tilespmem:$0x0];
	_ =	sdelay $0x1  }
0x106: {  	v3 =	vld [tilespmem:$0x10];
	_ =	sdelay $0x1  }
0x107: {  	v4 =	vld [tilespmem:$0x20]  }
0x108: {  	v5 =	vand.u32 $0x3FFF, v2  }
0x109: {  	v61 =	vld [tilespmem:$0x30];
	v2 =	vshrl.u32 v2, $0xE;
	[tilespmem:$0x2800] =	vst v5  }
0x10a: {  	[tilespmem:$0x2900] =	vst v2;
	v2 =	vand.u32 $0x3FFF, v3  }
0x10b: {  	[tilespmem:$0x2810] =	vst v2;
	v2 =	vshrl.u32 v3, $0xE;
	v3 =	vld [tilespmem:$0x40]  }
0x10c: {  	[tilespmem:$0x2910] =	vst v2;
	v2 =	vand.u32 $0x3FFF, v4  }
0x10d: {  	v62 =	vld [tilespmem:$0x50];
	[tilespmem:$0x2820] =	vst v2;
	v2 =	vshrl.u32 v4, $0xE  }
0x10e: {  	[tilespmem:$0x2920] =	vst v2;
	v2 =	vand.u32 $0x3FFF, v61  }
0x10f: {  	v63 =	vld [tilespmem:$0x60];
	[tilespmem:$0x2830] =	vst v2;
	v2 =	vshrl.u32 v61, $0xE  }
0x110: {  	[tilespmem:$0x2930] =	vst v2;
	v2 =	vand.u32 $0x3FFF, v3  }
0x111: {  	[tilespmem:$0x2840] =	vst v2;
	v2 =	vshrl.u32 v3, $0xE;
	v3 =	vld [tilespmem:$0x70]  }
0x112: {  	[tilespmem:$0x2940] =	vst v2;
	v2 =	vand.u32 $0x3FFF, v62  }
0x113: {  	[tilespmem:$0x2850] =	vst v2;
	v2 =	vshrl.u32 v62, $0xE  }
0x114: {  	[tilespmem:$0x2950] =	vst v2;
	v2 =	vand.u32 $0x3FFF, v63  }
0x115: {  	[tilespmem:$0x2860] =	vst v2;
	v2 =	vshrl.u32 v63, $0xE  }
0x116: {  	[tilespmem:$0x2960] =	vst v2;
	v2 =	vand.u32 $0x3FFF, v3  }
0x117: {  	[tilespmem:$0x2870] =	vst v2;
	v2 =	vshrl.u32 v3, $0xE  }
0x118: {  	s23 =	simm.s32 $0x0;
	s24 =	simm.s32 $0xF0;
	[tilespmem:$0x2970] =	vst v2  }
0x119: {  	[tilespmem:s17], [sflag:$0x1] =	stream.indirect.gather [hbm4b:s4+s16], $0x80, s18, s16, $0xb8;
	[tilespmem:$0x1EE00] =	vst v63  }
.LBB2_10:
0x11a: {  	p0 =	seq.s32 s23, $0x0  }
0x11b: {  	p1 =	seq.s32 @!p0 s23, $0x4F  }
0x11c: {  	_ =	swait.ge [sflag:s19], $0x4000;
	p1 =	por p0, !p1  }
.Ltmp6:
0x11d: {  	[sflag:s19] =	ssyncset.done $0x0;
	(pc) =	sbr.rel @!p1 .LBB2_12-.Ltmp6, $4  }
0x11e: {  	s28 =	simm.s32 @!p0 $0x2;
	[sflag:s19] =	ssyncadd.s32 $0xFFFFC000  }
0x11f: {  	s25 =	sand.u32 $0x1, s23;
	_ =	swait.ge @!p0 [sflag:s28], $0x4000  }
0x120: {  	s26 =	sshll.u32 s25, $0xE;
	[sflag:s28] =	ssyncset.done @!p0 $0x0  }
0x121: {  	s26 =	sor.u32 $0x2A00, s26;
	[sflag:s28] =	ssyncadd.s32 @!p0 $0xFFFFC000  }
0x122: {  	v2 =	vld [tilespmem:s24+$0xFFFFFF90];
	_ =	sdelay $0x3  }
0x123: {  	s28 =	sxor.u32 $0x1, s25  }
0x124: {  	s29 =	sshll.u32 s28, $0x7;
	v3 =	vand.u32 $0x3FFF, v2  }
0x125: {  	v2 =	vshrl.u32 v2, $0xE;
	[tilespmem:s29+$0x2800] =	vst v3  }
0x126: {  	[tilespmem:s29+$0x2900] =	vst v2  }
0x127: {  	v2 =	vld [tilespmem:s24+$0xFFFFFFA0];
	_ =	sdelay $0x4  }
0x128: {  	v3 =	vand.u32 $0x3FFF, v2  }
0x129: {  	v2 =	vshrl.u32 v2, $0xE;
	[tilespmem:s29+$0x2810] =	vst v3  }
0x12a: {  	[tilespmem:s29+$0x2910] =	vst v2  }
0x12b: {  	v2 =	vld [tilespmem:s24+$0xFFFFFFB0];
	_ =	sdelay $0x4  }
0x12c: {  	v3 =	vand.u32 $0x3FFF, v2  }
0x12d: {  	v2 =	vshrl.u32 v2, $0xE;
	[tilespmem:s29+$0x2820] =	vst v3  }
0x12e: {  	[tilespmem:s29+$0x2920] =	vst v2  }
0x12f: {  	v2 =	vld [tilespmem:s24+$0xFFFFFFC0];
	_ =	sdelay $0x4  }
0x130: {  	v3 =	vand.u32 $0x3FFF, v2  }
0x131: {  	v2 =	vshrl.u32 v2, $0xE;
	[tilespmem:s29+$0x2830] =	vst v3  }
0x132: {  	[tilespmem:s29+$0x2930] =	vst v2  }
0x133: {  	v2 =	vld [tilespmem:s24+$0xFFFFFFD0];
	_ =	sdelay $0x4  }
0x134: {  	v3 =	vand.u32 $0x3FFF, v2  }
0x135: {  	v2 =	vshrl.u32 v2, $0xE;
	[tilespmem:s29+$0x2840] =	vst v3  }
0x136: {  	[tilespmem:s29+$0x2940] =	vst v2  }
0x137: {  	v2 =	vld [tilespmem:s24+$0xFFFFFFE0];
	_ =	sdelay $0x4  }
0x138: {  	v3 =	vand.u32 $0x3FFF, v2  }
0x139: {  	v2 =	vshrl.u32 v2, $0xE;
	[tilespmem:s29+$0x2850] =	vst v3  }
0x13a: {  	[tilespmem:s29+$0x2950] =	vst v2  }
0x13b: {  	v2 =	vld [tilespmem:s24+$0xFFFFFFF0];
	_ =	sdelay $0x4  }
0x13c: {  	v3 =	vand.u32 $0x3FFF, v2  }
0x13d: {  	v2 =	vshrl.u32 v2, $0xE;
	[tilespmem:s29+$0x2860] =	vst v3  }
0x13e: {  	[tilespmem:s29+$0x2960] =	vst v2  }
0x13f: {  	v2 =	vld [tilespmem:s24+$0x0];
	_ =	sdelay $0x4  }
0x140: {  	v3 =	vand.u32 $0x3FFF, v2  }
.Ltmp7:
0x141: {  	s28 =	sshll.u32 s28, $0xE;
	v2 =	vshrl.u32 v2, $0xE;
	[tilespmem:s29+$0x2870] =	vst v3;
	(pc) =	sbr.rel .LBB2_10-.Ltmp7, $4  }
0x142: {  	s31 =	sshll.u32 s25, $0x7;
	s30 =	sor.u32 $0x2800, s29;
	s28 =	sor.u32 $0x2A00, s28;
	[tilespmem:s29+$0x2970] =	vst v2  }
0x143: {  	[tilespmem:s28], [sflag:$0x1] =	stream.indirect.gather [hbm4b:s4+s16], $0x80, s30, s16, $0xb8;
	[tilespmem:$0x1EE00] =	vst v63  }
0x144: {  	s23 =	sadd.s32 $0x1, s23;
	s25 =	sor.u32 $0x2900, s31;
	s24 =	sadd.s32 $0x80, s24  }
0x145: {  	[spmem:s1] =	stream.indirect.scatter.add.f32 [tilespmem:s26], [sflag:$0x2], $0x80, s25, s16, $0xb8;
	[tilespmem:$0x1EE00] =	vst v63  }
.LBB2_13:
0x146: {  	_ =	sfence.sel $0x180000  }
0x147: {  	[bflag:$0x0] =	sbarrier.arrive $0xFFFF  }
0x148: {  	p0 =	sne.s32 s2, $0x0;
	_ =	strace $0x90000047  }
0x149: {  	s0 =	sadd.s32 @!p0 $0x100000, s0;
	[bflag:$0x2] =	sbarrier.arrive $0xFFFF  }
0x14a: {  	[sflag:s0] =	ssyncadd.tile.s32 @!p0 $0x1;
	_ =	shalt  }
.Lfunc_end2:
_tile_overlayer_lowered:
.L_overlay_start_2:
0x14b: {  	(tag) =	ssettag $0x2  }
0x14c: {  	s0 =	rddreg [dreg:$0x0];
	s2 =	stileid.u32  }
0x14d: {  	s1 =	rddreg [dreg:$0x1];
	p0 =	sne.s32 s2, $0x0  }
0x14e: {  	s3 =	rddreg [dreg:$0x2];
	[bflag:$0x3] =	sbarrier.arrive $0xFFFF;
	s2 =	simm.s32 @!p0 $0x1C03  }
0x14f: {  	[timem:s3], [sflag:s2] =	dma.local @!p0 [hbm:s0], s1  }
0x150: {  	s0 =	simm.s32 @!p0 $0x3  }
0x151: {  	_ =	swait.ge @!p0 [sflag:s0], s1  }
0x152: {  	s1 =	ssub.s32 @!p0 $0x0, s1;
	[sflag:s0] =	ssyncset.done @!p0 $0x0  }
0x153: {  	[sflag:s0] =	ssyncadd.s32 @!p0 s1  }
0x154: {  	[bflag:$0x3] =	sbarrier.arrive $0xFFFF  }
0x155: {  	_ =	shalt  }

// kernel: kernel.9.cloned.1.call-start
scs
__scs_entry_jumppad:
0x0: {  	(pc) =	sbr.rel $0x88, $3  }
0x1: {  	(tag) =	ssettag $0x0;
	lr =	simm.s32 $0x1  }
0x2: {  	[smem:$0x3F99] =	sst lr;
	_ =	strace $0xD0000000  }
0x3: {  	_ = 	snop  }
0x4: {  	_ = 	snop  }
0x5: {  	_ = 	snop  }
0x6: {  	_ = 	snop  }
0x7: {  	_ = 	snop  }
__scs_overlays_trampoline_lowered:
0x8: {  	[smem:$0x3FA8] =	sst s0  }
0x9: {  	[smem:$0x3FA9] =	sst s1  }
0xa: {  	[smem:$0x3FAA] =	sst s2  }
0xb: {  	[smem:$0x3FAB] =	sst s3  }
0xc: {  	[smem:$0x3FAC] =	sst s4  }
0xd: {  	[smem:$0x3FAD] =	sst s5  }
0xe: {  	[smem:$0x3FAE] =	sst s6  }
0xf: {  	[smem:$0x3FAF] =	sst s7  }
0x10: {  	[smem:$0x3FB0] =	sst s8  }
0x11: {  	[smem:$0x3FB1] =	sst s9;
	s0 =	simm.s32 @!p0 $0x0  }
0x12: {  	s1 =	sld [smem:$0x3F97];
	s0 =	simm.s32 @p0 $0x1  }
0x13: {  	[smem:$0x3FB2] =	sst s0;
	s0 =	simm.s32 @!p1 $0x0  }
0x14: {  	s2 =	sld [smem:$0x3F96];
	s0 =	simm.s32 @p1 $0x1  }
0x15: {  	[smem:$0x3FB3] =	sst s0;
	s0 =	simm.s32 @!p2 $0x0  }
0x16: {  	s3 =	sld [smem:$0x3FDB];
	s0 =	simm.s32 @p2 $0x1  }
0x17: {  	s4 =	simm.s32 $0x1BF5;
	[smem:$0x3FB5] =	sst s0  }
0x18: {  	s0 =	sld [smem:$0x3F98];
	_ =	swait.ge [sflag:s4], $0x0  }
0x19: {  	s7 =	sld [smem:$0x3F99]  }
0x1a: {  	s8 =	sadd.s32 $0xFFFFE003, lr  }
0x1b: {  	s9 =	sadd.s32 $0xFFFFFEF7, lr;
	s5 =	simm.s32 $0xFFFFFFFF;
	p2 =	slt.u32 s8, $0xFFFFF086  }
0x1c: {  	p1 =	slt.u32 s9, $0xF7A;
	s5 =	simm.s32 @!p2 $0x0  }
0x1d: {  	s5 =	simm.s32 @p1 $0x1;
	p0 =	seq.s32 s7, s2  }
0x1e: {  	s7 =	smul.u32 @!p0 $0xF7A, s2;
	p2 =	seq.s32 @!p0 s5, $0x0  }
0x1f: {  	s9 =	smul.u32 $0xF7A, s1;
	s8 =	simm.s32 @!p0 $0x1BF5;
	p2 =	por !p2, p0  }
0x20: {  	[sflag:s8] =	ssyncset.s32 @!p0 $0xFFFFF086;
	s6 =	sadd.s32 @!p0 s3, s7;
	s7 =	simm.s32 @!p0 $0x108  }
0x21: {  	s3 =	sadd.s32 s3, s9;
	s6 =	sadd.s32 @!p0 $0x88, s6;
	s7 =	simm.s32 @p2 $0x1082  }
0x22: {  	[simem:s7], [sflag:s8] =	dma.local @!p0 [hbm:s6], $0xF7A  }
0x23: {  	s9 =	sor.u32 $0xD0000000, s2;
	s6 =	simm.s32 $0x108;
	_ =	swait.ge @!p0 [sflag:s8], $0x0  }
0x24: {  	s3 =	sadd.s32 $0x88, s3;
	s6 =	simm.s32 @!p1 $0x1082;
	[sflag:s4] =	ssyncset.s32 $0xFFFFF086  }
0x25: {  	[simem:s6], [sflag:s4] =	dma.local [hbm:s3], $0xF7A  }
0x26: {  	[smem:$0x3F99] =	sst s1;
	(tag) =	ssettag s2;
	_ =	strace s9  }
0x27: {  	s1 =	sld [smem:$0x3FA9]  }
0x28: {  	s2 =	sld [smem:$0x3FAA]  }
0x29: {  	s4 =	sld [smem:$0x3FAC]  }
0x2a: {  	p0 =	seq.s32 s5, $0x0;
	s5 =	sld [smem:$0x3FAD]  }
0x2b: {  	s6 =	sld [smem:$0x3FAE]  }
0x2c: {  	s7 =	sld [smem:$0x3FAF]  }
0x2d: {  	s3 =	simm.s32 $0x108;
	s8 =	sld [smem:$0x3FB0]  }
0x2e: {  	s3 =	simm.s32 @!p0 $0x1082;
	s9 =	sld [smem:$0x3FB1]  }
0x2f: {  	lr =	sadd.s32 s0, s3;
	s0 =	sld [smem:$0x3FA8]  }
0x30: {  	s3 =	sld [smem:$0x3FAB]  }
0x31: {  	[smem:$0x3FB4] =	sst s10  }
0x32: {  	s10 =	sld [smem:$0x3FB2];
	_ =	sdelay $0x3  }
0x33: {  	p0 =	seq.s32 s10, $0x1;
	s10 =	sld [smem:$0x3FB4];
	_ =	sdelay $0x3  }
0x34: {  	[smem:$0x3FB4] =	sst s10  }
0x35: {  	s10 =	sld [smem:$0x3FB3];
	_ =	sdelay $0x3  }
0x36: {  	p1 =	seq.s32 s10, $0x1;
	s10 =	sld [smem:$0x3FB4];
	_ =	sdelay $0x3  }
0x37: {  	[smem:$0x3FB4] =	sst s10  }
0x38: {  	s10 =	sld [smem:$0x3FB5]  }
0x39: {  	_ = 	snop;
	(pc) =	sbr.ind lr, $3  }
0x3a: {  	_ = 	snop  }
0x3b: {  	_ = 	snop  }
0x3c: {  	p2 =	seq.s32 s10, $0x1;
	s10 =	sld [smem:$0x3FB4]  }
0x3d: {  	_ =	shalt  }
0x3e: {  	_ =	shalt  }
0x3f: {  	_ =	shalt  }
0x40: {  	_ =	shalt  }
0x41: {  	_ =	shalt  }
0x42: {  	_ =	shalt  }
0x43: {  	_ =	shalt  }
0x44: {  	_ =	shalt  }
0x45: {  	_ =	shalt  }
0x46: {  	_ =	shalt  }
0x47: {  	_ =	shalt  }
0x48: {  	_ =	shalt  }
0x49: {  	_ =	shalt  }
0x4a: {  	_ =	shalt  }
0x4b: {  	_ =	shalt  }
0x4c: {  	_ =	shalt  }
0x4d: {  	_ =	shalt  }
0x4e: {  	_ =	shalt  }
0x4f: {  	_ =	shalt  }
0x50: {  	_ =	shalt  }
0x51: {  	_ =	shalt  }
0x52: {  	_ =	shalt  }
0x53: {  	_ =	shalt  }
0x54: {  	_ =	shalt  }
0x55: {  	_ =	shalt  }
0x56: {  	_ =	shalt  }
0x57: {  	_ =	shalt  }
0x58: {  	_ =	shalt  }
0x59: {  	_ =	shalt  }
0x5a: {  	_ =	shalt  }
0x5b: {  	_ =	shalt  }
0x5c: {  	_ =	shalt  }
0x5d: {  	_ =	shalt  }
0x5e: {  	_ =	shalt  }
0x5f: {  	_ =	shalt  }
0x60: {  	_ =	shalt  }
0x61: {  	_ =	shalt  }
0x62: {  	_ =	shalt  }
0x63: {  	_ =	shalt  }
0x64: {  	_ =	shalt  }
0x65: {  	_ =	shalt  }
0x66: {  	_ =	shalt  }
0x67: {  	_ =	shalt  }
0x68: {  	_ =	shalt  }
0x69: {  	_ =	shalt  }
0x6a: {  	_ =	shalt  }
0x6b: {  	_ =	shalt  }
0x6c: {  	_ =	shalt  }
0x6d: {  	_ =	shalt  }
0x6e: {  	_ =	shalt  }
0x6f: {  	_ =	shalt  }
0x70: {  	_ =	shalt  }
0x71: {  	_ =	shalt  }
0x72: {  	_ =	shalt  }
0x73: {  	_ =	shalt  }
0x74: {  	_ =	shalt  }
0x75: {  	_ =	shalt  }
0x76: {  	_ =	shalt  }
0x77: {  	_ =	shalt  }
0x78: {  	_ =	shalt  }
0x79: {  	_ =	shalt  }
0x7a: {  	_ =	shalt  }
0x7b: {  	_ =	shalt  }
0x7c: {  	_ =	shalt  }
0x7d: {  	_ =	shalt  }
0x7e: {  	_ =	shalt  }
0x7f: {  	_ =	shalt  }
0x80: {  	_ =	shalt  }
0x81: {  	_ =	shalt  }
0x82: {  	_ =	shalt  }
0x83: {  	_ =	shalt  }
0x84: {  	_ =	shalt  }
0x85: {  	_ =	shalt  }
0x86: {  	_ =	shalt  }
0x87: {  	_ =	shalt  }
.Lfunc_end0:
.L_simem_size_0:
called_computation.1_lowered:
.L_overlay_start_0:
0x88: {  	s2 =	sld [smem:$0x3FD9]  }
0x89: {  	s3 =	sld [smem:$0x3FFE];
	_ =	sdelay $0x1  }
0x8a: {  	s1 =	srdreg.scid  }
0x8b: {  	s0 =	sand.u32 $0x1, s1  }
0x8c: {  	s17 =	sshll.u32 s0, $0xA;
	s2 =	sadd.s32 s3, s2  }
0x8d: {  	s2 =	sadd.s32 s2, s17  }
0x8e: {  	[smem:$0x3FC0] =	sst s2  }
0x8f: {  	_ = 	snop  }
0x90: {  	s2 =	sld [smem:$0x3FD0];
	(tm) =	ssettm $0x1  }
0x91: {  	s18 =	sld [smem:$0x3FFB];
	_ =	sdelay $0x3  }
0x92: {  	_ =	strace s18  }
0x93: {  	s3 =	sld [smem:$0x3FFC];
	_ =	sdelay $0x3  }
0x94: {  	_ =	strace s3  }
0x95: {  	s3 =	sld [smem:$0x3FFD];
	_ =	sdelay $0x3  }
0x96: {  	_ =	strace s3  }
0x97: {  	_ =	strace $0x8FFFFFFF  }
0x98: {  	s19 =	sld [smem:$0x3FDB];
	_ =	sdelay $0x1  }
0x99: {  	s4 =	simm.s32 $_scs_section_size  }
0x9a: {  	s5 =	simm.s32 $_size__tile_overlayer_lowered;
	s6 =	simm.s32 $_tile_overlayer_lowered  }
0x9b: {  	s22 =	simm.s32 $0x1BFF;
	s21 =	sshll.u32 s6, $0x1;
	s3 =	sadd.s32 s4, s19  }
0x9c: {  	s7 =	simm.s32 $0x0;
	s20 =	sshll.u32 s5, $0x1;
	s5 =	sadd.s32 s21, s3  }
0x9d: {  	[timem:s7], [sflag:s22] =	dma.local [hbm:s5], s20  }
0x9e: {  	_ =	swait.ge [sflag:s22], s20  }
0x9f: {  	s4 =	ssub.s32 $0x0, s20;
	[sflag:s22] =	ssyncset.done $0x0  }
0xa0: {  	[sflag:s22] =	ssyncadd.s32 s4;
	_ =	sdelay $0x1  }
0xa1: {  	s23 =	simm.s32 $0x1B8B  }
0xa2: {  	_ =	swait.ge [sflag:s23], $0x1  }
0xa3: {  	[sflag:s23] =	ssyncset.done $0x0  }
0xa4: {  	s25 =	simm.s32 $0x1B8E;
	s24 =	sld [smem:$0x3FFE];
	[sflag:s23] =	ssyncadd.s32 $0xFFFFFFFF  }
0xa5: {  	s26 =	simm.s32 $execute0_lowered;
	[smem:$0x3FD2] =	sst s25  }
0xa6: {  	s5 =	sshll.u32 s26, $0x1;
	_ =	strace $0x80000049;
	[dreg:$0x1] =	wrdreg $0xFFFFFFFF  }
0xa7: {  	s28 =	simm.s32 $_size_execute0_lowered;
	s3 =	sadd.s32 s3, s5;
	[dreg:$0x0] =	wrdreg $0x0  }
0xa8: {  	s5 =	sshll.u32 s28, $0x1;
	[dreg:$0x2] =	wrdreg s3  }
0xa9: {  	[dreg:$0x3] =	wrdreg s5  }
0xaa: {  	[dreg:$0x4] =	wrdreg $0xC0  }
0xab: {  	_ =	task [dreg:s7], $0x5FFFF  }
0xac: {  	[dreg:$0x1] =	wrdreg $0xFFFFFFFF  }
0xad: {  	[dreg:$0x0] =	wrdreg $0x60  }
0xae: {  	[dreg:$0x2] =	wrdreg s24  }
0xaf: {  	[dreg:$0x3] =	wrdreg s2  }
0xb0: {  	[dreg:$0x4] =	wrdreg $0xAE000  }
0xb1: {  	[dreg:$0x5] =	wrdreg $0x9  }
0xb2: {  	_ =	task.clear_ibuf [dreg:s7], $0x6FFFF;
	_ =	strace $0x90000049  }
0xb3: {  	s29 =	simm.s32 $0x9;
	_ =	strace $0x8000004B  }
0xb4: {  	_ =	swait.ge [sflag:s29], $0x1  }
0xb5: {  	[sflag:s29] =	ssyncadd.s32 $0xFFFFFFFF  }
0xb6: {  	_ =	strace $0x9000004B  }
0xb7: {  	_ =	sfence  }
0xb8: {  	s30 =	sld [smem:$0x0];
	_ =	sdelay $0x2  }
0xb9: {  	s31 =	sshll.u32 s1, $0xD;
	s1 =	sshrl.u32 s1, $0x2  }
0xba: {  	s3 =	sand.u32 $0x4000, s31;
	s1 =	sadd.s32 s1, s30  }
0xbb: {  	s0 =	sor.u32 s3, s0;
	s1 =	sshll.u32 s1, $0x11  }
0xbc: {  	s0 =	sor.u32 s1, s0  }
0xbd: {  	s0 =	sadd.s32 $0x8F2B, s0  }
0xbe: {  	[sflag:s0] =	ssyncadd.remote.s32 $0x1  }
0xbf: {  	_ =	sfence.sel $0xFFFF  }
0xc0: {  	[dreg:$0x0] =	wrdreg $0xFFFFFFFF;
	(pc) =	sbr.abs _section_cstart, $3  }
0xc1: {  	[dreg:$0x1] =	wrdreg $0xFFFFFFFF  }
0xc2: {  	_ =	task.clear_ibuf [dreg:s7], $0x2FFFF;
	_ =	strace $0x9FFFFFFF  }
0xc3: {  	(tm) =	ssettm $0x7FFFFFFF  }
tec
execute0_lowered:
.L_overlay_start_1:
0x0: {  	(tag) =	ssettag $0x1  }
0x1: {  	s5 =	rddreg [dreg:$0x0]  }
0x2: {  	s6 =	rddreg [dreg:$0x1]  }
0x3: {  	s1 =	rddreg [dreg:$0x2];
	s2 =	srdreg.scid  }
0x4: {  	s0 =	rddreg [dreg:$0x3];
	s3 =	simm.s32 $0x0;
	s12 =	simm.s32 $0xAA00  }
0x5: {  	s13 =	simm.s32 $0x2;
	s14 =	simm.s32 $0x3;
	s15 =	simm.s32 $0x80  }
0x6: {  	s16 =	simm.s32 $0x2800;
	s17 =	simm.s32 $0x2A00;
	s18 =	simm.s32 $0x1  }
0x7: {  	s19 =	simm.s32 $0x2980;
	s7 =	sand.u32 $0x1, s2;
	s2 =	stileid.u32  }
0x8: {  	[smem:$0x7FF] =	sst s3;
	s4 =	sadd.s32 $0x2200, s5;
	s8 =	smul.u32 $0x140000, s7  }
0x9: {  	s9 =	smul.u32 $0x14000, s2;
	_ =	strace $0x8000004A;
	s29 =	sshll.u32 s2, $0x1  }
0xa: {  	s10 =	ssub.s32 $0x2, s7;
	s30 =	smul.u32 $0x50000, s2;
	s7 =	sor.u32 s7, s29  }
0xb: {  	s20 =	sshll.u32 s2, $0x6;
	s11 =	sshrl.u32 s10, $0x1;
	s7 =	smul.u32 $0x500, s7  }
.Ltmp0:
0xc: {  	s20 =	sor.u32 $0x1C03, s20;
	s8 =	sadd.s32 s9, s8;
	(pc) =	sbr.rel .LBB2_1-.Ltmp0, $4  }
0xd: {  	s10 =	ssub.s32 s10, s11;
	s31 =	sshrl.u32 s30, $0x2;
	s8 =	sshrl.u32 s8, $0x3  }
0xe: {  	s8 =	sadd.s32 s8, s5;
	s5 =	sadd.s32 s31, s1;
	s6 =	sadd.s32 s6, s7  }
0xf: {  	s7 =	sadd.s32 $0x2A200, s8;
	s8 =	smax.u32 s10, $0x1;
	s9 =	sadd.s32 $0x400, s5  }
0x10: {  	v0 =	vimm.f32 $0.0e+00;
	s10 =	sadd.s32 $0x800, s5;
	s11 =	sadd.s32 $0xC00, s5;
	s21 =	sshrl.u32 s5, $0x3  }
.LBB2_6:
0x11: {  	[spmem:s1] =	stream.indirect.scatter.add.f32 [tilespmem:s25], [sflag:$0x2], $0x80, s19, s15, $0xb8;
	[tilespmem:$0x1EE00] =	vst v63  }
0x12: {  	_ =	swait.ge [sflag:s13], $0x4000  }
0x13: {  	s3 =	sadd.s32 $0x1, s3;
	[sflag:s13] =	ssyncset.done $0x0  }
0x14: {  	p0 =	sne.s32 s3, s8;
	[sflag:s13] =	ssyncadd.s32 $0xFFFFC000  }
.Ltmp1:
0x15: {  	[bflag:$0x0] =	sbarrier.arrive $0xFFFF;
	(pc) =	sbr.rel @!p0 .LBB2_7-.Ltmp1, $4  }
0x16: {  	[hbm:s7], [sflag:s20] =	dma.local [spmem:s21], $0x2800  }
0x17: {  	_ =	swait.ge [sflag:s14], $0x2800  }
0x18: {  	[sflag:s14] =	ssyncset.done $0x0  }
0x19: {  	[sflag:s14] =	ssyncadd.s32 $0xFFFFD800  }
.LBB2_1:
0x1a: {  	[tilespmem:$0xAA00] =	vst v0  }
0x1b: {  	[tilespmem:$0xAA10] =	vst v0  }
0x1c: {  	[tilespmem:$0xAA20] =	vst v0  }
0x1d: {  	[tilespmem:$0xAA30] =	vst v0  }
0x1e: {  	[tilespmem:$0xAA40] =	vst v0  }
0x1f: {  	[tilespmem:$0xAA50] =	vst v0  }
0x20: {  	[tilespmem:$0xAA60] =	vst v0  }
0x21: {  	[tilespmem:$0xAA70] =	vst v0  }
0x22: {  	[tilespmem:$0xAA80] =	vst v0  }
0x23: {  	[tilespmem:$0xAA90] =	vst v0  }
0x24: {  	[tilespmem:$0xAAA0] =	vst v0  }
0x25: {  	[tilespmem:$0xAAB0] =	vst v0  }
0x26: {  	[tilespmem:$0xAAC0] =	vst v0  }
0x27: {  	[tilespmem:$0xAAD0] =	vst v0  }
0x28: {  	[tilespmem:$0xAAE0] =	vst v0  }
0x29: {  	[tilespmem:$0xAAF0] =	vst v0  }
0x2a: {  	[tilespmem:$0xAB00] =	vst v0  }
0x2b: {  	[tilespmem:$0xAB10] =	vst v0  }
0x2c: {  	[tilespmem:$0xAB20] =	vst v0  }
0x2d: {  	[tilespmem:$0xAB30] =	vst v0  }
0x2e: {  	[tilespmem:$0xAB40] =	vst v0  }
0x2f: {  	[tilespmem:$0xAB50] =	vst v0  }
0x30: {  	[tilespmem:$0xAB60] =	vst v0  }
0x31: {  	[tilespmem:$0xAB70] =	vst v0  }
0x32: {  	[tilespmem:$0xAB80] =	vst v0  }
0x33: {  	[tilespmem:$0xAB90] =	vst v0  }
0x34: {  	[tilespmem:$0xABA0] =	vst v0  }
0x35: {  	[tilespmem:$0xABB0] =	vst v0  }
0x36: {  	[tilespmem:$0xABC0] =	vst v0  }
0x37: {  	[tilespmem:$0xABD0] =	vst v0  }
0x38: {  	[tilespmem:$0xABE0] =	vst v0  }
0x39: {  	[tilespmem:$0xABF0] =	vst v0  }
0x3a: {  	[tilespmem:$0xAC00] =	vst v0  }
0x3b: {  	[tilespmem:$0xAC10] =	vst v0  }
0x3c: {  	[tilespmem:$0xAC20] =	vst v0  }
0x3d: {  	[tilespmem:$0xAC30] =	vst v0  }
0x3e: {  	[tilespmem:$0xAC40] =	vst v0  }
0x3f: {  	[tilespmem:$0xAC50] =	vst v0  }
0x40: {  	[tilespmem:$0xAC60] =	vst v0  }
0x41: {  	[tilespmem:$0xAC70] =	vst v0  }
0x42: {  	[tilespmem:$0xAC80] =	vst v0  }
0x43: {  	[tilespmem:$0xAC90] =	vst v0  }
0x44: {  	[tilespmem:$0xACA0] =	vst v0  }
0x45: {  	[tilespmem:$0xACB0] =	vst v0  }
0x46: {  	[tilespmem:$0xACC0] =	vst v0  }
0x47: {  	[tilespmem:$0xACD0] =	vst v0  }
0x48: {  	[tilespmem:$0xACE0] =	vst v0  }
0x49: {  	[tilespmem:$0xACF0] =	vst v0  }
0x4a: {  	[tilespmem:$0xAD00] =	vst v0  }
0x4b: {  	[tilespmem:$0xAD10] =	vst v0  }
0x4c: {  	[tilespmem:$0xAD20] =	vst v0  }
0x4d: {  	[tilespmem:$0xAD30] =	vst v0  }
0x4e: {  	[tilespmem:$0xAD40] =	vst v0  }
0x4f: {  	[tilespmem:$0xAD50] =	vst v0  }
0x50: {  	[tilespmem:$0xAD60] =	vst v0  }
0x51: {  	[tilespmem:$0xAD70] =	vst v0  }
0x52: {  	[tilespmem:$0xAD80] =	vst v0  }
0x53: {  	[tilespmem:$0xAD90] =	vst v0  }
0x54: {  	[tilespmem:$0xADA0] =	vst v0  }
0x55: {  	[tilespmem:$0xADB0] =	vst v0  }
0x56: {  	[tilespmem:$0xADC0] =	vst v0  }
0x57: {  	[tilespmem:$0xADD0] =	vst v0  }
0x58: {  	[tilespmem:$0xADE0] =	vst v0  }
0x59: {  	[tilespmem:$0xADF0] =	vst v0  }
0x5a: {  	[spmem:s5] =	stream.linear.scatter [tilespmem:s12], [sflag:$0x2], $0x400, $0x38;
	[tilespmem:$0x1EE00] =	vst v63  }
0x5b: {  	_ = 	snop  }
0x5c: {  	[spmem:s9] =	stream.linear.scatter [tilespmem:s12], [sflag:$0x2], $0x400, $0x38;
	[tilespmem:$0x1EE00] =	vst v63  }
0x5d: {  	_ = 	snop  }
0x5e: {  	[spmem:s10] =	stream.linear.scatter [tilespmem:s12], [sflag:$0x2], $0x400, $0x38;
	[tilespmem:$0x1EE00] =	vst v63  }
0x5f: {  	_ = 	snop  }
0x60: {  	[spmem:s11] =	stream.linear.scatter [tilespmem:s12], [sflag:$0x2], $0x400, $0x38;
	[tilespmem:$0x1EE00] =	vst v63  }
0x61: {  	_ =	swait.ge [sflag:s13], $0x400  }
0x62: {  	[sflag:s13] =	ssyncset.done $0x0  }
0x63: {  	s22 =	simm.s32 $0x5000;
	s23 =	sadd.s32 $0x1000, s5;
	[sflag:s13] =	ssyncadd.s32 $0xFFFFFC00  }
.LBB2_2:
0x64: {  	[spmem:s23] =	stream.linear.scatter [tilespmem:s12], [sflag:$0x2], $0x400, $0x38;
	[tilespmem:$0x1EE00] =	vst v63  }
0x65: {  	s23 =	smov.u32 s22;
	p0 =	sne.s32 s22, $0x4F000  }
.Ltmp2:
0x66: {  	s22 =	sadd.s32 $0x1000, s22;
	(pc) =	sbr.rel @p0 .LBB2_2-.Ltmp2, $4  }
0x67: {  	_ = 	snop  }
0x68: {  	_ =	swait.ge [sflag:s13], $0x400  }
0x69: {  	s23 =	sshra.s32 s23, $0x2;
	[sflag:s13] =	ssyncset.done $0x0  }
0x6a: {  	s23 =	sadd.s32 s23, s5;
	[sflag:s13] =	ssyncadd.s32 $0xFFFFFC00  }
0x6b: {  	[spmem:s23] =	stream.linear.scatter [tilespmem:s12], [sflag:$0x2], $0x400, $0x38;
	[tilespmem:$0x1EE00] =	vst v63  }
0x6c: {  	s22 =	simm.s32 $0x0  }
0x6d: {  	[tilespmem:s22], [sflag:$0x3] =	stream.linear.gather [hbm4b:s6+s22], $0x2800, $0x38;
	[tilespmem:$0x1EE00] =	vst v63  }
0x6e: {  	_ =	swait.ge [sflag:s14], $0x2800  }
0x6f: {  	[sflag:s14] =	ssyncset.done $0x0  }
0x70: {  	[sflag:s14] =	ssyncadd.s32 $0xFFFFD800  }
0x71: {  	_ =	swait.ge [sflag:s13], $0x400  }
0x72: {  	[sflag:s13] =	ssyncset.done $0x0  }
0x73: {  	[sflag:s13] =	ssyncadd.s32 $0xFFFFFC00  }
0x74: {  	_ =	swait.ge [sflag:s13], $0x400  }
0x75: {  	[sflag:s13] =	ssyncset.done $0x0  }
0x76: {  	[sflag:s13] =	ssyncadd.s32 $0xFFFFFC00  }
0x77: {  	_ =	swait.ge [sflag:s13], $0x400  }
0x78: {  	[sflag:s13] =	ssyncset.done $0x0  }
0x79: {  	[sflag:s13] =	ssyncadd.s32 $0xFFFFFC00  }
0x7a: {  	_ =	swait.ge [sflag:s13], $0x400  }
0x7b: {  	[sflag:s13] =	ssyncset.done $0x0  }
0x7c: {  	[sflag:s13] =	ssyncadd.s32 $0xFFFFFC00  }
0x7d: {  	[bflag:$0x0] =	sbarrier.arrive $0xFFFF  }
0x7e: {  	v1 =	vld [tilespmem:$0x0];
	_ =	sdelay $0x1  }
0x7f: {  	v2 =	vld [tilespmem:$0x10];
	_ =	sdelay $0x1  }
0x80: {  	v3 =	vld [tilespmem:$0x20]  }
0x81: {  	v4 =	vand.u32 $0x3FFF, v1  }
0x82: {  	v62 =	vld [tilespmem:$0x30];
	v1 =	vshrl.u32 v1, $0xE;
	[tilespmem:$0x2800] =	vst v4  }
0x83: {  	[tilespmem:$0x2900] =	vst v1;
	v1 =	vand.u32 $0x3FFF, v2  }
0x84: {  	[tilespmem:$0x2810] =	vst v1;
	v1 =	vshrl.u32 v2, $0xE;
	v2 =	vld [tilespmem:$0x40]  }
0x85: {  	[tilespmem:$0x2910] =	vst v1;
	v1 =	vand.u32 $0x3FFF, v3  }
0x86: {  	[tilespmem:$0x2820] =	vst v1;
	v1 =	vshrl.u32 v3, $0xE;
	v3 =	vld [tilespmem:$0x50]  }
0x87: {  	[tilespmem:$0x2920] =	vst v1;
	v1 =	vand.u32 $0x3FFF, v62  }
0x88: {  	v63 =	vld [tilespmem:$0x60];
	[tilespmem:$0x2830] =	vst v1;
	v1 =	vshrl.u32 v62, $0xE  }
0x89: {  	[tilespmem:$0x2930] =	vst v1;
	v1 =	vand.u32 $0x3FFF, v2  }
0x8a: {  	[tilespmem:$0x2840] =	vst v1;
	v1 =	vshrl.u32 v2, $0xE;
	v2 =	vld [tilespmem:$0x70]  }
0x8b: {  	[tilespmem:$0x2940] =	vst v1;
	v1 =	vand.u32 $0x3FFF, v3  }
0x8c: {  	[tilespmem:$0x2850] =	vst v1;
	v1 =	vshrl.u32 v3, $0xE  }
0x8d: {  	[tilespmem:$0x2950] =	vst v1;
	v1 =	vand.u32 $0x3FFF, v63  }
0x8e: {  	[tilespmem:$0x2860] =	vst v1;
	v1 =	vshrl.u32 v63, $0xE  }
0x8f: {  	[tilespmem:$0x2960] =	vst v1;
	v1 =	vand.u32 $0x3FFF, v2  }
0x90: {  	[tilespmem:$0x2870] =	vst v1;
	v1 =	vshrl.u32 v2, $0xE  }
0x91: {  	s23 =	simm.s32 $0xF0;
	[tilespmem:$0x2970] =	vst v1  }
0x92: {  	[tilespmem:s17], [sflag:$0x1] =	stream.indirect.gather [hbm4b:s4+s15], $0x80, s16, s15, $0xb8;
	[tilespmem:$0x1EE00] =	vst v63  }
.LBB2_4:
0x93: {  	p0 =	seq.s32 s22, $0x0  }
0x94: {  	p1 =	seq.s32 @!p0 s22, $0x4F  }
0x95: {  	_ =	swait.ge [sflag:s18], $0x4000;
	p1 =	por p0, !p1  }
.Ltmp3:
0x96: {  	[sflag:s18] =	ssyncset.done $0x0;
	(pc) =	sbr.rel @!p1 .LBB2_6-.Ltmp3, $4  }
0x97: {  	s26 =	simm.s32 @!p0 $0x2;
	[sflag:s18] =	ssyncadd.s32 $0xFFFFC000  }
0x98: {  	s24 =	sand.u32 $0x1, s22;
	_ =	swait.ge @!p0 [sflag:s26], $0x4000  }
0x99: {  	s25 =	sshll.u32 s24, $0xE;
	[sflag:s26] =	ssyncset.done @!p0 $0x0  }
0x9a: {  	s25 =	sor.u32 $0x2A00, s25;
	[sflag:s26] =	ssyncadd.s32 @!p0 $0xFFFFC000  }
0x9b: {  	v1 =	vld [tilespmem:s23+$0xFFFFFF90];
	_ =	sdelay $0x3  }
0x9c: {  	s26 =	sxor.u32 $0x1, s24  }
0x9d: {  	s28 =	sshll.u32 s26, $0x7;
	v2 =	vand.u32 $0x3FFF, v1  }
0x9e: {  	v1 =	vshrl.u32 v1, $0xE;
	[tilespmem:s28+$0x2800] =	vst v2  }
0x9f: {  	[tilespmem:s28+$0x2900] =	vst v1  }
0xa0: {  	v1 =	vld [tilespmem:s23+$0xFFFFFFA0];
	_ =	sdelay $0x4  }
0xa1: {  	v2 =	vand.u32 $0x3FFF, v1  }
0xa2: {  	v1 =	vshrl.u32 v1, $0xE;
	[tilespmem:s28+$0x2810] =	vst v2  }
0xa3: {  	[tilespmem:s28+$0x2910] =	vst v1  }
0xa4: {  	v1 =	vld [tilespmem:s23+$0xFFFFFFB0];
	_ =	sdelay $0x4  }
0xa5: {  	v2 =	vand.u32 $0x3FFF, v1  }
0xa6: {  	v1 =	vshrl.u32 v1, $0xE;
	[tilespmem:s28+$0x2820] =	vst v2  }
0xa7: {  	[tilespmem:s28+$0x2920] =	vst v1  }
0xa8: {  	v1 =	vld [tilespmem:s23+$0xFFFFFFC0];
	_ =	sdelay $0x4  }
0xa9: {  	v2 =	vand.u32 $0x3FFF, v1  }
0xaa: {  	v1 =	vshrl.u32 v1, $0xE;
	[tilespmem:s28+$0x2830] =	vst v2  }
0xab: {  	[tilespmem:s28+$0x2930] =	vst v1  }
0xac: {  	v1 =	vld [tilespmem:s23+$0xFFFFFFD0];
	_ =	sdelay $0x4  }
0xad: {  	v2 =	vand.u32 $0x3FFF, v1  }
0xae: {  	v1 =	vshrl.u32 v1, $0xE;
	[tilespmem:s28+$0x2840] =	vst v2  }
0xaf: {  	[tilespmem:s28+$0x2940] =	vst v1  }
0xb0: {  	v1 =	vld [tilespmem:s23+$0xFFFFFFE0];
	_ =	sdelay $0x4  }
0xb1: {  	v2 =	vand.u32 $0x3FFF, v1  }
0xb2: {  	v1 =	vshrl.u32 v1, $0xE;
	[tilespmem:s28+$0x2850] =	vst v2  }
0xb3: {  	[tilespmem:s28+$0x2950] =	vst v1  }
0xb4: {  	v1 =	vld [tilespmem:s23+$0xFFFFFFF0];
	_ =	sdelay $0x4  }
0xb5: {  	v2 =	vand.u32 $0x3FFF, v1  }
0xb6: {  	v1 =	vshrl.u32 v1, $0xE;
	[tilespmem:s28+$0x2860] =	vst v2  }
0xb7: {  	[tilespmem:s28+$0x2960] =	vst v1  }
0xb8: {  	v1 =	vld [tilespmem:s23+$0x0];
	_ =	sdelay $0x4  }
0xb9: {  	v2 =	vand.u32 $0x3FFF, v1  }
.Ltmp4:
0xba: {  	s26 =	sshll.u32 s26, $0xE;
	v1 =	vshrl.u32 v1, $0xE;
	[tilespmem:s28+$0x2870] =	vst v2;
	(pc) =	sbr.rel .LBB2_4-.Ltmp4, $4  }
0xbb: {  	s31 =	sshll.u32 s24, $0x7;
	s29 =	sor.u32 $0x2800, s28;
	s26 =	sor.u32 $0x2A00, s26;
	[tilespmem:s28+$0x2970] =	vst v1  }
0xbc: {  	[tilespmem:s26], [sflag:$0x1] =	stream.indirect.gather [hbm4b:s4+s15], $0x80, s29, s15, $0xb8;
	[tilespmem:$0x1EE00] =	vst v63  }
0xbd: {  	s22 =	sadd.s32 $0x1, s22;
	s24 =	sor.u32 $0x2900, s31;
	s23 =	sadd.s32 $0x80, s23  }
0xbe: {  	[spmem:s1] =	stream.indirect.scatter.add.f32 [tilespmem:s25], [sflag:$0x2], $0x80, s24, s15, $0xb8;
	[tilespmem:$0x1EE00] =	vst v63  }
.LBB2_7:
0xbf: {  	_ =	sfence.sel $0x180000  }
0xc0: {  	[bflag:$0x0] =	sbarrier.arrive $0xFFFF  }
0xc1: {  	p0 =	sne.s32 s2, $0x0;
	_ =	strace $0x9000004A  }
0xc2: {  	s0 =	sadd.s32 @!p0 $0x100000, s0;
	[bflag:$0x2] =	sbarrier.arrive $0xFFFF  }
0xc3: {  	[sflag:s0] =	ssyncadd.tile.s32 @!p0 $0x1;
	_ =	shalt  }
.Lfunc_end2:
_tile_overlayer_lowered:
.L_overlay_start_2:
0xc4: {  	(tag) =	ssettag $0x2  }
0xc5: {  	s0 =	rddreg [dreg:$0x0];
	s2 =	stileid.u32  }
0xc6: {  	s1 =	rddreg [dreg:$0x1];
	p0 =	sne.s32 s2, $0x0  }
0xc7: {  	s3 =	rddreg [dreg:$0x2];
	[bflag:$0x3] =	sbarrier.arrive $0xFFFF;
	s2 =	simm.s32 @!p0 $0x1C03  }
0xc8: {  	[timem:s3], [sflag:s2] =	dma.local @!p0 [hbm:s0], s1  }
0xc9: {  	s0 =	simm.s32 @!p0 $0x3  }
0xca: {  	_ =	swait.ge @!p0 [sflag:s0], s1  }
0xcb: {  	s1 =	ssub.s32 @!p0 $0x0, s1;
	[sflag:s0] =	ssyncset.done @!p0 $0x0  }
0xcc: {  	[sflag:s0] =	ssyncadd.s32 @!p0 s1  }
0xcd: {  	[bflag:$0x3] =	sbarrier.arrive $0xFFFF  }
0xce: {  	_ =	shalt  }

</sc_bundles>
